<compile_context>
chip_gen: v7x
topology: tpu7x:2x2x1
jax: 0.10.2.dev20260603
libtpu: 0.0.44.dev20260713+nightly
codegen_flags: <defaults>
</compile_context>

<pallas_src>
import functools

import jax
import jax.numpy as jnp
from jax import lax
from jax.experimental import pallas as pl
from jax.experimental.pallas import tpu as pltpu
from jax.experimental.pallas import tpu_sc as plsc

_EPS = 1e-10
_DIM = 32
_SET_LEN = 32
_NPAIR = 16384
_NSETS_B = 2 * _NPAIR
_NIDS = _NSETS_B * _SET_LEN
_NW = 32
_P = 512
_NBLK = _NPAIR // _P

@functools.cache
def _sc_kernels():
    mesh = plsc.VectorSubcoreMesh(core_axis_name="c", subcore_axis_name="s")

    @functools.partial(
        pl.kernel,
        mesh=mesh,
        out_type=[
            jax.ShapeDtypeStruct((_NSETS_B, _SET_LEN), jnp.int32),
            jax.ShapeDtypeStruct((_NSETS_B, _SET_LEN), jnp.float32),
        ],
        scratch_types=[
            pltpu.VMEM((8, 128), jnp.int32),
            pltpu.VMEM((128, _SET_LEN), jnp.int32),
            pltpu.VMEM((128, _SET_LEN), jnp.float32),
            pltpu.SemaphoreType.DMA,
        ],
        compiler_params=pltpu.CompilerParams(use_tc_tiling_on_sc=False),
    )
    def _gather_sets(s_hbm, m_hbm, idx_hbm, items_out, mb_out, idx_v, s_v, m_v, sem):
        wid = lax.axis_index("s") * 2 + lax.axis_index("c")
        pltpu.sync_copy(idx_hbm.at[pl.ds(wid * 8, 8)], idx_v)
        for j in range(8):
            pltpu.async_copy(s_hbm.at[idx_v.at[j]], s_v, sem).wait()
            pltpu.sync_copy(s_v, items_out.at[pl.ds(wid * 1024 + j * 128, 128)])
            pltpu.async_copy(m_hbm.at[idx_v.at[j]], m_v, sem).wait()
            pltpu.sync_copy(m_v, mb_out.at[pl.ds(wid * 1024 + j * 128, 128)])

    @functools.partial(
        pl.kernel,
        mesh=mesh,
        out_type=[
            jax.ShapeDtypeStruct((_NIDS, _DIM), jnp.float32),
            jax.ShapeDtypeStruct((_NIDS, _DIM), jnp.float32),
        ],
        scratch_types=[
            pltpu.VMEM((4, 128), jnp.int32),
            pltpu.VMEM((512, _DIM), jnp.float32),
            pltpu.VMEM((512, _DIM), jnp.float32),
            pltpu.VMEM((512, _DIM), jnp.float32),
            pltpu.VMEM((512, _DIM), jnp.float32),
            pltpu.SemaphoreType.DMA,
            pltpu.SemaphoreType.DMA,
            pltpu.SemaphoreType.DMA,
        ],
        compiler_params=pltpu.CompilerParams(use_tc_tiling_on_sc=False),
    )
    def _gather_emb(wc_hbm, wr_hbm, ids_hbm, gc_out, gr_out,
                    idx_v, c_v, r_v, c2_v, r2_v, sem, semw, semw2):
        wid = lax.axis_index("s") * 2 + lax.axis_index("c")

        def chunk(c, cbuf, rbuf, first, semw):
            row0 = pl.multiple_of(wid * 256 + c * 4, 4)
            out0 = pl.multiple_of(wid * 32768 + c * 512, 512)
            pltpu.sync_copy(ids_hbm.at[pl.ds(row0, 4)], idx_v)
            @pl.when(jnp.logical_not(first))
            def _():
                pltpu.make_async_copy(cbuf, gc_out.at[pl.ds(out0, 512)], semw).wait()
                pltpu.make_async_copy(rbuf, gr_out.at[pl.ds(out0, 512)], semw).wait()

            cps = []
            for j in range(4):
                cps.append(
                    pltpu.async_copy(
                        wc_hbm.at[idx_v.at[j]], cbuf.at[pl.ds(j * 128, 128)], sem
                    )
                )
                cps.append(
                    pltpu.async_copy(
                        wr_hbm.at[idx_v.at[j]], rbuf.at[pl.ds(j * 128, 128)], sem
                    )
                )
            for cp in cps:
                cp.wait()
            pltpu.async_copy(cbuf, gc_out.at[pl.ds(out0, 512)], semw)
            pltpu.async_copy(rbuf, gr_out.at[pl.ds(out0, 512)], semw)

        def body(g, carry):
            chunk(2 * g, c_v, r_v, g == 0, semw)
            chunk(2 * g + 1, c2_v, r2_v, g == 0, semw2)
            return carry

        lax.fori_loop(0, 32, body, 0)
        pltpu.make_async_copy(c_v, gc_out.at[pl.ds(0, 512)], semw).wait()
        pltpu.make_async_copy(r_v, gr_out.at[pl.ds(0, 512)], semw).wait()
        pltpu.make_async_copy(c2_v, gc_out.at[pl.ds(0, 512)], semw2).wait()
        pltpu.make_async_copy(r2_v, gr_out.at[pl.ds(0, 512)], semw2).wait()

    return _gather_sets, _gather_emb


def _softplus(x):
    return jnp.maximum(x, 0.0) + jnp.log(1.0 + jnp.exp(-jnp.abs(x)))


def _attn_loss(xci_ref, xcj_ref, xri_ref, xrj_ref, mbi_ref, mbj_ref,
               ov_ref, ac_ref, ar_ref, e_ref, d_ref, et_ref, dt_ref, out_ref):
    mb_i = mbi_ref[...]
    mb_j = mbj_ref[...]
    E = e_ref[...]
    D = d_ref[...]
    ET = et_ref[...]
    DT = dt_ref[...]
    ac = ac_ref[0:1, :]
    ar = ar_ref[0:1, :]

    def mm(a, b):
        return jax.lax.dot_general(
            a, b, (((1,), (0,)), ((), ())),
            preferred_element_type=jnp.float32)

    x = jnp.concatenate(
        [xci_ref[...] * ac, xcj_ref[...] * ac,
         xri_ref[...] * ar, xrj_ref[...] * ar], axis=0)
    xr = jnp.concatenate(
        [xci_ref[...], xcj_ref[...], xri_ref[...], xrj_ref[...]], axis=0)
    mask = jnp.concatenate([mb_i, mb_j, mb_i, mb_j], axis=0) > 0.0

    def segsoft(v):
        vm = jnp.where(mask, v, -jnp.inf)
        m = jnp.max(vm, axis=1, keepdims=True)
        w = jnp.where(mask, jnp.exp(v - m), 0.0)
        d = jnp.sum(w, axis=1, keepdims=True)
        return w / d

    att = mm(x, E)
    w = segsoft(att)
    a = mm(xr * mm(w, ET), D)
    att2 = mm(xr * mm(a, DT), E)
    w2 = segsoft(att2)
    emb = mm(xr * mm(w2, ET), D)

    c_i = emb[0 * _P:1 * _P]
    c_j = emb[1 * _P:2 * _P]
    sz_i = jnp.exp(jnp.log(jnp.sum(mb_i, axis=1, keepdims=True)) * (1.0 / _DIM))
    sz_j = jnp.exp(jnp.log(jnp.sum(mb_j, axis=1, keepdims=True)) * (1.0 / _DIM))
    r_i = emb[2 * _P:3 * _P] * sz_i
    r_j = emb[3 * _P:4 * _P] * sz_j

    m_i = _softplus(c_i)
    be_i = _softplus(r_i)
    Mi = m_i + be_i
    m_j = _softplus(c_j)
    be_j = _softplus(r_j)
    Mj = m_j + be_j
    delta = jnp.minimum(Mi, Mj) - jnp.maximum(m_i, m_j)
    bv_i = jnp.sum(jnp.log(be_i + _EPS), axis=1, keepdims=True)
    bv_j = jnp.sum(jnp.log(be_j + _EPS), axis=1, keepdims=True)
    inter = jnp.sum(jnp.log(delta + _EPS), axis=1, keepdims=True)
    union = jnp.sum(
        jnp.log(jnp.maximum(Mi, Mj) - jnp.minimum(m_i, m_j) + _EPS),
        axis=1, keepdims=True)
    c_overlap = inter
    c_jaccard = inter / union
    denom = jnp.log(jnp.abs(bv_i) + _EPS) + jnp.log(jnp.abs(bv_j) + _EPS)
    c_cosine = inter / jnp.exp(jnp.log(denom) * (1.0 / _DIM))
    c_dice = 2.0 * inter / (bv_i + bv_j)

    ov = ov_ref[...]
    d1 = jnp.exp(c_overlap) - ov[:, 0:1]
    d2 = jnp.exp(c_jaccard) - ov[:, 1:2]
    d3 = jnp.exp(c_cosine) - ov[:, 2:3]
    d4 = jnp.exp(c_dice) - ov[:, 3:4]
    parts = jnp.concatenate(
        [jnp.sum(d1 * d1, axis=0, keepdims=True),
         jnp.sum(d2 * d2, axis=0, keepdims=True),
         jnp.sum(d3 * d3, axis=0, keepdims=True),
         jnp.sum(d4 * d4, axis=0, keepdims=True)], axis=1)
    out_ref[...] = parts.reshape(1, 1, 4)


def kernel(S, M, instances, overlaps, W_center, W_radius, A_center, A_radius):
    gather_sets, gather_emb = _sc_kernels()
    flat2 = jnp.transpose(instances).reshape(_NSETS_B // 128, 128)
    items32, mb = gather_sets(S, M, flat2)
    ids2d = items32.reshape(_NIDS // 128, 128)
    gc, gr = gather_emb(W_center, W_radius, ids2d)
    F = _SET_LEN * _DIM
    gc2 = gc.reshape(_NSETS_B, F)
    gr2 = gr.reshape(_NSETS_B, F)
    ovt = jnp.transpose(overlaps)
    lanes = jnp.arange(F, dtype=jnp.int32)
    grp = jnp.arange(_SET_LEN, dtype=jnp.int32)
    E = ((lanes[:, None] // _DIM) == grp[None, :]).astype(jnp.float32)
    D = ((lanes[:, None] % _DIM) == grp[None, :]).astype(jnp.float32)
    ac8 = jnp.broadcast_to(jnp.tile(A_center, _SET_LEN), (8, F))
    ar8 = jnp.broadcast_to(jnp.tile(A_radius, _SET_LEN), (8, F))

    parts = pl.pallas_call(
        _attn_loss,
        grid=(_NBLK,),
        in_specs=[
            pl.BlockSpec((_P, F), lambda i: (i, 0)),
            pl.BlockSpec((_P, F), lambda i: (i + _NBLK, 0)),
            pl.BlockSpec((_P, F), lambda i: (i, 0)),
            pl.BlockSpec((_P, F), lambda i: (i + _NBLK, 0)),
            pl.BlockSpec((_P, _SET_LEN), lambda i: (i, 0)),
            pl.BlockSpec((_P, _SET_LEN), lambda i: (i + _NBLK, 0)),
            pl.BlockSpec((_P, 4), lambda i: (i, 0)),
            pl.BlockSpec((8, F), lambda i: (0, 0)),
            pl.BlockSpec((8, F), lambda i: (0, 0)),
            pl.BlockSpec((F, _SET_LEN), lambda i: (0, 0)),
            pl.BlockSpec((F, _SET_LEN), lambda i: (0, 0)),
            pl.BlockSpec((_SET_LEN, F), lambda i: (0, 0)),
            pl.BlockSpec((_SET_LEN, F), lambda i: (0, 0)),
        ],
        out_specs=pl.BlockSpec((1, 1, 4), lambda i: (i, 0, 0)),
        out_shape=jax.ShapeDtypeStruct((_NBLK, 1, 4), jnp.float32),
    )(gc2, gc2, gr2, gr2, mb, mb, ovt, ac8, ar8,
      E, D, jnp.transpose(E), jnp.transpose(D))

    losses = jnp.sum(parts, axis=(0, 1))
    return (losses[0], losses[1], losses[2], losses[3])

# --- scband reference (transcript-rebuilt; emitter-appended) ---
"""Pipeline reference for scband-model-9620726743405 (READ-ONLY COPY).

The authoritative reference and input builder live on the scoring server;
editing this copy changes nothing except your own understanding.
"""

import jax, jax.numpy as jnp
import numpy as np

EPS = 1e-10
BETA = 1.0
NUM_ITEM = 1000000
DIM = 32
N_SETS = 50000
SET_LEN = 32
B = 16384


def setup_inputs(seed: int = 0):
    key = jax.random.key(seed)
    k1, k2, k3, k4, k5, k6, k7 = jax.random.split(key, 7)
    S = jax.random.randint(k1, (N_SETS, SET_LEN), 0, NUM_ITEM)
    M = jnp.ones((N_SETS, SET_LEN), dtype=jnp.float32)
    instances = jax.random.randint(k2, (B, 2), 0, N_SETS)
    overlaps = jax.random.uniform(k3, (4, B), dtype=jnp.float32)
    Wc = jax.random.normal(k4, (NUM_ITEM, DIM), dtype=jnp.float32) * 0.1
    Wc = Wc / jnp.maximum(jnp.linalg.norm(Wc, axis=1, keepdims=True), 1.0)
    Wr = jax.random.normal(k5, (NUM_ITEM, DIM), dtype=jnp.float32) * 0.1
    Wr = Wr / jnp.maximum(jnp.linalg.norm(Wr, axis=1, keepdims=True), 1.0)
    Wr = jnp.maximum(Wr, EPS)
    stdv = 1.0 / np.sqrt(DIM)
    Ac = jax.random.uniform(k6, (DIM,), minval=-stdv, maxval=stdv, dtype=jnp.float32)
    Ar = jax.random.uniform(k7, (DIM,), minval=-stdv, maxval=stdv, dtype=jnp.float32)
    return {"S": S, "M": M, "instances": instances, "overlaps": overlaps,
            "W_center": Wc, "W_radius": Wr, "A_center": Ac, "A_radius": Ar}


def _softplus(x):
    return jax.nn.softplus(BETA * x) / BETA


def _seg_softmax(vals, segs, n, mask):
    v = jnp.where(mask, vals, -jnp.inf)
    m = jax.ops.segment_max(v, segs, num_segments=n)
    w = jnp.where(mask, jnp.exp(vals - m[segs]), 0.0)
    d = jax.ops.segment_sum(w, segs, num_segments=n)
    return w / d[segs]


def _pool(rows, items, mask, M_b, X, A, n, size_reg):
    att = X @ A
    weight = _seg_softmax(att[items], rows, n, mask)
    xg = X[items]
    a = jax.ops.segment_sum(xg * weight[:, None], rows, num_segments=n)
    att2 = jnp.sum(xg * a[rows], axis=1)
    weight2 = _seg_softmax(att2, rows, n, mask)
    emb = jax.ops.segment_sum(xg * weight2[:, None], rows, num_segments=n)
    if size_reg:
        sizes = jnp.sum(M_b, axis=1)
        emb = emb * sizes[:, None] ** (1.0 / DIM)
    return emb


def _forward(M_b, overlaps, Wc, Wr, Ac, Ar, inv, rows, items, mask):
    n = M_b.shape[0]
    ec = _pool(rows, items, mask, M_b, Wc, Ac, n, False)
    er = _pool(rows, items, mask, M_b, Wr, Ar, n, True)
    ec = ec[inv]
    er = er[inv]
    c_i, c_j = ec[:, 0, :], ec[:, 1, :]
    r_i, r_j = er[:, 0, :], er[:, 1, :]
    m_i = _softplus(c_i)
    be_i = _softplus(r_i)
    Mi = m_i + be_i
    m_j = _softplus(c_j)
    be_j = _softplus(r_j)
    Mj = m_j + be_j
    delta = jnp.minimum(Mi, Mj) - jnp.maximum(m_i, m_j)
    bv_i = jnp.sum(jnp.log(be_i + EPS), 1)
    bv_j = jnp.sum(jnp.log(be_j + EPS), 1)
    inter = jnp.sum(jnp.log(delta + EPS), 1)
    union = jnp.sum(jnp.log(jnp.maximum(Mi, Mj) - jnp.minimum(m_i, m_j) + EPS), 1)
    c_overlap = inter
    c_jaccard = inter / union
    c_cosine = inter / jnp.power(
        jnp.sum(jnp.log(jnp.abs(jnp.stack((bv_i, bv_j), 1)) + EPS), 1), 1.0 / DIM)
    c_dice = 2.0 * inter / (bv_i + bv_j)
    l1 = jnp.sum((jnp.exp(c_overlap) - overlaps[0]) ** 2)
    l2 = jnp.sum((jnp.exp(c_jaccard) - overlaps[1]) ** 2)
    l3 = jnp.sum((jnp.exp(c_cosine) - overlaps[2]) ** 2)
    l4 = jnp.sum((jnp.exp(c_dice) - overlaps[3]) ** 2)
    return (l1, l2, l3, l4)


def reference(S, M, instances, overlaps, W_center, W_radius, A_center, A_radius):
    flat = instances.reshape(-1)
    n = flat.shape[0]
    inv = jnp.arange(n).reshape(instances.shape)
    S_b = S[flat]
    M_b = M[flat]
    set_len = M_b.shape[1]
    rows = jnp.repeat(jnp.arange(n), set_len)
    cols = jnp.tile(jnp.arange(set_len), n)
    mask = M_b[rows, cols] > 0
    items = S_b[rows, cols]
    return _forward(M_b, overlaps, W_center, W_radius, A_center, A_radius, inv, rows, items, mask)

if __name__ == "__main__":
    import jax
    _d = setup_inputs()
    print(jax.jit(kernel)(*tuple(_d.values())))

</pallas_src>

<mosaic_0001>
#map = affine_map<(d0, d1) -> (0, 0)>
module attributes {stable_mosaic.version = 14 : i64} {
  func.func @_gather_emb(%arg0: i32, %arg1: i32, %arg2: memref<1000000x32xf32, #tpu.memory_space<hbm>>, %arg3: memref<1000000x32xf32, #tpu.memory_space<hbm>>, %arg4: memref<8192x128xi32, #tpu.memory_space<hbm>>, %arg5: memref<1048576x32xf32, #tpu.memory_space<hbm>>, %arg6: memref<1048576x32xf32, #tpu.memory_space<hbm>>, %arg7: memref<4x128xi32, #tpu.memory_space<vmem>>, %arg8: memref<512x32xf32, #tpu.memory_space<vmem>>, %arg9: memref<512x32xf32, #tpu.memory_space<vmem>>, %arg10: memref<512x32xf32, #tpu.memory_space<vmem>>, %arg11: memref<512x32xf32, #tpu.memory_space<vmem>>, %arg12: memref<!tpu.dma_semaphore, #tpu.memory_space<semaphore_mem>>, %arg13: memref<!tpu.dma_semaphore, #tpu.memory_space<semaphore_mem>>, %arg14: memref<!tpu.dma_semaphore, #tpu.memory_space<semaphore_mem>>) attributes {dimension_semantics = [#tpu.dimension_semantics<core_parallel>, #tpu.dimension_semantics<subcore_parallel>], iteration_bounds = array<i64: 2, 16>, scalar_prefetch = 0 : i64, scratch_operands = 8 : i64, tpu.core_type = #tpu.core_type<sc_vector_subcore>, window_params = [{transform_indices = #map}, {transform_indices = #map}, {transform_indices = #map}, {transform_indices = #map}, {transform_indices = #map}]} {
    %mul3A = arith.constant 2 : i32
    %mul3A_0 = arith.muli %arg1, %mul3A : i32
    %add3A = arith.addi %mul3A_0, %arg0 : i32
    %scan3A = arith.constant 0 : i32
    %scan3A_1 = arith.constant 0 : i32
    %scan3A_2 = arith.constant 32 : i32
    %scan3A_3 = arith.addi %scan3A_1, %scan3A_2 : i32
    %scan3A_4 = arith.constant 1 : i32
    scf.for %scan3A_29 = %scan3A_1 to %scan3A_3 step %scan3A_4  : i32 {
      %mul3A_30 = arith.constant 2 : i32
      %mul3A_31 = arith.muli %mul3A_30, %scan3A_29 : i32
      %eq3A = arith.constant 0 : i32
      %eq3A_32 = arith.cmpi eq, %scan3A_29, %eq3A : i32
      %mul3A_33 = arith.constant 256 : i32
      %mul3A_34 = arith.muli %add3A, %mul3A_33 : i32
      %mul3A_35 = arith.constant 4 : i32
      %mul3A_36 = arith.muli %mul3A_31, %mul3A_35 : i32
      %add3A_37 = arith.addi %mul3A_34, %mul3A_36 : i32
      %multiple_of3A = tpu.assume_multiple %add3A_37, 4 : i32
      %mul3A_38 = arith.constant 32768 : i32
      %mul3A_39 = arith.muli %add3A, %mul3A_38 : i32
      %mul3A_40 = arith.constant 512 : i32
      %mul3A_41 = arith.muli %mul3A_31, %mul3A_40 : i32
      %add3A_42 = arith.addi %mul3A_39, %mul3A_41 : i32
      %multiple_of3A_43 = tpu.assume_multiple %add3A_42, 512 : i32
      "tpu.region"() ({
        %run_scoped3A = tpu.sem_alloc : memref<!tpu.dma_semaphore, #tpu.memory_space<semaphore_mem>>
        %dma_start3A_404 = arith.constant 0 : i32
        %dma_start3A_405 = tpu.memref_slice %arg4[%multiple_of3A, %dma_start3A_404] : memref<8192x128xi32, #tpu.memory_space<hbm>> -> memref<4x128xi32, #tpu.memory_space<hbm>>
        %dma_start3A_406 = arith.constant 0 : i32
        %dma_start3A_407 = tpu.memref_slice %arg4[%multiple_of3A, %dma_start3A_406] : memref<8192x128xi32, #tpu.memory_space<hbm>> -> memref<4x128xi32, #tpu.memory_space<hbm>>
        tpu.enqueue_dma source(%dma_start3A_407 : memref<4x128xi32, #tpu.memory_space<hbm>>) target(%arg7 : memref<4x128xi32, #tpu.memory_space<vmem>>) target_semaphore(%run_scoped3A : memref<!tpu.dma_semaphore, #tpu.memory_space<semaphore_mem>>)
        %dma_wait3A_408 = arith.constant 0 : i32
        %dma_wait3A_409 = tpu.memref_slice %arg4[%multiple_of3A, %dma_wait3A_408] : memref<8192x128xi32, #tpu.memory_space<hbm>> -> memref<4x128xi32, #tpu.memory_space<hbm>>
        %dma_wait3A_410 = arith.constant 0 : i32
        %dma_wait3A_411 = tpu.memref_slice %arg4[%multiple_of3A, %dma_wait3A_410] : memref<8192x128xi32, #tpu.memory_space<hbm>> -> memref<4x128xi32, #tpu.memory_space<hbm>>
        tpu.wait_dma2 semaphore(%run_scoped3A : memref<!tpu.dma_semaphore, #tpu.memory_space<semaphore_mem>>) src(%dma_wait3A_411 : memref<4x128xi32, #tpu.memory_space<hbm>>) dst(%arg7 : memref<4x128xi32, #tpu.memory_space<vmem>>)
        tpu.yield
      }) : () -> ()
      %not3A = arith.constant true
      %not3A_44 = arith.xori %eq3A_32, %not3A : i1
      %convert_element_type3A = arith.extui %not3A_44 : i1 to i32
      %cond3A = arith.constant 0 : i32
      %cond3A_45 = arith.cmpi ne, %convert_element_type3A, %cond3A : i32
      scf.if %cond3A_45 {
        %dma_wait3A_404 = arith.constant 0 : i32
        %dma_wait3A_405 = tpu.memref_slice %arg5[%multiple_of3A_43, %dma_wait3A_404] : memref<1048576x32xf32, #tpu.memory_space<hbm>> -> memref<512x32xf32, #tpu.memory_space<hbm>>
        %dma_wait3A_406 = arith.constant 0 : i32
        %dma_wait3A_407 = tpu.memref_slice %arg5[%multiple_of3A_43, %dma_wait3A_406] : memref<1048576x32xf32, #tpu.memory_space<hbm>> -> memref<512x32xf32, #tpu.memory_space<hbm>>
        tpu.wait_dma2 semaphore(%arg13 : memref<!tpu.dma_semaphore, #tpu.memory_space<semaphore_mem>>) src(%arg8 : memref<512x32xf32, #tpu.memory_space<vmem>>) dst(%dma_wait3A_407 : memref<512x32xf32, #tpu.memory_space<hbm>>)
        %dma_wait3A_408 = arith.constant 0 : i32
        %dma_wait3A_409 = tpu.memref_slice %arg6[%multiple_of3A_43, %dma_wait3A_408] : memref<1048576x32xf32, #tpu.memory_space<hbm>> -> memref<512x32xf32, #tpu.memory_space<hbm>>
        %dma_wait3A_410 = arith.constant 0 : i32
        %dma_wait3A_411 = tpu.memref_slice %arg6[%multiple_of3A_43, %dma_wait3A_410] : memref<1048576x32xf32, #tpu.memory_space<hbm>> -> memref<512x32xf32, #tpu.memory_space<hbm>>
        tpu.wait_dma2 semaphore(%arg13 : memref<!tpu.dma_semaphore, #tpu.memory_space<semaphore_mem>>) src(%arg9 : memref<512x32xf32, #tpu.memory_space<vmem>>) dst(%dma_wait3A_411 : memref<512x32xf32, #tpu.memory_space<hbm>>)
      } else {
      }
      %dma_start3A = arith.constant 0 : i32
      %dma_start3A_46 = arith.constant 0 : i32
      %dma_start3A_47 = arith.constant 0 : i32
      %dma_start3A_48 = tpu.memref_slice %arg8[%dma_start3A_46, %dma_start3A_47] : memref<512x32xf32, #tpu.memory_space<vmem>> -> memref<128x32xf32, #tpu.memory_space<vmem>>
      %dma_start3A_49 = arith.constant 0 : i32
      %dma_start3A_50 = tpu.memref_slice %arg7[%dma_start3A, %dma_start3A_49] : memref<4x128xi32, #tpu.memory_space<vmem>> -> memref<1x128xi32, #tpu.memory_space<vmem>>
      %dma_start3A_51 = tpu.memref_squeeze %dma_start3A_50 : memref<1x128xi32, #tpu.memory_space<vmem>> -> memref<128xi32, #tpu.memory_space<vmem>>
      %dma_start3A_52 = arith.constant 0 : i32
      %dma_start3A_53 = arith.constant 0 : i32
      %dma_start3A_54 = tpu.memref_slice %arg2[%dma_start3A_52, %dma_start3A_53] : memref<1000000x32xf32, #tpu.memory_space<hbm>> -> memref<1000000x32xf32, #tpu.memory_space<hbm>>
      tpu.enqueue_indirect_dma source(%dma_start3A_54 : memref<1000000x32xf32, #tpu.memory_space<hbm>>) target(%dma_start3A_48 : memref<128x32xf32, #tpu.memory_space<vmem>>) offsets(%dma_start3A_51 : memref<128xi32, #tpu.memory_space<vmem>>) semaphore(%arg12 : memref<!tpu.dma_semaphore, #tpu.memory_space<semaphore_mem>>)
      %dma_start3A_55 = arith.constant 0 : i32
      %dma_start3A_56 = arith.constant 0 : i32
      %dma_start3A_57 = arith.constant 0 : i32
      %dma_start3A_58 = tpu.memref_slice %arg9[%dma_start3A_56, %dma_start3A_57] : memref<512x32xf32, #tpu.memory_space<vmem>> -> memref<128x32xf32, #tpu.memory_space<vmem>>
      %dma_start3A_59 = arith.constant 0 : i32
      %dma_start3A_60 = tpu.memref_slice %arg7[%dma_start3A_55, %dma_start3A_59] : memref<4x128xi32, #tpu.memory_space<vmem>> -> memref<1x128xi32, #tpu.memory_space<vmem>>
      %dma_start3A_61 = tpu.memref_squeeze %dma_start3A_60 : memref<1x128xi32, #tpu.memory_space<vmem>> -> memref<128xi32, #tpu.memory_space<vmem>>
      %dma_start3A_62 = arith.constant 0 : i32
      %dma_start3A_63 = arith.constant 0 : i32
      %dma_start3A_64 = tpu.memref_slice %arg3[%dma_start3A_62, %dma_start3A_63] : memref<1000000x32xf32, #tpu.memory_space<hbm>> -> memref<1000000x32xf32, #tpu.memory_space<hbm>>
      tpu.enqueue_indirect_dma source(%dma_start3A_64 : memref<1000000x32xf32, #tpu.memory_space<hbm>>) target(%dma_start3A_58 : memref<128x32xf32, #tpu.memory_space<vmem>>) offsets(%dma_start3A_61 : memref<128xi32, #tpu.memory_space<vmem>>) semaphore(%arg12 : memref<!tpu.dma_semaphore, #tpu.memory_space<semaphore_mem>>)
      %dma_start3A_65 = arith.constant 1 : i32
      %dma_start3A_66 = arith.constant 128 : i32
      %dma_start3A_67 = arith.constant 0 : i32
      %dma_start3A_68 = tpu.memref_slice %arg8[%dma_start3A_66, %dma_start3A_67] : memref<512x32xf32, #tpu.memory_space<vmem>> -> memref<128x32xf32, #tpu.memory_space<vmem>>
      %dma_start3A_69 = arith.constant 0 : i32
      %dma_start3A_70 = tpu.memref_slice %arg7[%dma_start3A_65, %dma_start3A_69] : memref<4x128xi32, #tpu.memory_space<vmem>> -> memref<1x128xi32, #tpu.memory_space<vmem>>
      %dma_start3A_71 = tpu.memref_squeeze %dma_start3A_70 : memref<1x128xi32, #tpu.memory_space<vmem>> -> memref<128xi32, #tpu.memory_space<vmem>>
      %dma_start3A_72 = arith.constant 0 : i32
      %dma_start3A_73 = arith.constant 0 : i32
      %dma_start3A_74 = tpu.memref_slice %arg2[%dma_start3A_72, %dma_start3A_73] : memref<1000000x32xf32, #tpu.memory_space<hbm>> -> memref<1000000x32xf32, #tpu.memory_space<hbm>>
      tpu.enqueue_indirect_dma source(%dma_start3A_74 : memref<1000000x32xf32, #tpu.memory_space<hbm>>) target(%dma_start3A_68 : memref<128x32xf32, #tpu.memory_space<vmem>>) offsets(%dma_start3A_71 : memref<128xi32, #tpu.memory_space<vmem>>) semaphore(%arg12 : memref<!tpu.dma_semaphore, #tpu.memory_space<semaphore_mem>>)
      %dma_start3A_75 = arith.constant 1 : i32
      %dma_start3A_76 = arith.constant 128 : i32
      %dma_start3A_77 = arith.constant 0 : i32
      %dma_start3A_78 = tpu.memref_slice %arg9[%dma_start3A_76, %dma_start3A_77] : memref<512x32xf32, #tpu.memory_space<vmem>> -> memref<128x32xf32, #tpu.memory_space<vmem>>
      %dma_start3A_79 = arith.constant 0 : i32
      %dma_start3A_80 = tpu.memref_slice %arg7[%dma_start3A_75, %dma_start3A_79] : memref<4x128xi32, #tpu.memory_space<vmem>> -> memref<1x128xi32, #tpu.memory_space<vmem>>
      %dma_start3A_81 = tpu.memref_squeeze %dma_start3A_80 : memref<1x128xi32, #tpu.memory_space<vmem>> -> memref<128xi32, #tpu.memory_space<vmem>>
      %dma_start3A_82 = arith.constant 0 : i32
      %dma_start3A_83 = arith.constant 0 : i32
      %dma_start3A_84 = tpu.memref_slice %arg3[%dma_start3A_82, %dma_start3A_83] : memref<1000000x32xf32, #tpu.memory_space<hbm>> -> memref<1000000x32xf32, #tpu.memory_space<hbm>>
      tpu.enqueue_indirect_dma source(%dma_start3A_84 : memref<1000000x32xf32, #tpu.memory_space<hbm>>) target(%dma_start3A_78 : memref<128x32xf32, #tpu.memory_space<vmem>>) offsets(%dma_start3A_81 : memref<128xi32, #tpu.memory_space<vmem>>) semaphore(%arg12 : memref<!tpu.dma_semaphore, #tpu.memory_space<semaphore_mem>>)
      %dma_start3A_85 = arith.constant 2 : i32
      %dma_start3A_86 = arith.constant 256 : i32
      %dma_start3A_87 = arith.constant 0 : i32
      %dma_start3A_88 = tpu.memref_slice %arg8[%dma_start3A_86, %dma_start3A_87] : memref<512x32xf32, #tpu.memory_space<vmem>> -> memref<128x32xf32, #tpu.memory_space<vmem>>
      %dma_start3A_89 = arith.constant 0 : i32
      %dma_start3A_90 = tpu.memref_slice %arg7[%dma_start3A_85, %dma_start3A_89] : memref<4x128xi32, #tpu.memory_space<vmem>> -> memref<1x128xi32, #tpu.memory_space<vmem>>
      %dma_start3A_91 = tpu.memref_squeeze %dma_start3A_90 : memref<1x128xi32, #tpu.memory_space<vmem>> -> memref<128xi32, #tpu.memory_space<vmem>>
      %dma_start3A_92 = arith.constant 0 : i32
      %dma_start3A_93 = arith.constant 0 : i32
      %dma_start3A_94 = tpu.memref_slice %arg2[%dma_start3A_92, %dma_start3A_93] : memref<1000000x32xf32, #tpu.memory_space<hbm>> -> memref<1000000x32xf32, #tpu.memory_space<hbm>>
      tpu.enqueue_indirect_dma source(%dma_start3A_94 : memref<1000000x32xf32, #tpu.memory_space<hbm>>) target(%dma_start3A_88 : memref<128x32xf32, #tpu.memory_space<vmem>>) offsets(%dma_start3A_91 : memref<128xi32, #tpu.memory_space<vmem>>) semaphore(%arg12 : memref<!tpu.dma_semaphore, #tpu.memory_space<semaphore_mem>>)
      %dma_start3A_95 = arith.constant 2 : i32
      %dma_start3A_96 = arith.constant 256 : i32
      %dma_start3A_97 = arith.constant 0 : i32
      %dma_start3A_98 = tpu.memref_slice %arg9[%dma_start3A_96, %dma_start3A_97] : memref<512x32xf32, #tpu.memory_space<vmem>> -> memref<128x32xf32, #tpu.memory_space<vmem>>
      %dma_start3A_99 = arith.constant 0 : i32
      %dma_start3A_100 = tpu.memref_slice %arg7[%dma_start3A_95, %dma_start3A_99] : memref<4x128xi32, #tpu.memory_space<vmem>> -> memref<1x128xi32, #tpu.memory_space<vmem>>
      %dma_start3A_101 = tpu.memref_squeeze %dma_start3A_100 : memref<1x128xi32, #tpu.memory_space<vmem>> -> memref<128xi32, #tpu.memory_space<vmem>>
      %dma_start3A_102 = arith.constant 0 : i32
      %dma_start3A_103 = arith.constant 0 : i32
      %dma_start3A_104 = tpu.memref_slice %arg3[%dma_start3A_102, %dma_start3A_103] : memref<1000000x32xf32, #tpu.memory_space<hbm>> -> memref<1000000x32xf32, #tpu.memory_space<hbm>>
      tpu.enqueue_indirect_dma source(%dma_start3A_104 : memref<1000000x32xf32, #tpu.memory_space<hbm>>) target(%dma_start3A_98 : memref<128x32xf32, #tpu.memory_space<vmem>>) offsets(%dma_start3A_101 : memref<128xi32, #tpu.memory_space<vmem>>) semaphore(%arg12 : memref<!tpu.dma_semaphore, #tpu.memory_space<semaphore_mem>>)
      %dma_start3A_105 = arith.constant 3 : i32
      %dma_start3A_106 = arith.constant 384 : i32
      %dma_start3A_107 = arith.constant 0 : i32
      %dma_start3A_108 = tpu.memref_slice %arg8[%dma_start3A_106, %dma_start3A_107] : memref<512x32xf32, #tpu.memory_space<vmem>> -> memref<128x32xf32, #tpu.memory_space<vmem>>
      %dma_start3A_109 = arith.constant 0 : i32
      %dma_start3A_110 = tpu.memref_slice %arg7[%dma_start3A_105, %dma_start3A_109] : memref<4x128xi32, #tpu.memory_space<vmem>> -> memref<1x128xi32, #tpu.memory_space<vmem>>
      %dma_start3A_111 = tpu.memref_squeeze %dma_start3A_110 : memref<1x128xi32, #tpu.memory_space<vmem>> -> memref<128xi32, #tpu.memory_space<vmem>>
      %dma_start3A_112 = arith.constant 0 : i32
      %dma_start3A_113 = arith.constant 0 : i32
      %dma_start3A_114 = tpu.memref_slice %arg2[%dma_start3A_112, %dma_start3A_113] : memref<1000000x32xf32, #tpu.memory_space<hbm>> -> memref<1000000x32xf32, #tpu.memory_space<hbm>>
      tpu.enqueue_indirect_dma source(%dma_start3A_114 : memref<1000000x32xf32, #tpu.memory_space<hbm>>) target(%dma_start3A_108 : memref<128x32xf32, #tpu.memory_space<vmem>>) offsets(%dma_start3A_111 : memref<128xi32, #tpu.memory_space<vmem>>) semaphore(%arg12 : memref<!tpu.dma_semaphore, #tpu.memory_space<semaphore_mem>>)
      %dma_start3A_115 = arith.constant 3 : i32
      %dma_start3A_116 = arith.constant 384 : i32
      %dma_start3A_117 = arith.constant 0 : i32
      %dma_start3A_118 = tpu.memref_slice %arg9[%dma_start3A_116, %dma_start3A_117] : memref<512x32xf32, #tpu.memory_space<vmem>> -> memref<128x32xf32, #tpu.memory_space<vmem>>
      %dma_start3A_119 = arith.constant 0 : i32
      %dma_start3A_120 = tpu.memref_slice %arg7[%dma_start3A_115, %dma_start3A_119] : memref<4x128xi32, #tpu.memory_space<vmem>> -> memref<1x128xi32, #tpu.memory_space<vmem>>
      %dma_start3A_121 = tpu.memref_squeeze %dma_start3A_120 : memref<1x128xi32, #tpu.memory_space<vmem>> -> memref<128xi32, #tpu.memory_space<vmem>>
      %dma_start3A_122 = arith.constant 0 : i32
      %dma_start3A_123 = arith.constant 0 : i32
      %dma_start3A_124 = tpu.memref_slice %arg3[%dma_start3A_122, %dma_start3A_123] : memref<1000000x32xf32, #tpu.memory_space<hbm>> -> memref<1000000x32xf32, #tpu.memory_space<hbm>>
      tpu.enqueue_indirect_dma source(%dma_start3A_124 : memref<1000000x32xf32, #tpu.memory_space<hbm>>) target(%dma_start3A_118 : memref<128x32xf32, #tpu.memory_space<vmem>>) offsets(%dma_start3A_121 : memref<128xi32, #tpu.memory_space<vmem>>) semaphore(%arg12 : memref<!tpu.dma_semaphore, #tpu.memory_space<semaphore_mem>>)
      %dma_wait3A_125 = arith.constant 0 : i32
      %dma_wait3A_126 = arith.constant 0 : i32
      %dma_wait3A_127 = arith.constant 0 : i32
      %dma_wait3A_128 = tpu.memref_slice %arg8[%dma_wait3A_126, %dma_wait3A_127] : memref<512x32xf32, #tpu.memory_space<vmem>> -> memref<128x32xf32, #tpu.memory_space<vmem>>
      %dma_wait3A_129 = arith.constant 0 : i32
      %dma_wait3A_130 = tpu.memref_slice %arg7[%dma_wait3A_125, %dma_wait3A_129] : memref<4x128xi32, #tpu.memory_space<vmem>> -> memref<1x128xi32, #tpu.memory_space<vmem>>
      %dma_wait3A_131 = tpu.memref_squeeze %dma_wait3A_130 : memref<1x128xi32, #tpu.memory_space<vmem>> -> memref<128xi32, #tpu.memory_space<vmem>>
      %dma_wait3A_132 = arith.constant 0 : i32
      %dma_wait3A_133 = arith.constant 0 : i32
      %dma_wait3A_134 = tpu.memref_slice %arg2[%dma_wait3A_132, %dma_wait3A_133] : memref<1000000x32xf32, #tpu.memory_space<hbm>> -> memref<1000000x32xf32, #tpu.memory_space<hbm>>
      tpu.wait_indirect_dma semaphore(%arg12 : memref<!tpu.dma_semaphore, #tpu.memory_space<semaphore_mem>>) src(%dma_wait3A_134 : memref<1000000x32xf32, #tpu.memory_space<hbm>>) dst(%dma_wait3A_128 : memref<128x32xf32, #tpu.memory_space<vmem>>)
      %dma_wait3A_135 = arith.constant 0 : i32
      %dma_wait3A_136 = arith.constant 0 : i32
      %dma_wait3A_137 = arith.constant 0 : i32
      %dma_wait3A_138 = tpu.memref_slice %arg9[%dma_wait3A_136, %dma_wait3A_137] : memref<512x32xf32, #tpu.memory_space<vmem>> -> memref<128x32xf32, #tpu.memory_space<vmem>>
      %dma_wait3A_139 = arith.constant 0 : i32
      %dma_wait3A_140 = tpu.memref_slice %arg7[%dma_wait3A_135, %dma_wait3A_139] : memref<4x128xi32, #tpu.memory_space<vmem>> -> memref<1x128xi32, #tpu.memory_space<vmem>>
      %dma_wait3A_141 = tpu.memref_squeeze %dma_wait3A_140 : memref<1x128xi32, #tpu.memory_space<vmem>> -> memref<128xi32, #tpu.memory_space<vmem>>
      %dma_wait3A_142 = arith.constant 0 : i32
      %dma_wait3A_143 = arith.constant 0 : i32
      %dma_wait3A_144 = tpu.memref_slice %arg3[%dma_wait3A_142, %dma_wait3A_143] : memref<1000000x32xf32, #tpu.memory_space<hbm>> -> memref<1000000x32xf32, #tpu.memory_space<hbm>>
      tpu.wait_indirect_dma semaphore(%arg12 : memref<!tpu.dma_semaphore, #tpu.memory_space<semaphore_mem>>) src(%dma_wait3A_144 : memref<1000000x32xf32, #tpu.memory_space<hbm>>) dst(%dma_wait3A_138 : memref<128x32xf32, #tpu.memory_space<vmem>>)
      %dma_wait3A_145 = arith.constant 1 : i32
      %dma_wait3A_146 = arith.constant 128 : i32
      %dma_wait3A_147 = arith.constant 0 : i32
      %dma_wait3A_148 = tpu.memref_slice %arg8[%dma_wait3A_146, %dma_wait3A_147] : memref<512x32xf32, #tpu.memory_space<vmem>> -> memref<128x32xf32, #tpu.memory_space<vmem>>
      %dma_wait3A_149 = arith.constant 0 : i32
      %dma_wait3A_150 = tpu.memref_slice %arg7[%dma_wait3A_145, %dma_wait3A_149] : memref<4x128xi32, #tpu.memory_space<vmem>> -> memref<1x128xi32, #tpu.memory_space<vmem>>
      %dma_wait3A_151 = tpu.memref_squeeze %dma_wait3A_150 : memref<1x128xi32, #tpu.memory_space<vmem>> -> memref<128xi32, #tpu.memory_space<vmem>>
      %dma_wait3A_152 = arith.constant 0 : i32
      %dma_wait3A_153 = arith.constant 0 : i32
      %dma_wait3A_154 = tpu.memref_slice %arg2[%dma_wait3A_152, %dma_wait3A_153] : memref<1000000x32xf32, #tpu.memory_space<hbm>> -> memref<1000000x32xf32, #tpu.memory_space<hbm>>
      tpu.wait_indirect_dma semaphore(%arg12 : memref<!tpu.dma_semaphore, #tpu.memory_space<semaphore_mem>>) src(%dma_wait3A_154 : memref<1000000x32xf32, #tpu.memory_space<hbm>>) dst(%dma_wait3A_148 : memref<128x32xf32, #tpu.memory_space<vmem>>)
      %dma_wait3A_155 = arith.constant 1 : i32
      %dma_wait3A_156 = arith.constant 128 : i32
      %dma_wait3A_157 = arith.constant 0 : i32
      %dma_wait3A_158 = tpu.memref_slice %arg9[%dma_wait3A_156, %dma_wait3A_157] : memref<512x32xf32, #tpu.memory_space<vmem>> -> memref<128x32xf32, #tpu.memory_space<vmem>>
      %dma_wait3A_159 = arith.constant 0 : i32
      %dma_wait3A_160 = tpu.memref_slice %arg7[%dma_wait3A_155, %dma_wait3A_159] : memref<4x128xi32, #tpu.memory_space<vmem>> -> memref<1x128xi32, #tpu.memory_space<vmem>>
      %dma_wait3A_161 = tpu.memref_squeeze %dma_wait3A_160 : memref<1x128xi32, #tpu.memory_space<vmem>> -> memref<128xi32, #tpu.memory_space<vmem>>
      %dma_wait3A_162 = arith.constant 0 : i32
      %dma_wait3A_163 = arith.constant 0 : i32
      %dma_wait3A_164 = tpu.memref_slice %arg3[%dma_wait3A_162, %dma_wait3A_163] : memref<1000000x32xf32, #tpu.memory_space<hbm>> -> memref<1000000x32xf32, #tpu.memory_space<hbm>>
      tpu.wait_indirect_dma semaphore(%arg12 : memref<!tpu.dma_semaphore, #tpu.memory_space<semaphore_mem>>) src(%dma_wait3A_164 : memref<1000000x32xf32, #tpu.memory_space<hbm>>) dst(%dma_wait3A_158 : memref<128x32xf32, #tpu.memory_space<vmem>>)
      %dma_wait3A_165 = arith.constant 2 : i32
      %dma_wait3A_166 = arith.constant 256 : i32
      %dma_wait3A_167 = arith.constant 0 : i32
      %dma_wait3A_168 = tpu.memref_slice %arg8[%dma_wait3A_166, %dma_wait3A_167] : memref<512x32xf32, #tpu.memory_space<vmem>> -> memref<128x32xf32, #tpu.memory_space<vmem>>
      %dma_wait3A_169 = arith.constant 0 : i32
      %dma_wait3A_170 = tpu.memref_slice %arg7[%dma_wait3A_165, %dma_wait3A_169] : memref<4x128xi32, #tpu.memory_space<vmem>> -> memref<1x128xi32, #tpu.memory_space<vmem>>
      %dma_wait3A_171 = tpu.memref_squeeze %dma_wait3A_170 : memref<1x128xi32, #tpu.memory_space<vmem>> -> memref<128xi32, #tpu.memory_space<vmem>>
      %dma_wait3A_172 = arith.constant 0 : i32
      %dma_wait3A_173 = arith.constant 0 : i32
      %dma_wait3A_174 = tpu.memref_slice %arg2[%dma_wait3A_172, %dma_wait3A_173] : memref<1000000x32xf32, #tpu.memory_space<hbm>> -> memref<1000000x32xf32, #tpu.memory_space<hbm>>
      tpu.wait_indirect_dma semaphore(%arg12 : memref<!tpu.dma_semaphore, #tpu.memory_space<semaphore_mem>>) src(%dma_wait3A_174 : memref<1000000x32xf32, #tpu.memory_space<hbm>>) dst(%dma_wait3A_168 : memref<128x32xf32, #tpu.memory_space<vmem>>)
      %dma_wait3A_175 = arith.constant 2 : i32
      %dma_wait3A_176 = arith.constant 256 : i32
      %dma_wait3A_177 = arith.constant 0 : i32
      %dma_wait3A_178 = tpu.memref_slice %arg9[%dma_wait3A_176, %dma_wait3A_177] : memref<512x32xf32, #tpu.memory_space<vmem>> -> memref<128x32xf32, #tpu.memory_space<vmem>>
      %dma_wait3A_179 = arith.constant 0 : i32
      %dma_wait3A_180 = tpu.memref_slice %arg7[%dma_wait3A_175, %dma_wait3A_179] : memref<4x128xi32, #tpu.memory_space<vmem>> -> memref<1x128xi32, #tpu.memory_space<vmem>>
      %dma_wait3A_181 = tpu.memref_squeeze %dma_wait3A_180 : memref<1x128xi32, #tpu.memory_space<vmem>> -> memref<128xi32, #tpu.memory_space<vmem>>
      %dma_wait3A_182 = arith.constant 0 : i32
      %dma_wait3A_183 = arith.constant 0 : i32
      %dma_wait3A_184 = tpu.memref_slice %arg3[%dma_wait3A_182, %dma_wait3A_183] : memref<1000000x32xf32, #tpu.memory_space<hbm>> -> memref<1000000x32xf32, #tpu.memory_space<hbm>>
      tpu.wait_indirect_dma semaphore(%arg12 : memref<!tpu.dma_semaphore, #tpu.memory_space<semaphore_mem>>) src(%dma_wait3A_184 : memref<1000000x32xf32, #tpu.memory_space<hbm>>) dst(%dma_wait3A_178 : memref<128x32xf32, #tpu.memory_space<vmem>>)
      %dma_wait3A_185 = arith.constant 3 : i32
      %dma_wait3A_186 = arith.constant 384 : i32
      %dma_wait3A_187 = arith.constant 0 : i32
      %dma_wait3A_188 = tpu.memref_slice %arg8[%dma_wait3A_186, %dma_wait3A_187] : memref<512x32xf32, #tpu.memory_space<vmem>> -> memref<128x32xf32, #tpu.memory_space<vmem>>
      %dma_wait3A_189 = arith.constant 0 : i32
      %dma_wait3A_190 = tpu.memref_slice %arg7[%dma_wait3A_185, %dma_wait3A_189] : memref<4x128xi32, #tpu.memory_space<vmem>> -> memref<1x128xi32, #tpu.memory_space<vmem>>
      %dma_wait3A_191 = tpu.memref_squeeze %dma_wait3A_190 : memref<1x128xi32, #tpu.memory_space<vmem>> -> memref<128xi32, #tpu.memory_space<vmem>>
      %dma_wait3A_192 = arith.constant 0 : i32
      %dma_wait3A_193 = arith.constant 0 : i32
      %dma_wait3A_194 = tpu.memref_slice %arg2[%dma_wait3A_192, %dma_wait3A_193] : memref<1000000x32xf32, #tpu.memory_space<hbm>> -> memref<1000000x32xf32, #tpu.memory_space<hbm>>
      tpu.wait_indirect_dma semaphore(%arg12 : memref<!tpu.dma_semaphore, #tpu.memory_space<semaphore_mem>>) src(%dma_wait3A_194 : memref<1000000x32xf32, #tpu.memory_space<hbm>>) dst(%dma_wait3A_188 : memref<128x32xf32, #tpu.memory_space<vmem>>)
      %dma_wait3A_195 = arith.constant 3 : i32
      %dma_wait3A_196 = arith.constant 384 : i32
      %dma_wait3A_197 = arith.constant 0 : i32
      %dma_wait3A_198 = tpu.memref_slice %arg9[%dma_wait3A_196, %dma_wait3A_197] : memref<512x32xf32, #tpu.memory_space<vmem>> -> memref<128x32xf32, #tpu.memory_space<vmem>>
      %dma_wait3A_199 = arith.constant 0 : i32
      %dma_wait3A_200 = tpu.memref_slice %arg7[%dma_wait3A_195, %dma_wait3A_199] : memref<4x128xi32, #tpu.memory_space<vmem>> -> memref<1x128xi32, #tpu.memory_space<vmem>>
      %dma_wait3A_201 = tpu.memref_squeeze %dma_wait3A_200 : memref<1x128xi32, #tpu.memory_space<vmem>> -> memref<128xi32, #tpu.memory_space<vmem>>
      %dma_wait3A_202 = arith.constant 0 : i32
      %dma_wait3A_203 = arith.constant 0 : i32
      %dma_wait3A_204 = tpu.memref_slice %arg3[%dma_wait3A_202, %dma_wait3A_203] : memref<1000000x32xf32, #tpu.memory_space<hbm>> -> memref<1000000x32xf32, #tpu.memory_space<hbm>>
      tpu.wait_indirect_dma semaphore(%arg12 : memref<!tpu.dma_semaphore, #tpu.memory_space<semaphore_mem>>) src(%dma_wait3A_204 : memref<1000000x32xf32, #tpu.memory_space<hbm>>) dst(%dma_wait3A_198 : memref<128x32xf32, #tpu.memory_space<vmem>>)
      %dma_start3A_205 = arith.constant 0 : i32
      %dma_start3A_206 = tpu.memref_slice %arg5[%multiple_of3A_43, %dma_start3A_205] : memref<1048576x32xf32, #tpu.memory_space<hbm>> -> memref<512x32xf32, #tpu.memory_space<hbm>>
      %dma_start3A_207 = arith.constant 0 : i32
      %dma_start3A_208 = tpu.memref_slice %arg5[%multiple_of3A_43, %dma_start3A_207] : memref<1048576x32xf32, #tpu.memory_space<hbm>> -> memref<512x32xf32, #tpu.memory_space<hbm>>
      tpu.enqueue_dma source(%arg8 : memref<512x32xf32, #tpu.memory_space<vmem>>) target(%dma_start3A_208 : memref<512x32xf32, #tpu.memory_space<hbm>>) target_semaphore(%arg13 : memref<!tpu.dma_semaphore, #tpu.memory_space<semaphore_mem>>)
      %dma_start3A_209 = arith.constant 0 : i32
      %dma_start3A_210 = tpu.memref_slice %arg6[%multiple_of3A_43, %dma_start3A_209] : memref<1048576x32xf32, #tpu.memory_space<hbm>> -> memref<512x32xf32, #tpu.memory_space<hbm>>
      %dma_start3A_211 = arith.constant 0 : i32
      %dma_start3A_212 = tpu.memref_slice %arg6[%multiple_of3A_43, %dma_start3A_211] : memref<1048576x32xf32, #tpu.memory_space<hbm>> -> memref<512x32xf32, #tpu.memory_space<hbm>>
      tpu.enqueue_dma source(%arg9 : memref<512x32xf32, #tpu.memory_space<vmem>>) target(%dma_start3A_212 : memref<512x32xf32, #tpu.memory_space<hbm>>) target_semaphore(%arg13 : memref<!tpu.dma_semaphore, #tpu.memory_space<semaphore_mem>>)
      %mul3A_213 = arith.constant 2 : i32
      %mul3A_214 = arith.muli %mul3A_213, %scan3A_29 : i32
      %add3A_215 = arith.constant 1 : i32
      %add3A_216 = arith.addi %mul3A_214, %add3A_215 : i32
      %eq3A_217 = arith.constant 0 : i32
      %eq3A_218 = arith.cmpi eq, %scan3A_29, %eq3A_217 : i32
      %mul3A_219 = arith.constant 256 : i32
      %mul3A_220 = arith.muli %add3A, %mul3A_219 : i32
      %mul3A_221 = arith.constant 4 : i32
      %mul3A_222 = arith.muli %add3A_216, %mul3A_221 : i32
      %add3A_223 = arith.addi %mul3A_220, %mul3A_222 : i32
      %multiple_of3A_224 = tpu.assume_multiple %add3A_223, 4 : i32
      %mul3A_225 = arith.constant 32768 : i32
      %mul3A_226 = arith.muli %add3A, %mul3A_225 : i32
      %mul3A_227 = arith.constant 512 : i32
      %mul3A_228 = arith.muli %add3A_216, %mul3A_227 : i32
      %add3A_229 = arith.addi %mul3A_226, %mul3A_228 : i32
      %multiple_of3A_230 = tpu.assume_multiple %add3A_229, 512 : i32
      "tpu.region"() ({
        %run_scoped3A = tpu.sem_alloc : memref<!tpu.dma_semaphore, #tpu.memory_space<semaphore_mem>>
        %dma_start3A_404 = arith.constant 0 : i32
        %dma_start3A_405 = tpu.memref_slice %arg4[%multiple_of3A_224, %dma_start3A_404] : memref<8192x128xi32, #tpu.memory_space<hbm>> -> memref<4x128xi32, #tpu.memory_space<hbm>>
        %dma_start3A_406 = arith.constant 0 : i32
        %dma_start3A_407 = tpu.memref_slice %arg4[%multiple_of3A_224, %dma_start3A_406] : memref<8192x128xi32, #tpu.memory_space<hbm>> -> memref<4x128xi32, #tpu.memory_space<hbm>>
        tpu.enqueue_dma source(%dma_start3A_407 : memref<4x128xi32, #tpu.memory_space<hbm>>) target(%arg7 : memref<4x128xi32, #tpu.memory_space<vmem>>) target_semaphore(%run_scoped3A : memref<!tpu.dma_semaphore, #tpu.memory_space<semaphore_mem>>)
        %dma_wait3A_408 = arith.constant 0 : i32
        %dma_wait3A_409 = tpu.memref_slice %arg4[%multiple_of3A_224, %dma_wait3A_408] : memref<8192x128xi32, #tpu.memory_space<hbm>> -> memref<4x128xi32, #tpu.memory_space<hbm>>
        %dma_wait3A_410 = arith.constant 0 : i32
        %dma_wait3A_411 = tpu.memref_slice %arg4[%multiple_of3A_224, %dma_wait3A_410] : memref<8192x128xi32, #tpu.memory_space<hbm>> -> memref<4x128xi32, #tpu.memory_space<hbm>>
        tpu.wait_dma2 semaphore(%run_scoped3A : memref<!tpu.dma_semaphore, #tpu.memory_space<semaphore_mem>>) src(%dma_wait3A_411 : memref<4x128xi32, #tpu.memory_space<hbm>>) dst(%arg7 : memref<4x128xi32, #tpu.memory_space<vmem>>)
        tpu.yield
      }) : () -> ()
      %not3A_231 = arith.constant true
      %not3A_232 = arith.xori %eq3A_218, %not3A_231 : i1
      %convert_element_type3A_233 = arith.extui %not3A_232 : i1 to i32
      %cond3A_234 = arith.constant 0 : i32
      %cond3A_235 = arith.cmpi ne, %convert_element_type3A_233, %cond3A_234 : i32
      scf.if %cond3A_235 {
        %dma_wait3A_404 = arith.constant 0 : i32
        %dma_wait3A_405 = tpu.memref_slice %arg5[%multiple_of3A_230, %dma_wait3A_404] : memref<1048576x32xf32, #tpu.memory_space<hbm>> -> memref<512x32xf32, #tpu.memory_space<hbm>>
        %dma_wait3A_406 = arith.constant 0 : i32
        %dma_wait3A_407 = tpu.memref_slice %arg5[%multiple_of3A_230, %dma_wait3A_406] : memref<1048576x32xf32, #tpu.memory_space<hbm>> -> memref<512x32xf32, #tpu.memory_space<hbm>>
        tpu.wait_dma2 semaphore(%arg14 : memref<!tpu.dma_semaphore, #tpu.memory_space<semaphore_mem>>) src(%arg10 : memref<512x32xf32, #tpu.memory_space<vmem>>) dst(%dma_wait3A_407 : memref<512x32xf32, #tpu.memory_space<hbm>>)
        %dma_wait3A_408 = arith.constant 0 : i32
        %dma_wait3A_409 = tpu.memref_slice %arg6[%multiple_of3A_230, %dma_wait3A_408] : memref<1048576x32xf32, #tpu.memory_space<hbm>> -> memref<512x32xf32, #tpu.memory_space<hbm>>
        %dma_wait3A_410 = arith.constant 0 : i32
        %dma_wait3A_411 = tpu.memref_slice %arg6[%multiple_of3A_230, %dma_wait3A_410] : memref<1048576x32xf32, #tpu.memory_space<hbm>> -> memref<512x32xf32, #tpu.memory_space<hbm>>
        tpu.wait_dma2 semaphore(%arg14 : memref<!tpu.dma_semaphore, #tpu.memory_space<semaphore_mem>>) src(%arg11 : memref<512x32xf32, #tpu.memory_space<vmem>>) dst(%dma_wait3A_411 : memref<512x32xf32, #tpu.memory_space<hbm>>)
      } else {
      }
      %dma_start3A_236 = arith.constant 0 : i32
      %dma_start3A_237 = arith.constant 0 : i32
      %dma_start3A_238 = arith.constant 0 : i32
      %dma_start3A_239 = tpu.memref_slice %arg10[%dma_start3A_237, %dma_start3A_238] : memref<512x32xf32, #tpu.memory_space<vmem>> -> memref<128x32xf32, #tpu.memory_space<vmem>>
      %dma_start3A_240 = arith.constant 0 : i32
      %dma_start3A_241 = tpu.memref_slice %arg7[%dma_start3A_236, %dma_start3A_240] : memref<4x128xi32, #tpu.memory_space<vmem>> -> memref<1x128xi32, #tpu.memory_space<vmem>>
      %dma_start3A_242 = tpu.memref_squeeze %dma_start3A_241 : memref<1x128xi32, #tpu.memory_space<vmem>> -> memref<128xi32, #tpu.memory_space<vmem>>
      %dma_start3A_243 = arith.constant 0 : i32
      %dma_start3A_244 = arith.constant 0 : i32
      %dma_start3A_245 = tpu.memref_slice %arg2[%dma_start3A_243, %dma_start3A_244] : memref<1000000x32xf32, #tpu.memory_space<hbm>> -> memref<1000000x32xf32, #tpu.memory_space<hbm>>
      tpu.enqueue_indirect_dma source(%dma_start3A_245 : memref<1000000x32xf32, #tpu.memory_space<hbm>>) target(%dma_start3A_239 : memref<128x32xf32, #tpu.memory_space<vmem>>) offsets(%dma_start3A_242 : memref<128xi32, #tpu.memory_space<vmem>>) semaphore(%arg12 : memref<!tpu.dma_semaphore, #tpu.memory_space<semaphore_mem>>)
      %dma_start3A_246 = arith.constant 0 : i32
      %dma_start3A_247 = arith.constant 0 : i32
      %dma_start3A_248 = arith.constant 0 : i32
      %dma_start3A_249 = tpu.memref_slice %arg11[%dma_start3A_247, %dma_start3A_248] : memref<512x32xf32, #tpu.memory_space<vmem>> -> memref<128x32xf32, #tpu.memory_space<vmem>>
      %dma_start3A_250 = arith.constant 0 : i32
      %dma_start3A_251 = tpu.memref_slice %arg7[%dma_start3A_246, %dma_start3A_250] : memref<4x128xi32, #tpu.memory_space<vmem>> -> memref<1x128xi32, #tpu.memory_space<vmem>>
      %dma_start3A_252 = tpu.memref_squeeze %dma_start3A_251 : memref<1x128xi32, #tpu.memory_space<vmem>> -> memref<128xi32, #tpu.memory_space<vmem>>
      %dma_start3A_253 = arith.constant 0 : i32
      %dma_start3A_254 = arith.constant 0 : i32
      %dma_start3A_255 = tpu.memref_slice %arg3[%dma_start3A_253, %dma_start3A_254] : memref<1000000x32xf32, #tpu.memory_space<hbm>> -> memref<1000000x32xf32, #tpu.memory_space<hbm>>
      tpu.enqueue_indirect_dma source(%dma_start3A_255 : memref<1000000x32xf32, #tpu.memory_space<hbm>>) target(%dma_start3A_249 : memref<128x32xf32, #tpu.memory_space<vmem>>) offsets(%dma_start3A_252 : memref<128xi32, #tpu.memory_space<vmem>>) semaphore(%arg12 : memref<!tpu.dma_semaphore, #tpu.memory_space<semaphore_mem>>)
      %dma_start3A_256 = arith.constant 1 : i32
      %dma_start3A_257 = arith.constant 128 : i32
      %dma_start3A_258 = arith.constant 0 : i32
      %dma_start3A_259 = tpu.memref_slice %arg10[%dma_start3A_257, %dma_start3A_258] : memref<512x32xf32, #tpu.memory_space<vmem>> -> memref<128x32xf32, #tpu.memory_space<vmem>>
      %dma_start3A_260 = arith.constant 0 : i32
      %dma_start3A_261 = tpu.memref_slice %arg7[%dma_start3A_256, %dma_start3A_260] : memref<4x128xi32, #tpu.memory_space<vmem>> -> memref<1x128xi32, #tpu.memory_space<vmem>>
      %dma_start3A_262 = tpu.memref_squeeze %dma_start3A_261 : memref<1x128xi32, #tpu.memory_space<vmem>> -> memref<128xi32, #tpu.memory_space<vmem>>
      %dma_start3A_263 = arith.constant 0 : i32
      %dma_start3A_264 = arith.constant 0 : i32
      %dma_start3A_265 = tpu.memref_slice %arg2[%dma_start3A_263, %dma_start3A_264] : memref<1000000x32xf32, #tpu.memory_space<hbm>> -> memref<1000000x32xf32, #tpu.memory_space<hbm>>
      tpu.enqueue_indirect_dma source(%dma_start3A_265 : memref<1000000x32xf32, #tpu.memory_space<hbm>>) target(%dma_start3A_259 : memref<128x32xf32, #tpu.memory_space<vmem>>) offsets(%dma_start3A_262 : memref<128xi32, #tpu.memory_space<vmem>>) semaphore(%arg12 : memref<!tpu.dma_semaphore, #tpu.memory_space<semaphore_mem>>)
      %dma_start3A_266 = arith.constant 1 : i32
      %dma_start3A_267 = arith.constant 128 : i32
      %dma_start3A_268 = arith.constant 0 : i32
      %dma_start3A_269 = tpu.memref_slice %arg11[%dma_start3A_267, %dma_start3A_268] : memref<512x32xf32, #tpu.memory_space<vmem>> -> memref<128x32xf32, #tpu.memory_space<vmem>>
      %dma_start3A_270 = arith.constant 0 : i32
      %dma_start3A_271 = tpu.memref_slice %arg7[%dma_start3A_266, %dma_start3A_270] : memref<4x128xi32, #tpu.memory_space<vmem>> -> memref<1x128xi32, #tpu.memory_space<vmem>>
      %dma_start3A_272 = tpu.memref_squeeze %dma_start3A_271 : memref<1x128xi32, #tpu.memory_space<vmem>> -> memref<128xi32, #tpu.memory_space<vmem>>
      %dma_start3A_273 = arith.constant 0 : i32
      %dma_start3A_274 = arith.constant 0 : i32
      %dma_start3A_275 = tpu.memref_slice %arg3[%dma_start3A_273, %dma_start3A_274] : memref<1000000x32xf32, #tpu.memory_space<hbm>> -> memref<1000000x32xf32, #tpu.memory_space<hbm>>
      tpu.enqueue_indirect_dma source(%dma_start3A_275 : memref<1000000x32xf32, #tpu.memory_space<hbm>>) target(%dma_start3A_269 : memref<128x32xf32, #tpu.memory_space<vmem>>) offsets(%dma_start3A_272 : memref<128xi32, #tpu.memory_space<vmem>>) semaphore(%arg12 : memref<!tpu.dma_semaphore, #tpu.memory_space<semaphore_mem>>)
      %dma_start3A_276 = arith.constant 2 : i32
      %dma_start3A_277 = arith.constant 256 : i32
      %dma_start3A_278 = arith.constant 0 : i32
      %dma_start3A_279 = tpu.memref_slice %arg10[%dma_start3A_277, %dma_start3A_278] : memref<512x32xf32, #tpu.memory_space<vmem>> -> memref<128x32xf32, #tpu.memory_space<vmem>>
      %dma_start3A_280 = arith.constant 0 : i32
      %dma_start3A_281 = tpu.memref_slice %arg7[%dma_start3A_276, %dma_start3A_280] : memref<4x128xi32, #tpu.memory_space<vmem>> -> memref<1x128xi32, #tpu.memory_space<vmem>>
      %dma_start3A_282 = tpu.memref_squeeze %dma_start3A_281 : memref<1x128xi32, #tpu.memory_space<vmem>> -> memref<128xi32, #tpu.memory_space<vmem>>
      %dma_start3A_283 = arith.constant 0 : i32
      %dma_start3A_284 = arith.constant 0 : i32
      %dma_start3A_285 = tpu.memref_slice %arg2[%dma_start3A_283, %dma_start3A_284] : memref<1000000x32xf32, #tpu.memory_space<hbm>> -> memref<1000000x32xf32, #tpu.memory_space<hbm>>
      tpu.enqueue_indirect_dma source(%dma_start3A_285 : memref<1000000x32xf32, #tpu.memory_space<hbm>>) target(%dma_start3A_279 : memref<128x32xf32, #tpu.memory_space<vmem>>) offsets(%dma_start3A_282 : memref<128xi32, #tpu.memory_space<vmem>>) semaphore(%arg12 : memref<!tpu.dma_semaphore, #tpu.memory_space<semaphore_mem>>)
      %dma_start3A_286 = arith.constant 2 : i32
      %dma_start3A_287 = arith.constant 256 : i32
      %dma_start3A_288 = arith.constant 0 : i32
      %dma_start3A_289 = tpu.memref_slice %arg11[%dma_start3A_287, %dma_start3A_288] : memref<512x32xf32, #tpu.memory_space<vmem>> -> memref<128x32xf32, #tpu.memory_space<vmem>>
      %dma_start3A_290 = arith.constant 0 : i32
      %dma_start3A_291 = tpu.memref_slice %arg7[%dma_start3A_286, %dma_start3A_290] : memref<4x128xi32, #tpu.memory_space<vmem>> -> memref<1x128xi32, #tpu.memory_space<vmem>>
      %dma_start3A_292 = tpu.memref_squeeze %dma_start3A_291 : memref<1x128xi32, #tpu.memory_space<vmem>> -> memref<128xi32, #tpu.memory_space<vmem>>
      %dma_start3A_293 = arith.constant 0 : i32
      %dma_start3A_294 = arith.constant 0 : i32
      %dma_start3A_295 = tpu.memref_slice %arg3[%dma_start3A_293, %dma_start3A_294] : memref<1000000x32xf32, #tpu.memory_space<hbm>> -> memref<1000000x32xf32, #tpu.memory_space<hbm>>
      tpu.enqueue_indirect_dma source(%dma_start3A_295 : memref<1000000x32xf32, #tpu.memory_space<hbm>>) target(%dma_start3A_289 : memref<128x32xf32, #tpu.memory_space<vmem>>) offsets(%dma_start3A_292 : memref<128xi32, #tpu.memory_space<vmem>>) semaphore(%arg12 : memref<!tpu.dma_semaphore, #tpu.memory_space<semaphore_mem>>)
      %dma_start3A_296 = arith.constant 3 : i32
      %dma_start3A_297 = arith.constant 384 : i32
      %dma_start3A_298 = arith.constant 0 : i32
      %dma_start3A_299 = tpu.memref_slice %arg10[%dma_start3A_297, %dma_start3A_298] : memref<512x32xf32, #tpu.memory_space<vmem>> -> memref<128x32xf32, #tpu.memory_space<vmem>>
      %dma_start3A_300 = arith.constant 0 : i32
      %dma_start3A_301 = tpu.memref_slice %arg7[%dma_start3A_296, %dma_start3A_300] : memref<4x128xi32, #tpu.memory_space<vmem>> -> memref<1x128xi32, #tpu.memory_space<vmem>>
      %dma_start3A_302 = tpu.memref_squeeze %dma_start3A_301 : memref<1x128xi32, #tpu.memory_space<vmem>> -> memref<128xi32, #tpu.memory_space<vmem>>
      %dma_start3A_303 = arith.constant 0 : i32
      %dma_start3A_304 = arith.constant 0 : i32
      %dma_start3A_305 = tpu.memref_slice %arg2[%dma_start3A_303, %dma_start3A_304] : memref<1000000x32xf32, #tpu.memory_space<hbm>> -> memref<1000000x32xf32, #tpu.memory_space<hbm>>
      tpu.enqueue_indirect_dma source(%dma_start3A_305 : memref<1000000x32xf32, #tpu.memory_space<hbm>>) target(%dma_start3A_299 : memref<128x32xf32, #tpu.memory_space<vmem>>) offsets(%dma_start3A_302 : memref<128xi32, #tpu.memory_space<vmem>>) semaphore(%arg12 : memref<!tpu.dma_semaphore, #tpu.memory_space<semaphore_mem>>)
      %dma_start3A_306 = arith.constant 3 : i32
      %dma_start3A_307 = arith.constant 384 : i32
      %dma_start3A_308 = arith.constant 0 : i32
      %dma_start3A_309 = tpu.memref_slice %arg11[%dma_start3A_307, %dma_start3A_308] : memref<512x32xf32, #tpu.memory_space<vmem>> -> memref<128x32xf32, #tpu.memory_space<vmem>>
      %dma_start3A_310 = arith.constant 0 : i32
      %dma_start3A_311 = tpu.memref_slice %arg7[%dma_start3A_306, %dma_start3A_310] : memref<4x128xi32, #tpu.memory_space<vmem>> -> memref<1x128xi32, #tpu.memory_space<vmem>>
      %dma_start3A_312 = tpu.memref_squeeze %dma_start3A_311 : memref<1x128xi32, #tpu.memory_space<vmem>> -> memref<128xi32, #tpu.memory_space<vmem>>
      %dma_start3A_313 = arith.constant 0 : i32
      %dma_start3A_314 = arith.constant 0 : i32
      %dma_start3A_315 = tpu.memref_slice %arg3[%dma_start3A_313, %dma_start3A_314] : memref<1000000x32xf32, #tpu.memory_space<hbm>> -> memref<1000000x32xf32, #tpu.memory_space<hbm>>
      tpu.enqueue_indirect_dma source(%dma_start3A_315 : memref<1000000x32xf32, #tpu.memory_space<hbm>>) target(%dma_start3A_309 : memref<128x32xf32, #tpu.memory_space<vmem>>) offsets(%dma_start3A_312 : memref<128xi32, #tpu.memory_space<vmem>>) semaphore(%arg12 : memref<!tpu.dma_semaphore, #tpu.memory_space<semaphore_mem>>)
      %dma_wait3A_316 = arith.constant 0 : i32
      %dma_wait3A_317 = arith.constant 0 : i32
      %dma_wait3A_318 = arith.constant 0 : i32
      %dma_wait3A_319 = tpu.memref_slice %arg10[%dma_wait3A_317, %dma_wait3A_318] : memref<512x32xf32, #tpu.memory_space<vmem>> -> memref<128x32xf32, #tpu.memory_space<vmem>>
      %dma_wait3A_320 = arith.constant 0 : i32
      %dma_wait3A_321 = tpu.memref_slice %arg7[%dma_wait3A_316, %dma_wait3A_320] : memref<4x128xi32, #tpu.memory_space<vmem>> -> memref<1x128xi32, #tpu.memory_space<vmem>>
      %dma_wait3A_322 = tpu.memref_squeeze %dma_wait3A_321 : memref<1x128xi32, #tpu.memory_space<vmem>> -> memref<128xi32, #tpu.memory_space<vmem>>
      %dma_wait3A_323 = arith.constant 0 : i32
      %dma_wait3A_324 = arith.constant 0 : i32
      %dma_wait3A_325 = tpu.memref_slice %arg2[%dma_wait3A_323, %dma_wait3A_324] : memref<1000000x32xf32, #tpu.memory_space<hbm>> -> memref<1000000x32xf32, #tpu.memory_space<hbm>>
      tpu.wait_indirect_dma semaphore(%arg12 : memref<!tpu.dma_semaphore, #tpu.memory_space<semaphore_mem>>) src(%dma_wait3A_325 : memref<1000000x32xf32, #tpu.memory_space<hbm>>) dst(%dma_wait3A_319 : memref<128x32xf32, #tpu.memory_space<vmem>>)
      %dma_wait3A_326 = arith.constant 0 : i32
      %dma_wait3A_327 = arith.constant 0 : i32
      %dma_wait3A_328 = arith.constant 0 : i32
      %dma_wait3A_329 = tpu.memref_slice %arg11[%dma_wait3A_327, %dma_wait3A_328] : memref<512x32xf32, #tpu.memory_space<vmem>> -> memref<128x32xf32, #tpu.memory_space<vmem>>
      %dma_wait3A_330 = arith.constant 0 : i32
      %dma_wait3A_331 = tpu.memref_slice %arg7[%dma_wait3A_326, %dma_wait3A_330] : memref<4x128xi32, #tpu.memory_space<vmem>> -> memref<1x128xi32, #tpu.memory_space<vmem>>
      %dma_wait3A_332 = tpu.memref_squeeze %dma_wait3A_331 : memref<1x128xi32, #tpu.memory_space<vmem>> -> memref<128xi32, #tpu.memory_space<vmem>>
      %dma_wait3A_333 = arith.constant 0 : i32
      %dma_wait3A_334 = arith.constant 0 : i32
      %dma_wait3A_335 = tpu.memref_slice %arg3[%dma_wait3A_333, %dma_wait3A_334] : memref<1000000x32xf32, #tpu.memory_space<hbm>> -> memref<1000000x32xf32, #tpu.memory_space<hbm>>
      tpu.wait_indirect_dma semaphore(%arg12 : memref<!tpu.dma_semaphore, #tpu.memory_space<semaphore_mem>>) src(%dma_wait3A_335 : memref<1000000x32xf32, #tpu.memory_space<hbm>>) dst(%dma_wait3A_329 : memref<128x32xf32, #tpu.memory_space<vmem>>)
      %dma_wait3A_336 = arith.constant 1 : i32
      %dma_wait3A_337 = arith.constant 128 : i32
      %dma_wait3A_338 = arith.constant 0 : i32
      %dma_wait3A_339 = tpu.memref_slice %arg10[%dma_wait3A_337, %dma_wait3A_338] : memref<512x32xf32, #tpu.memory_space<vmem>> -> memref<128x32xf32, #tpu.memory_space<vmem>>
      %dma_wait3A_340 = arith.constant 0 : i32
      %dma_wait3A_341 = tpu.memref_slice %arg7[%dma_wait3A_336, %dma_wait3A_340] : memref<4x128xi32, #tpu.memory_space<vmem>> -> memref<1x128xi32, #tpu.memory_space<vmem>>
      %dma_wait3A_342 = tpu.memref_squeeze %dma_wait3A_341 : memref<1x128xi32, #tpu.memory_space<vmem>> -> memref<128xi32, #tpu.memory_space<vmem>>
      %dma_wait3A_343 = arith.constant 0 : i32
      %dma_wait3A_344 = arith.constant 0 : i32
      %dma_wait3A_345 = tpu.memref_slice %arg2[%dma_wait3A_343, %dma_wait3A_344] : memref<1000000x32xf32, #tpu.memory_space<hbm>> -> memref<1000000x32xf32, #tpu.memory_space<hbm>>
      tpu.wait_indirect_dma semaphore(%arg12 : memref<!tpu.dma_semaphore, #tpu.memory_space<semaphore_mem>>) src(%dma_wait3A_345 : memref<1000000x32xf32, #tpu.memory_space<hbm>>) dst(%dma_wait3A_339 : memref<128x32xf32, #tpu.memory_space<vmem>>)
      %dma_wait3A_346 = arith.constant 1 : i32
      %dma_wait3A_347 = arith.constant 128 : i32
      %dma_wait3A_348 = arith.constant 0 : i32
      %dma_wait3A_349 = tpu.memref_slice %arg11[%dma_wait3A_347, %dma_wait3A_348] : memref<512x32xf32, #tpu.memory_space<vmem>> -> memref<128x32xf32, #tpu.memory_space<vmem>>
      %dma_wait3A_350 = arith.constant 0 : i32
      %dma_wait3A_351 = tpu.memref_slice %arg7[%dma_wait3A_346, %dma_wait3A_350] : memref<4x128xi32, #tpu.memory_space<vmem>> -> memref<1x128xi32, #tpu.memory_space<vmem>>
      %dma_wait3A_352 = tpu.memref_squeeze %dma_wait3A_351 : memref<1x128xi32, #tpu.memory_space<vmem>> -> memref<128xi32, #tpu.memory_space<vmem>>
      %dma_wait3A_353 = arith.constant 0 : i32
      %dma_wait3A_354 = arith.constant 0 : i32
      %dma_wait3A_355 = tpu.memref_slice %arg3[%dma_wait3A_353, %dma_wait3A_354] : memref<1000000x32xf32, #tpu.memory_space<hbm>> -> memref<1000000x32xf32, #tpu.memory_space<hbm>>
      tpu.wait_indirect_dma semaphore(%arg12 : memref<!tpu.dma_semaphore, #tpu.memory_space<semaphore_mem>>) src(%dma_wait3A_355 : memref<1000000x32xf32, #tpu.memory_space<hbm>>) dst(%dma_wait3A_349 : memref<128x32xf32, #tpu.memory_space<vmem>>)
      %dma_wait3A_356 = arith.constant 2 : i32
      %dma_wait3A_357 = arith.constant 256 : i32
      %dma_wait3A_358 = arith.constant 0 : i32
      %dma_wait3A_359 = tpu.memref_slice %arg10[%dma_wait3A_357, %dma_wait3A_358] : memref<512x32xf32, #tpu.memory_space<vmem>> -> memref<128x32xf32, #tpu.memory_space<vmem>>
      %dma_wait3A_360 = arith.constant 0 : i32
      %dma_wait3A_361 = tpu.memref_slice %arg7[%dma_wait3A_356, %dma_wait3A_360] : memref<4x128xi32, #tpu.memory_space<vmem>> -> memref<1x128xi32, #tpu.memory_space<vmem>>
      %dma_wait3A_362 = tpu.memref_squeeze %dma_wait3A_361 : memref<1x128xi32, #tpu.memory_space<vmem>> -> memref<128xi32, #tpu.memory_space<vmem>>
      %dma_wait3A_363 = arith.constant 0 : i32
      %dma_wait3A_364 = arith.constant 0 : i32
      %dma_wait3A_365 = tpu.memref_slice %arg2[%dma_wait3A_363, %dma_wait3A_364] : memref<1000000x32xf32, #tpu.memory_space<hbm>> -> memref<1000000x32xf32, #tpu.memory_space<hbm>>
      tpu.wait_indirect_dma semaphore(%arg12 : memref<!tpu.dma_semaphore, #tpu.memory_space<semaphore_mem>>) src(%dma_wait3A_365 : memref<1000000x32xf32, #tpu.memory_space<hbm>>) dst(%dma_wait3A_359 : memref<128x32xf32, #tpu.memory_space<vmem>>)
      %dma_wait3A_366 = arith.constant 2 : i32
      %dma_wait3A_367 = arith.constant 256 : i32
      %dma_wait3A_368 = arith.constant 0 : i32
      %dma_wait3A_369 = tpu.memref_slice %arg11[%dma_wait3A_367, %dma_wait3A_368] : memref<512x32xf32, #tpu.memory_space<vmem>> -> memref<128x32xf32, #tpu.memory_space<vmem>>
      %dma_wait3A_370 = arith.constant 0 : i32
      %dma_wait3A_371 = tpu.memref_slice %arg7[%dma_wait3A_366, %dma_wait3A_370] : memref<4x128xi32, #tpu.memory_space<vmem>> -> memref<1x128xi32, #tpu.memory_space<vmem>>
      %dma_wait3A_372 = tpu.memref_squeeze %dma_wait3A_371 : memref<1x128xi32, #tpu.memory_space<vmem>> -> memref<128xi32, #tpu.memory_space<vmem>>
      %dma_wait3A_373 = arith.constant 0 : i32
      %dma_wait3A_374 = arith.constant 0 : i32
      %dma_wait3A_375 = tpu.memref_slice %arg3[%dma_wait3A_373, %dma_wait3A_374] : memref<1000000x32xf32, #tpu.memory_space<hbm>> -> memref<1000000x32xf32, #tpu.memory_space<hbm>>
      tpu.wait_indirect_dma semaphore(%arg12 : memref<!tpu.dma_semaphore, #tpu.memory_space<semaphore_mem>>) src(%dma_wait3A_375 : memref<1000000x32xf32, #tpu.memory_space<hbm>>) dst(%dma_wait3A_369 : memref<128x32xf32, #tpu.memory_space<vmem>>)
      %dma_wait3A_376 = arith.constant 3 : i32
      %dma_wait3A_377 = arith.constant 384 : i32
      %dma_wait3A_378 = arith.constant 0 : i32
      %dma_wait3A_379 = tpu.memref_slice %arg10[%dma_wait3A_377, %dma_wait3A_378] : memref<512x32xf32, #tpu.memory_space<vmem>> -> memref<128x32xf32, #tpu.memory_space<vmem>>
      %dma_wait3A_380 = arith.constant 0 : i32
      %dma_wait3A_381 = tpu.memref_slice %arg7[%dma_wait3A_376, %dma_wait3A_380] : memref<4x128xi32, #tpu.memory_space<vmem>> -> memref<1x128xi32, #tpu.memory_space<vmem>>
      %dma_wait3A_382 = tpu.memref_squeeze %dma_wait3A_381 : memref<1x128xi32, #tpu.memory_space<vmem>> -> memref<128xi32, #tpu.memory_space<vmem>>
      %dma_wait3A_383 = arith.constant 0 : i32
      %dma_wait3A_384 = arith.constant 0 : i32
      %dma_wait3A_385 = tpu.memref_slice %arg2[%dma_wait3A_383, %dma_wait3A_384] : memref<1000000x32xf32, #tpu.memory_space<hbm>> -> memref<1000000x32xf32, #tpu.memory_space<hbm>>
      tpu.wait_indirect_dma semaphore(%arg12 : memref<!tpu.dma_semaphore, #tpu.memory_space<semaphore_mem>>) src(%dma_wait3A_385 : memref<1000000x32xf32, #tpu.memory_space<hbm>>) dst(%dma_wait3A_379 : memref<128x32xf32, #tpu.memory_space<vmem>>)
      %dma_wait3A_386 = arith.constant 3 : i32
      %dma_wait3A_387 = arith.constant 384 : i32
      %dma_wait3A_388 = arith.constant 0 : i32
      %dma_wait3A_389 = tpu.memref_slice %arg11[%dma_wait3A_387, %dma_wait3A_388] : memref<512x32xf32, #tpu.memory_space<vmem>> -> memref<128x32xf32, #tpu.memory_space<vmem>>
      %dma_wait3A_390 = arith.constant 0 : i32
      %dma_wait3A_391 = tpu.memref_slice %arg7[%dma_wait3A_386, %dma_wait3A_390] : memref<4x128xi32, #tpu.memory_space<vmem>> -> memref<1x128xi32, #tpu.memory_space<vmem>>
      %dma_wait3A_392 = tpu.memref_squeeze %dma_wait3A_391 : memref<1x128xi32, #tpu.memory_space<vmem>> -> memref<128xi32, #tpu.memory_space<vmem>>
      %dma_wait3A_393 = arith.constant 0 : i32
      %dma_wait3A_394 = arith.constant 0 : i32
      %dma_wait3A_395 = tpu.memref_slice %arg3[%dma_wait3A_393, %dma_wait3A_394] : memref<1000000x32xf32, #tpu.memory_space<hbm>> -> memref<1000000x32xf32, #tpu.memory_space<hbm>>
      tpu.wait_indirect_dma semaphore(%arg12 : memref<!tpu.dma_semaphore, #tpu.memory_space<semaphore_mem>>) src(%dma_wait3A_395 : memref<1000000x32xf32, #tpu.memory_space<hbm>>) dst(%dma_wait3A_389 : memref<128x32xf32, #tpu.memory_space<vmem>>)
      %dma_start3A_396 = arith.constant 0 : i32
      %dma_start3A_397 = tpu.memref_slice %arg5[%multiple_of3A_230, %dma_start3A_396] : memref<1048576x32xf32, #tpu.memory_space<hbm>> -> memref<512x32xf32, #tpu.memory_space<hbm>>
      %dma_start3A_398 = arith.constant 0 : i32
      %dma_start3A_399 = tpu.memref_slice %arg5[%multiple_of3A_230, %dma_start3A_398] : memref<1048576x32xf32, #tpu.memory_space<hbm>> -> memref<512x32xf32, #tpu.memory_space<hbm>>
      tpu.enqueue_dma source(%arg10 : memref<512x32xf32, #tpu.memory_space<vmem>>) target(%dma_start3A_399 : memref<512x32xf32, #tpu.memory_space<hbm>>) target_semaphore(%arg14 : memref<!tpu.dma_semaphore, #tpu.memory_space<semaphore_mem>>)
      %dma_start3A_400 = arith.constant 0 : i32
      %dma_start3A_401 = tpu.memref_slice %arg6[%multiple_of3A_230, %dma_start3A_400] : memref<1048576x32xf32, #tpu.memory_space<hbm>> -> memref<512x32xf32, #tpu.memory_space<hbm>>
      %dma_start3A_402 = arith.constant 0 : i32
      %dma_start3A_403 = tpu.memref_slice %arg6[%multiple_of3A_230, %dma_start3A_402] : memref<1048576x32xf32, #tpu.memory_space<hbm>> -> memref<512x32xf32, #tpu.memory_space<hbm>>
      tpu.enqueue_dma source(%arg11 : memref<512x32xf32, #tpu.memory_space<vmem>>) target(%dma_start3A_403 : memref<512x32xf32, #tpu.memory_space<hbm>>) target_semaphore(%arg14 : memref<!tpu.dma_semaphore, #tpu.memory_space<semaphore_mem>>)
    }
    %scan3A_5 = arith.constant 32 : i32
    %dma_wait3A = arith.constant 0 : i32
    %dma_wait3A_6 = arith.constant 0 : i32
    %dma_wait3A_7 = tpu.memref_slice %arg5[%dma_wait3A, %dma_wait3A_6] : memref<1048576x32xf32, #tpu.memory_space<hbm>> -> memref<512x32xf32, #tpu.memory_space<hbm>>
    %dma_wait3A_8 = arith.constant 0 : i32
    %dma_wait3A_9 = arith.constant 0 : i32
    %dma_wait3A_10 = tpu.memref_slice %arg5[%dma_wait3A_8, %dma_wait3A_9] : memref<1048576x32xf32, #tpu.memory_space<hbm>> -> memref<512x32xf32, #tpu.memory_space<hbm>>
    tpu.wait_dma2 semaphore(%arg13 : memref<!tpu.dma_semaphore, #tpu.memory_space<semaphore_mem>>) src(%arg8 : memref<512x32xf32, #tpu.memory_space<vmem>>) dst(%dma_wait3A_10 : memref<512x32xf32, #tpu.memory_space<hbm>>)
    %dma_wait3A_11 = arith.constant 0 : i32
    %dma_wait3A_12 = arith.constant 0 : i32
    %dma_wait3A_13 = tpu.memref_slice %arg6[%dma_wait3A_11, %dma_wait3A_12] : memref<1048576x32xf32, #tpu.memory_space<hbm>> -> memref<512x32xf32, #tpu.memory_space<hbm>>
    %dma_wait3A_14 = arith.constant 0 : i32
    %dma_wait3A_15 = arith.constant 0 : i32
    %dma_wait3A_16 = tpu.memref_slice %arg6[%dma_wait3A_14, %dma_wait3A_15] : memref<1048576x32xf32, #tpu.memory_space<hbm>> -> memref<512x32xf32, #tpu.memory_space<hbm>>
    tpu.wait_dma2 semaphore(%arg13 : memref<!tpu.dma_semaphore, #tpu.memory_space<semaphore_mem>>) src(%arg9 : memref<512x32xf32, #tpu.memory_space<vmem>>) dst(%dma_wait3A_16 : memref<512x32xf32, #tpu.memory_space<hbm>>)
    %dma_wait3A_17 = arith.constant 0 : i32
    %dma_wait3A_18 = arith.constant 0 : i32
    %dma_wait3A_19 = tpu.memref_slice %arg5[%dma_wait3A_17, %dma_wait3A_18] : memref<1048576x32xf32, #tpu.memory_space<hbm>> -> memref<512x32xf32, #tpu.memory_space<hbm>>
    %dma_wait3A_20 = arith.constant 0 : i32
    %dma_wait3A_21 = arith.constant 0 : i32
    %dma_wait3A_22 = tpu.memref_slice %arg5[%dma_wait3A_20, %dma_wait3A_21] : memref<1048576x32xf32, #tpu.memory_space<hbm>> -> memref<512x32xf32, #tpu.memory_space<hbm>>
    tpu.wait_dma2 semaphore(%arg14 : memref<!tpu.dma_semaphore, #tpu.memory_space<semaphore_mem>>) src(%arg10 : memref<512x32xf32, #tpu.memory_space<vmem>>) dst(%dma_wait3A_22 : memref<512x32xf32, #tpu.memory_space<hbm>>)
    %dma_wait3A_23 = arith.constant 0 : i32
    %dma_wait3A_24 = arith.constant 0 : i32
    %dma_wait3A_25 = tpu.memref_slice %arg6[%dma_wait3A_23, %dma_wait3A_24] : memref<1048576x32xf32, #tpu.memory_space<hbm>> -> memref<512x32xf32, #tpu.memory_space<hbm>>
    %dma_wait3A_26 = arith.constant 0 : i32
    %dma_wait3A_27 = arith.constant 0 : i32
    %dma_wait3A_28 = tpu.memref_slice %arg6[%dma_wait3A_26, %dma_wait3A_27] : memref<1048576x32xf32, #tpu.memory_space<hbm>> -> memref<512x32xf32, #tpu.memory_space<hbm>>
    tpu.wait_dma2 semaphore(%arg14 : memref<!tpu.dma_semaphore, #tpu.memory_space<semaphore_mem>>) src(%arg11 : memref<512x32xf32, #tpu.memory_space<vmem>>) dst(%dma_wait3A_28 : memref<512x32xf32, #tpu.memory_space<hbm>>)
    return
  }
}

#map = affine_map<(d0, d1) -> (0, 0)>
module attributes {stable_mosaic.version = 14 : i64} {
  func.func @_gather_sets(%arg0: i32, %arg1: i32, %arg2: memref<50000x32xi32, #tpu.memory_space<hbm>>, %arg3: memref<50000x32xf32, #tpu.memory_space<hbm>>, %arg4: memref<256x128xi32, #tpu.memory_space<hbm>>, %arg5: memref<32768x32xi32, #tpu.memory_space<hbm>>, %arg6: memref<32768x32xf32, #tpu.memory_space<hbm>>, %arg7: memref<8x128xi32, #tpu.memory_space<vmem>>, %arg8: memref<128x32xi32, #tpu.memory_space<vmem>>, %arg9: memref<128x32xf32, #tpu.memory_space<vmem>>, %arg10: memref<!tpu.dma_semaphore, #tpu.memory_space<semaphore_mem>>) attributes {dimension_semantics = [#tpu.dimension_semantics<core_parallel>, #tpu.dimension_semantics<subcore_parallel>], iteration_bounds = array<i64: 2, 16>, scalar_prefetch = 0 : i64, scratch_operands = 4 : i64, tpu.core_type = #tpu.core_type<sc_vector_subcore>, window_params = [{transform_indices = #map}, {transform_indices = #map}, {transform_indices = #map}, {transform_indices = #map}, {transform_indices = #map}]} {
    %mul3A = arith.constant 2 : i32
    %mul3A_0 = arith.muli %arg1, %mul3A : i32
    %add3A = arith.addi %mul3A_0, %arg0 : i32
    %mul3A_1 = arith.constant 8 : i32
    %mul3A_2 = arith.muli %add3A, %mul3A_1 : i32
    "tpu.region"() ({
      %run_scoped3A = tpu.sem_alloc : memref<!tpu.dma_semaphore, #tpu.memory_space<semaphore_mem>>
      %dma_start3A_289 = arith.constant 0 : i32
      %dma_start3A_290 = tpu.memref_slice %arg4[%mul3A_2, %dma_start3A_289] : memref<256x128xi32, #tpu.memory_space<hbm>> -> memref<8x128xi32, #tpu.memory_space<hbm>>
      %dma_start3A_291 = arith.constant 0 : i32
      %dma_start3A_292 = tpu.memref_slice %arg4[%mul3A_2, %dma_start3A_291] : memref<256x128xi32, #tpu.memory_space<hbm>> -> memref<8x128xi32, #tpu.memory_space<hbm>>
      tpu.enqueue_dma source(%dma_start3A_292 : memref<8x128xi32, #tpu.memory_space<hbm>>) target(%arg7 : memref<8x128xi32, #tpu.memory_space<vmem>>) target_semaphore(%run_scoped3A : memref<!tpu.dma_semaphore, #tpu.memory_space<semaphore_mem>>)
      %dma_wait3A_293 = arith.constant 0 : i32
      %dma_wait3A_294 = tpu.memref_slice %arg4[%mul3A_2, %dma_wait3A_293] : memref<256x128xi32, #tpu.memory_space<hbm>> -> memref<8x128xi32, #tpu.memory_space<hbm>>
      %dma_wait3A_295 = arith.constant 0 : i32
      %dma_wait3A_296 = tpu.memref_slice %arg4[%mul3A_2, %dma_wait3A_295] : memref<256x128xi32, #tpu.memory_space<hbm>> -> memref<8x128xi32, #tpu.memory_space<hbm>>
      tpu.wait_dma2 semaphore(%run_scoped3A : memref<!tpu.dma_semaphore, #tpu.memory_space<semaphore_mem>>) src(%dma_wait3A_296 : memref<8x128xi32, #tpu.memory_space<hbm>>) dst(%arg7 : memref<8x128xi32, #tpu.memory_space<vmem>>)
      tpu.yield
    }) : () -> ()
    %dma_start3A = arith.constant 0 : i32
    %dma_start3A_3 = arith.constant 0 : i32
    %dma_start3A_4 = tpu.memref_slice %arg7[%dma_start3A, %dma_start3A_3] : memref<8x128xi32, #tpu.memory_space<vmem>> -> memref<1x128xi32, #tpu.memory_space<vmem>>
    %dma_start3A_5 = tpu.memref_squeeze %dma_start3A_4 : memref<1x128xi32, #tpu.memory_space<vmem>> -> memref<128xi32, #tpu.memory_space<vmem>>
    %dma_start3A_6 = arith.constant 0 : i32
    %dma_start3A_7 = arith.constant 0 : i32
    %dma_start3A_8 = tpu.memref_slice %arg2[%dma_start3A_6, %dma_start3A_7] : memref<50000x32xi32, #tpu.memory_space<hbm>> -> memref<50000x32xi32, #tpu.memory_space<hbm>>
    tpu.enqueue_indirect_dma source(%dma_start3A_8 : memref<50000x32xi32, #tpu.memory_space<hbm>>) target(%arg8 : memref<128x32xi32, #tpu.memory_space<vmem>>) offsets(%dma_start3A_5 : memref<128xi32, #tpu.memory_space<vmem>>) semaphore(%arg10 : memref<!tpu.dma_semaphore, #tpu.memory_space<semaphore_mem>>)
    %dma_wait3A = arith.constant 0 : i32
    %dma_wait3A_9 = arith.constant 0 : i32
    %dma_wait3A_10 = tpu.memref_slice %arg7[%dma_wait3A, %dma_wait3A_9] : memref<8x128xi32, #tpu.memory_space<vmem>> -> memref<1x128xi32, #tpu.memory_space<vmem>>
    %dma_wait3A_11 = tpu.memref_squeeze %dma_wait3A_10 : memref<1x128xi32, #tpu.memory_space<vmem>> -> memref<128xi32, #tpu.memory_space<vmem>>
    %dma_wait3A_12 = arith.constant 0 : i32
    %dma_wait3A_13 = arith.constant 0 : i32
    %dma_wait3A_14 = tpu.memref_slice %arg2[%dma_wait3A_12, %dma_wait3A_13] : memref<50000x32xi32, #tpu.memory_space<hbm>> -> memref<50000x32xi32, #tpu.memory_space<hbm>>
    tpu.wait_indirect_dma semaphore(%arg10 : memref<!tpu.dma_semaphore, #tpu.memory_space<semaphore_mem>>) src(%dma_wait3A_14 : memref<50000x32xi32, #tpu.memory_space<hbm>>) dst(%arg8 : memref<128x32xi32, #tpu.memory_space<vmem>>)
    %mul3A_15 = arith.constant 1024 : i32
    %mul3A_16 = arith.muli %add3A, %mul3A_15 : i32
    %add3A_17 = arith.constant 0 : i32
    %add3A_18 = arith.addi %mul3A_16, %add3A_17 : i32
    "tpu.region"() ({
      %run_scoped3A = tpu.sem_alloc : memref<!tpu.dma_semaphore, #tpu.memory_space<semaphore_mem>>
      %dma_start3A_289 = arith.constant 0 : i32
      %dma_start3A_290 = tpu.memref_slice %arg5[%add3A_18, %dma_start3A_289] : memref<32768x32xi32, #tpu.memory_space<hbm>> -> memref<128x32xi32, #tpu.memory_space<hbm>>
      %dma_start3A_291 = arith.constant 0 : i32
      %dma_start3A_292 = tpu.memref_slice %arg5[%add3A_18, %dma_start3A_291] : memref<32768x32xi32, #tpu.memory_space<hbm>> -> memref<128x32xi32, #tpu.memory_space<hbm>>
      tpu.enqueue_dma source(%arg8 : memref<128x32xi32, #tpu.memory_space<vmem>>) target(%dma_start3A_292 : memref<128x32xi32, #tpu.memory_space<hbm>>) target_semaphore(%run_scoped3A : memref<!tpu.dma_semaphore, #tpu.memory_space<semaphore_mem>>)
      %dma_wait3A_293 = arith.constant 0 : i32
      %dma_wait3A_294 = tpu.memref_slice %arg5[%add3A_18, %dma_wait3A_293] : memref<32768x32xi32, #tpu.memory_space<hbm>> -> memref<128x32xi32, #tpu.memory_space<hbm>>
      %dma_wait3A_295 = arith.constant 0 : i32
      %dma_wait3A_296 = tpu.memref_slice %arg5[%add3A_18, %dma_wait3A_295] : memref<32768x32xi32, #tpu.memory_space<hbm>> -> memref<128x32xi32, #tpu.memory_space<hbm>>
      tpu.wait_dma2 semaphore(%run_scoped3A : memref<!tpu.dma_semaphore, #tpu.memory_space<semaphore_mem>>) src(%arg8 : memref<128x32xi32, #tpu.memory_space<vmem>>) dst(%dma_wait3A_296 : memref<128x32xi32, #tpu.memory_space<hbm>>)
      tpu.yield
    }) : () -> ()
    %dma_start3A_19 = arith.constant 0 : i32
    %dma_start3A_20 = arith.constant 0 : i32
    %dma_start3A_21 = tpu.memref_slice %arg7[%dma_start3A_19, %dma_start3A_20] : memref<8x128xi32, #tpu.memory_space<vmem>> -> memref<1x128xi32, #tpu.memory_space<vmem>>
    %dma_start3A_22 = tpu.memref_squeeze %dma_start3A_21 : memref<1x128xi32, #tpu.memory_space<vmem>> -> memref<128xi32, #tpu.memory_space<vmem>>
    %dma_start3A_23 = arith.constant 0 : i32
    %dma_start3A_24 = arith.constant 0 : i32
    %dma_start3A_25 = tpu.memref_slice %arg3[%dma_start3A_23, %dma_start3A_24] : memref<50000x32xf32, #tpu.memory_space<hbm>> -> memref<50000x32xf32, #tpu.memory_space<hbm>>
    tpu.enqueue_indirect_dma source(%dma_start3A_25 : memref<50000x32xf32, #tpu.memory_space<hbm>>) target(%arg9 : memref<128x32xf32, #tpu.memory_space<vmem>>) offsets(%dma_start3A_22 : memref<128xi32, #tpu.memory_space<vmem>>) semaphore(%arg10 : memref<!tpu.dma_semaphore, #tpu.memory_space<semaphore_mem>>)
    %dma_wait3A_26 = arith.constant 0 : i32
    %dma_wait3A_27 = arith.constant 0 : i32
    %dma_wait3A_28 = tpu.memref_slice %arg7[%dma_wait3A_26, %dma_wait3A_27] : memref<8x128xi32, #tpu.memory_space<vmem>> -> memref<1x128xi32, #tpu.memory_space<vmem>>
    %dma_wait3A_29 = tpu.memref_squeeze %dma_wait3A_28 : memref<1x128xi32, #tpu.memory_space<vmem>> -> memref<128xi32, #tpu.memory_space<vmem>>
    %dma_wait3A_30 = arith.constant 0 : i32
    %dma_wait3A_31 = arith.constant 0 : i32
    %dma_wait3A_32 = tpu.memref_slice %arg3[%dma_wait3A_30, %dma_wait3A_31] : memref<50000x32xf32, #tpu.memory_space<hbm>> -> memref<50000x32xf32, #tpu.memory_space<hbm>>
    tpu.wait_indirect_dma semaphore(%arg10 : memref<!tpu.dma_semaphore, #tpu.memory_space<semaphore_mem>>) src(%dma_wait3A_32 : memref<50000x32xf32, #tpu.memory_space<hbm>>) dst(%arg9 : memref<128x32xf32, #tpu.memory_space<vmem>>)
    %mul3A_33 = arith.constant 1024 : i32
    %mul3A_34 = arith.muli %add3A, %mul3A_33 : i32
    %add3A_35 = arith.constant 0 : i32
    %add3A_36 = arith.addi %mul3A_34, %add3A_35 : i32
    "tpu.region"() ({
      %run_scoped3A = tpu.sem_alloc : memref<!tpu.dma_semaphore, #tpu.memory_space<semaphore_mem>>
      %dma_start3A_289 = arith.constant 0 : i32
      %dma_start3A_290 = tpu.memref_slice %arg6[%add3A_36, %dma_start3A_289] : memref<32768x32xf32, #tpu.memory_space<hbm>> -> memref<128x32xf32, #tpu.memory_space<hbm>>
      %dma_start3A_291 = arith.constant 0 : i32
      %dma_start3A_292 = tpu.memref_slice %arg6[%add3A_36, %dma_start3A_291] : memref<32768x32xf32, #tpu.memory_space<hbm>> -> memref<128x32xf32, #tpu.memory_space<hbm>>
      tpu.enqueue_dma source(%arg9 : memref<128x32xf32, #tpu.memory_space<vmem>>) target(%dma_start3A_292 : memref<128x32xf32, #tpu.memory_space<hbm>>) target_semaphore(%run_scoped3A : memref<!tpu.dma_semaphore, #tpu.memory_space<semaphore_mem>>)
      %dma_wait3A_293 = arith.constant 0 : i32
      %dma_wait3A_294 = tpu.memref_slice %arg6[%add3A_36, %dma_wait3A_293] : memref<32768x32xf32, #tpu.memory_space<hbm>> -> memref<128x32xf32, #tpu.memory_space<hbm>>
      %dma_wait3A_295 = arith.constant 0 : i32
      %dma_wait3A_296 = tpu.memref_slice %arg6[%add3A_36, %dma_wait3A_295] : memref<32768x32xf32, #tpu.memory_space<hbm>> -> memref<128x32xf32, #tpu.memory_space<hbm>>
      tpu.wait_dma2 semaphore(%run_scoped3A : memref<!tpu.dma_semaphore, #tpu.memory_space<semaphore_mem>>) src(%arg9 : memref<128x32xf32, #tpu.memory_space<vmem>>) dst(%dma_wait3A_296 : memref<128x32xf32, #tpu.memory_space<hbm>>)
      tpu.yield
    }) : () -> ()
    %dma_start3A_37 = arith.constant 1 : i32
    %dma_start3A_38 = arith.constant 0 : i32
    %dma_start3A_39 = tpu.memref_slice %arg7[%dma_start3A_37, %dma_start3A_38] : memref<8x128xi32, #tpu.memory_space<vmem>> -> memref<1x128xi32, #tpu.memory_space<vmem>>
    %dma_start3A_40 = tpu.memref_squeeze %dma_start3A_39 : memref<1x128xi32, #tpu.memory_space<vmem>> -> memref<128xi32, #tpu.memory_space<vmem>>
    %dma_start3A_41 = arith.constant 0 : i32
    %dma_start3A_42 = arith.constant 0 : i32
    %dma_start3A_43 = tpu.memref_slice %arg2[%dma_start3A_41, %dma_start3A_42] : memref<50000x32xi32, #tpu.memory_space<hbm>> -> memref<50000x32xi32, #tpu.memory_space<hbm>>
    tpu.enqueue_indirect_dma source(%dma_start3A_43 : memref<50000x32xi32, #tpu.memory_space<hbm>>) target(%arg8 : memref<128x32xi32, #tpu.memory_space<vmem>>) offsets(%dma_start3A_40 : memref<128xi32, #tpu.memory_space<vmem>>) semaphore(%arg10 : memref<!tpu.dma_semaphore, #tpu.memory_space<semaphore_mem>>)
    %dma_wait3A_44 = arith.constant 1 : i32
    %dma_wait3A_45 = arith.constant 0 : i32
    %dma_wait3A_46 = tpu.memref_slice %arg7[%dma_wait3A_44, %dma_wait3A_45] : memref<8x128xi32, #tpu.memory_space<vmem>> -> memref<1x128xi32, #tpu.memory_space<vmem>>
    %dma_wait3A_47 = tpu.memref_squeeze %dma_wait3A_46 : memref<1x128xi32, #tpu.memory_space<vmem>> -> memref<128xi32, #tpu.memory_space<vmem>>
    %dma_wait3A_48 = arith.constant 0 : i32
    %dma_wait3A_49 = arith.constant 0 : i32
    %dma_wait3A_50 = tpu.memref_slice %arg2[%dma_wait3A_48, %dma_wait3A_49] : memref<50000x32xi32, #tpu.memory_space<hbm>> -> memref<50000x32xi32, #tpu.memory_space<hbm>>
    tpu.wait_indirect_dma semaphore(%arg10 : memref<!tpu.dma_semaphore, #tpu.memory_space<semaphore_mem>>) src(%dma_wait3A_50 : memref<50000x32xi32, #tpu.memory_space<hbm>>) dst(%arg8 : memref<128x32xi32, #tpu.memory_space<vmem>>)
    %mul3A_51 = arith.constant 1024 : i32
    %mul3A_52 = arith.muli %add3A, %mul3A_51 : i32
    %add3A_53 = arith.constant 128 : i32
    %add3A_54 = arith.addi %mul3A_52, %add3A_53 : i32
    "tpu.region"() ({
      %run_scoped3A = tpu.sem_alloc : memref<!tpu.dma_semaphore, #tpu.memory_space<semaphore_mem>>
      %dma_start3A_289 = arith.constant 0 : i32
      %dma_start3A_290 = tpu.memref_slice %arg5[%add3A_54, %dma_start3A_289] : memref<32768x32xi32, #tpu.memory_space<hbm>> -> memref<128x32xi32, #tpu.memory_space<hbm>>
      %dma_start3A_291 = arith.constant 0 : i32
      %dma_start3A_292 = tpu.memref_slice %arg5[%add3A_54, %dma_start3A_291] : memref<32768x32xi32, #tpu.memory_space<hbm>> -> memref<128x32xi32, #tpu.memory_space<hbm>>
      tpu.enqueue_dma source(%arg8 : memref<128x32xi32, #tpu.memory_space<vmem>>) target(%dma_start3A_292 : memref<128x32xi32, #tpu.memory_space<hbm>>) target_semaphore(%run_scoped3A : memref<!tpu.dma_semaphore, #tpu.memory_space<semaphore_mem>>)
      %dma_wait3A_293 = arith.constant 0 : i32
      %dma_wait3A_294 = tpu.memref_slice %arg5[%add3A_54, %dma_wait3A_293] : memref<32768x32xi32, #tpu.memory_space<hbm>> -> memref<128x32xi32, #tpu.memory_space<hbm>>
      %dma_wait3A_295 = arith.constant 0 : i32
      %dma_wait3A_296 = tpu.memref_slice %arg5[%add3A_54, %dma_wait3A_295] : memref<32768x32xi32, #tpu.memory_space<hbm>> -> memref<128x32xi32, #tpu.memory_space<hbm>>
      tpu.wait_dma2 semaphore(%run_scoped3A : memref<!tpu.dma_semaphore, #tpu.memory_space<semaphore_mem>>) src(%arg8 : memref<128x32xi32, #tpu.memory_space<vmem>>) dst(%dma_wait3A_296 : memref<128x32xi32, #tpu.memory_space<hbm>>)
      tpu.yield
    }) : () -> ()
    %dma_start3A_55 = arith.constant 1 : i32
    %dma_start3A_56 = arith.constant 0 : i32
    %dma_start3A_57 = tpu.memref_slice %arg7[%dma_start3A_55, %dma_start3A_56] : memref<8x128xi32, #tpu.memory_space<vmem>> -> memref<1x128xi32, #tpu.memory_space<vmem>>
    %dma_start3A_58 = tpu.memref_squeeze %dma_start3A_57 : memref<1x128xi32, #tpu.memory_space<vmem>> -> memref<128xi32, #tpu.memory_space<vmem>>
    %dma_start3A_59 = arith.constant 0 : i32
    %dma_start3A_60 = arith.constant 0 : i32
    %dma_start3A_61 = tpu.memref_slice %arg3[%dma_start3A_59, %dma_start3A_60] : memref<50000x32xf32, #tpu.memory_space<hbm>> -> memref<50000x32xf32, #tpu.memory_space<hbm>>
    tpu.enqueue_indirect_dma source(%dma_start3A_61 : memref<50000x32xf32, #tpu.memory_space<hbm>>) target(%arg9 : memref<128x32xf32, #tpu.memory_space<vmem>>) offsets(%dma_start3A_58 : memref<128xi32, #tpu.memory_space<vmem>>) semaphore(%arg10 : memref<!tpu.dma_semaphore, #tpu.memory_space<semaphore_mem>>)
    %dma_wait3A_62 = arith.constant 1 : i32
    %dma_wait3A_63 = arith.constant 0 : i32
    %dma_wait3A_64 = tpu.memref_slice %arg7[%dma_wait3A_62, %dma_wait3A_63] : memref<8x128xi32, #tpu.memory_space<vmem>> -> memref<1x128xi32, #tpu.memory_space<vmem>>
    %dma_wait3A_65 = tpu.memref_squeeze %dma_wait3A_64 : memref<1x128xi32, #tpu.memory_space<vmem>> -> memref<128xi32, #tpu.memory_space<vmem>>
    %dma_wait3A_66 = arith.constant 0 : i32
    %dma_wait3A_67 = arith.constant 0 : i32
    %dma_wait3A_68 = tpu.memref_slice %arg3[%dma_wait3A_66, %dma_wait3A_67] : memref<50000x32xf32, #tpu.memory_space<hbm>> -> memref<50000x32xf32, #tpu.memory_space<hbm>>
    tpu.wait_indirect_dma semaphore(%arg10 : memref<!tpu.dma_semaphore, #tpu.memory_space<semaphore_mem>>) src(%dma_wait3A_68 : memref<50000x32xf32, #tpu.memory_space<hbm>>) dst(%arg9 : memref<128x32xf32, #tpu.memory_space<vmem>>)
    %mul3A_69 = arith.constant 1024 : i32
    %mul3A_70 = arith.muli %add3A, %mul3A_69 : i32
    %add3A_71 = arith.constant 128 : i32
    %add3A_72 = arith.addi %mul3A_70, %add3A_71 : i32
    "tpu.region"() ({
      %run_scoped3A = tpu.sem_alloc : memref<!tpu.dma_semaphore, #tpu.memory_space<semaphore_mem>>
      %dma_start3A_289 = arith.constant 0 : i32
      %dma_start3A_290 = tpu.memref_slice %arg6[%add3A_72, %dma_start3A_289] : memref<32768x32xf32, #tpu.memory_space<hbm>> -> memref<128x32xf32, #tpu.memory_space<hbm>>
      %dma_start3A_291 = arith.constant 0 : i32
      %dma_start3A_292 = tpu.memref_slice %arg6[%add3A_72, %dma_start3A_291] : memref<32768x32xf32, #tpu.memory_space<hbm>> -> memref<128x32xf32, #tpu.memory_space<hbm>>
      tpu.enqueue_dma source(%arg9 : memref<128x32xf32, #tpu.memory_space<vmem>>) target(%dma_start3A_292 : memref<128x32xf32, #tpu.memory_space<hbm>>) target_semaphore(%run_scoped3A : memref<!tpu.dma_semaphore, #tpu.memory_space<semaphore_mem>>)
      %dma_wait3A_293 = arith.constant 0 : i32
      %dma_wait3A_294 = tpu.memref_slice %arg6[%add3A_72, %dma_wait3A_293] : memref<32768x32xf32, #tpu.memory_space<hbm>> -> memref<128x32xf32, #tpu.memory_space<hbm>>
      %dma_wait3A_295 = arith.constant 0 : i32
      %dma_wait3A_296 = tpu.memref_slice %arg6[%add3A_72, %dma_wait3A_295] : memref<32768x32xf32, #tpu.memory_space<hbm>> -> memref<128x32xf32, #tpu.memory_space<hbm>>
      tpu.wait_dma2 semaphore(%run_scoped3A : memref<!tpu.dma_semaphore, #tpu.memory_space<semaphore_mem>>) src(%arg9 : memref<128x32xf32, #tpu.memory_space<vmem>>) dst(%dma_wait3A_296 : memref<128x32xf32, #tpu.memory_space<hbm>>)
      tpu.yield
    }) : () -> ()
    %dma_start3A_73 = arith.constant 2 : i32
    %dma_start3A_74 = arith.constant 0 : i32
    %dma_start3A_75 = tpu.memref_slice %arg7[%dma_start3A_73, %dma_start3A_74] : memref<8x128xi32, #tpu.memory_space<vmem>> -> memref<1x128xi32, #tpu.memory_space<vmem>>
    %dma_start3A_76 = tpu.memref_squeeze %dma_start3A_75 : memref<1x128xi32, #tpu.memory_space<vmem>> -> memref<128xi32, #tpu.memory_space<vmem>>
    %dma_start3A_77 = arith.constant 0 : i32
    %dma_start3A_78 = arith.constant 0 : i32
    %dma_start3A_79 = tpu.memref_slice %arg2[%dma_start3A_77, %dma_start3A_78] : memref<50000x32xi32, #tpu.memory_space<hbm>> -> memref<50000x32xi32, #tpu.memory_space<hbm>>
    tpu.enqueue_indirect_dma source(%dma_start3A_79 : memref<50000x32xi32, #tpu.memory_space<hbm>>) target(%arg8 : memref<128x32xi32, #tpu.memory_space<vmem>>) offsets(%dma_start3A_76 : memref<128xi32, #tpu.memory_space<vmem>>) semaphore(%arg10 : memref<!tpu.dma_semaphore, #tpu.memory_space<semaphore_mem>>)
    %dma_wait3A_80 = arith.constant 2 : i32
    %dma_wait3A_81 = arith.constant 0 : i32
    %dma_wait3A_82 = tpu.memref_slice %arg7[%dma_wait3A_80, %dma_wait3A_81] : memref<8x128xi32, #tpu.memory_space<vmem>> -> memref<1x128xi32, #tpu.memory_space<vmem>>
    %dma_wait3A_83 = tpu.memref_squeeze %dma_wait3A_82 : memref<1x128xi32, #tpu.memory_space<vmem>> -> memref<128xi32, #tpu.memory_space<vmem>>
    %dma_wait3A_84 = arith.constant 0 : i32
    %dma_wait3A_85 = arith.constant 0 : i32
    %dma_wait3A_86 = tpu.memref_slice %arg2[%dma_wait3A_84, %dma_wait3A_85] : memref<50000x32xi32, #tpu.memory_space<hbm>> -> memref<50000x32xi32, #tpu.memory_space<hbm>>
    tpu.wait_indirect_dma semaphore(%arg10 : memref<!tpu.dma_semaphore, #tpu.memory_space<semaphore_mem>>) src(%dma_wait3A_86 : memref<50000x32xi32, #tpu.memory_space<hbm>>) dst(%arg8 : memref<128x32xi32, #tpu.memory_space<vmem>>)
    %mul3A_87 = arith.constant 1024 : i32
    %mul3A_88 = arith.muli %add3A, %mul3A_87 : i32
    %add3A_89 = arith.constant 256 : i32
    %add3A_90 = arith.addi %mul3A_88, %add3A_89 : i32
    "tpu.region"() ({
      %run_scoped3A = tpu.sem_alloc : memref<!tpu.dma_semaphore, #tpu.memory_space<semaphore_mem>>
      %dma_start3A_289 = arith.constant 0 : i32
      %dma_start3A_290 = tpu.memref_slice %arg5[%add3A_90, %dma_start3A_289] : memref<32768x32xi32, #tpu.memory_space<hbm>> -> memref<128x32xi32, #tpu.memory_space<hbm>>
      %dma_start3A_291 = arith.constant 0 : i32
      %dma_start3A_292 = tpu.memref_slice %arg5[%add3A_90, %dma_start3A_291] : memref<32768x32xi32, #tpu.memory_space<hbm>> -> memref<128x32xi32, #tpu.memory_space<hbm>>
      tpu.enqueue_dma source(%arg8 : memref<128x32xi32, #tpu.memory_space<vmem>>) target(%dma_start3A_292 : memref<128x32xi32, #tpu.memory_space<hbm>>) target_semaphore(%run_scoped3A : memref<!tpu.dma_semaphore, #tpu.memory_space<semaphore_mem>>)
      %dma_wait3A_293 = arith.constant 0 : i32
      %dma_wait3A_294 = tpu.memref_slice %arg5[%add3A_90, %dma_wait3A_293] : memref<32768x32xi32, #tpu.memory_space<hbm>> -> memref<128x32xi32, #tpu.memory_space<hbm>>
      %dma_wait3A_295 = arith.constant 0 : i32
      %dma_wait3A_296 = tpu.memref_slice %arg5[%add3A_90, %dma_wait3A_295] : memref<32768x32xi32, #tpu.memory_space<hbm>> -> memref<128x32xi32, #tpu.memory_space<hbm>>
      tpu.wait_dma2 semaphore(%run_scoped3A : memref<!tpu.dma_semaphore, #tpu.memory_space<semaphore_mem>>) src(%arg8 : memref<128x32xi32, #tpu.memory_space<vmem>>) dst(%dma_wait3A_296 : memref<128x32xi32, #tpu.memory_space<hbm>>)
      tpu.yield
    }) : () -> ()
    %dma_start3A_91 = arith.constant 2 : i32
    %dma_start3A_92 = arith.constant 0 : i32
    %dma_start3A_93 = tpu.memref_slice %arg7[%dma_start3A_91, %dma_start3A_92] : memref<8x128xi32, #tpu.memory_space<vmem>> -> memref<1x128xi32, #tpu.memory_space<vmem>>
    %dma_start3A_94 = tpu.memref_squeeze %dma_start3A_93 : memref<1x128xi32, #tpu.memory_space<vmem>> -> memref<128xi32, #tpu.memory_space<vmem>>
    %dma_start3A_95 = arith.constant 0 : i32
    %dma_start3A_96 = arith.constant 0 : i32
    %dma_start3A_97 = tpu.memref_slice %arg3[%dma_start3A_95, %dma_start3A_96] : memref<50000x32xf32, #tpu.memory_space<hbm>> -> memref<50000x32xf32, #tpu.memory_space<hbm>>
    tpu.enqueue_indirect_dma source(%dma_start3A_97 : memref<50000x32xf32, #tpu.memory_space<hbm>>) target(%arg9 : memref<128x32xf32, #tpu.memory_space<vmem>>) offsets(%dma_start3A_94 : memref<128xi32, #tpu.memory_space<vmem>>) semaphore(%arg10 : memref<!tpu.dma_semaphore, #tpu.memory_space<semaphore_mem>>)
    %dma_wait3A_98 = arith.constant 2 : i32
    %dma_wait3A_99 = arith.constant 0 : i32
    %dma_wait3A_100 = tpu.memref_slice %arg7[%dma_wait3A_98, %dma_wait3A_99] : memref<8x128xi32, #tpu.memory_space<vmem>> -> memref<1x128xi32, #tpu.memory_space<vmem>>
    %dma_wait3A_101 = tpu.memref_squeeze %dma_wait3A_100 : memref<1x128xi32, #tpu.memory_space<vmem>> -> memref<128xi32, #tpu.memory_space<vmem>>
    %dma_wait3A_102 = arith.constant 0 : i32
    %dma_wait3A_103 = arith.constant 0 : i32
    %dma_wait3A_104 = tpu.memref_slice %arg3[%dma_wait3A_102, %dma_wait3A_103] : memref<50000x32xf32, #tpu.memory_space<hbm>> -> memref<50000x32xf32, #tpu.memory_space<hbm>>
    tpu.wait_indirect_dma semaphore(%arg10 : memref<!tpu.dma_semaphore, #tpu.memory_space<semaphore_mem>>) src(%dma_wait3A_104 : memref<50000x32xf32, #tpu.memory_space<hbm>>) dst(%arg9 : memref<128x32xf32, #tpu.memory_space<vmem>>)
    %mul3A_105 = arith.constant 1024 : i32
    %mul3A_106 = arith.muli %add3A, %mul3A_105 : i32
    %add3A_107 = arith.constant 256 : i32
    %add3A_108 = arith.addi %mul3A_106, %add3A_107 : i32
    "tpu.region"() ({
      %run_scoped3A = tpu.sem_alloc : memref<!tpu.dma_semaphore, #tpu.memory_space<semaphore_mem>>
      %dma_start3A_289 = arith.constant 0 : i32
      %dma_start3A_290 = tpu.memref_slice %arg6[%add3A_108, %dma_start3A_289] : memref<32768x32xf32, #tpu.memory_space<hbm>> -> memref<128x32xf32, #tpu.memory_space<hbm>>
      %dma_start3A_291 = arith.constant 0 : i32
      %dma_start3A_292 = tpu.memref_slice %arg6[%add3A_108, %dma_start3A_291] : memref<32768x32xf32, #tpu.memory_space<hbm>> -> memref<128x32xf32, #tpu.memory_space<hbm>>
      tpu.enqueue_dma source(%arg9 : memref<128x32xf32, #tpu.memory_space<vmem>>) target(%dma_start3A_292 : memref<128x32xf32, #tpu.memory_space<hbm>>) target_semaphore(%run_scoped3A : memref<!tpu.dma_semaphore, #tpu.memory_space<semaphore_mem>>)
      %dma_wait3A_293 = arith.constant 0 : i32
      %dma_wait3A_294 = tpu.memref_slice %arg6[%add3A_108, %dma_wait3A_293] : memref<32768x32xf32, #tpu.memory_space<hbm>> -> memref<128x32xf32, #tpu.memory_space<hbm>>
      %dma_wait3A_295 = arith.constant 0 : i32
      %dma_wait3A_296 = tpu.memref_slice %arg6[%add3A_108, %dma_wait3A_295] : memref<32768x32xf32, #tpu.memory_space<hbm>> -> memref<128x32xf32, #tpu.memory_space<hbm>>
      tpu.wait_dma2 semaphore(%run_scoped3A : memref<!tpu.dma_semaphore, #tpu.memory_space<semaphore_mem>>) src(%arg9 : memref<128x32xf32, #tpu.memory_space<vmem>>) dst(%dma_wait3A_296 : memref<128x32xf32, #tpu.memory_space<hbm>>)
      tpu.yield
    }) : () -> ()
    %dma_start3A_109 = arith.constant 3 : i32
    %dma_start3A_110 = arith.constant 0 : i32
    %dma_start3A_111 = tpu.memref_slice %arg7[%dma_start3A_109, %dma_start3A_110] : memref<8x128xi32, #tpu.memory_space<vmem>> -> memref<1x128xi32, #tpu.memory_space<vmem>>
    %dma_start3A_112 = tpu.memref_squeeze %dma_start3A_111 : memref<1x128xi32, #tpu.memory_space<vmem>> -> memref<128xi32, #tpu.memory_space<vmem>>
    %dma_start3A_113 = arith.constant 0 : i32
    %dma_start3A_114 = arith.constant 0 : i32
    %dma_start3A_115 = tpu.memref_slice %arg2[%dma_start3A_113, %dma_start3A_114] : memref<50000x32xi32, #tpu.memory_space<hbm>> -> memref<50000x32xi32, #tpu.memory_space<hbm>>
    tpu.enqueue_indirect_dma source(%dma_start3A_115 : memref<50000x32xi32, #tpu.memory_space<hbm>>) target(%arg8 : memref<128x32xi32, #tpu.memory_space<vmem>>) offsets(%dma_start3A_112 : memref<128xi32, #tpu.memory_space<vmem>>) semaphore(%arg10 : memref<!tpu.dma_semaphore, #tpu.memory_space<semaphore_mem>>)
    %dma_wait3A_116 = arith.constant 3 : i32
    %dma_wait3A_117 = arith.constant 0 : i32
    %dma_wait3A_118 = tpu.memref_slice %arg7[%dma_wait3A_116, %dma_wait3A_117] : memref<8x128xi32, #tpu.memory_space<vmem>> -> memref<1x128xi32, #tpu.memory_space<vmem>>
    %dma_wait3A_119 = tpu.memref_squeeze %dma_wait3A_118 : memref<1x128xi32, #tpu.memory_space<vmem>> -> memref<128xi32, #tpu.memory_space<vmem>>
    %dma_wait3A_120 = arith.constant 0 : i32
    %dma_wait3A_121 = arith.constant 0 : i32
    %dma_wait3A_122 = tpu.memref_slice %arg2[%dma_wait3A_120, %dma_wait3A_121] : memref<50000x32xi32, #tpu.memory_space<hbm>> -> memref<50000x32xi32, #tpu.memory_space<hbm>>
    tpu.wait_indirect_dma semaphore(%arg10 : memref<!tpu.dma_semaphore, #tpu.memory_space<semaphore_mem>>) src(%dma_wait3A_122 : memref<50000x32xi32, #tpu.memory_space<hbm>>) dst(%arg8 : memref<128x32xi32, #tpu.memory_space<vmem>>)
    %mul3A_123 = arith.constant 1024 : i32
    %mul3A_124 = arith.muli %add3A, %mul3A_123 : i32
    %add3A_125 = arith.constant 384 : i32
    %add3A_126 = arith.addi %mul3A_124, %add3A_125 : i32
    "tpu.region"() ({
      %run_scoped3A = tpu.sem_alloc : memref<!tpu.dma_semaphore, #tpu.memory_space<semaphore_mem>>
      %dma_start3A_289 = arith.constant 0 : i32
      %dma_start3A_290 = tpu.memref_slice %arg5[%add3A_126, %dma_start3A_289] : memref<32768x32xi32, #tpu.memory_space<hbm>> -> memref<128x32xi32, #tpu.memory_space<hbm>>
      %dma_start3A_291 = arith.constant 0 : i32
      %dma_start3A_292 = tpu.memref_slice %arg5[%add3A_126, %dma_start3A_291] : memref<32768x32xi32, #tpu.memory_space<hbm>> -> memref<128x32xi32, #tpu.memory_space<hbm>>
      tpu.enqueue_dma source(%arg8 : memref<128x32xi32, #tpu.memory_space<vmem>>) target(%dma_start3A_292 : memref<128x32xi32, #tpu.memory_space<hbm>>) target_semaphore(%run_scoped3A : memref<!tpu.dma_semaphore, #tpu.memory_space<semaphore_mem>>)
      %dma_wait3A_293 = arith.constant 0 : i32
      %dma_wait3A_294 = tpu.memref_slice %arg5[%add3A_126, %dma_wait3A_293] : memref<32768x32xi32, #tpu.memory_space<hbm>> -> memref<128x32xi32, #tpu.memory_space<hbm>>
      %dma_wait3A_295 = arith.constant 0 : i32
      %dma_wait3A_296 = tpu.memref_slice %arg5[%add3A_126, %dma_wait3A_295] : memref<32768x32xi32, #tpu.memory_space<hbm>> -> memref<128x32xi32, #tpu.memory_space<hbm>>
      tpu.wait_dma2 semaphore(%run_scoped3A : memref<!tpu.dma_semaphore, #tpu.memory_space<semaphore_mem>>) src(%arg8 : memref<128x32xi32, #tpu.memory_space<vmem>>) dst(%dma_wait3A_296 : memref<128x32xi32, #tpu.memory_space<hbm>>)
      tpu.yield
    }) : () -> ()
    %dma_start3A_127 = arith.constant 3 : i32
    %dma_start3A_128 = arith.constant 0 : i32
    %dma_start3A_129 = tpu.memref_slice %arg7[%dma_start3A_127, %dma_start3A_128] : memref<8x128xi32, #tpu.memory_space<vmem>> -> memref<1x128xi32, #tpu.memory_space<vmem>>
    %dma_start3A_130 = tpu.memref_squeeze %dma_start3A_129 : memref<1x128xi32, #tpu.memory_space<vmem>> -> memref<128xi32, #tpu.memory_space<vmem>>
    %dma_start3A_131 = arith.constant 0 : i32
    %dma_start3A_132 = arith.constant 0 : i32
    %dma_start3A_133 = tpu.memref_slice %arg3[%dma_start3A_131, %dma_start3A_132] : memref<50000x32xf32, #tpu.memory_space<hbm>> -> memref<50000x32xf32, #tpu.memory_space<hbm>>
    tpu.enqueue_indirect_dma source(%dma_start3A_133 : memref<50000x32xf32, #tpu.memory_space<hbm>>) target(%arg9 : memref<128x32xf32, #tpu.memory_space<vmem>>) offsets(%dma_start3A_130 : memref<128xi32, #tpu.memory_space<vmem>>) semaphore(%arg10 : memref<!tpu.dma_semaphore, #tpu.memory_space<semaphore_mem>>)
    %dma_wait3A_134 = arith.constant 3 : i32
    %dma_wait3A_135 = arith.constant 0 : i32
    %dma_wait3A_136 = tpu.memref_slice %arg7[%dma_wait3A_134, %dma_wait3A_135] : memref<8x128xi32, #tpu.memory_space<vmem>> -> memref<1x128xi32, #tpu.memory_space<vmem>>
    %dma_wait3A_137 = tpu.memref_squeeze %dma_wait3A_136 : memref<1x128xi32, #tpu.memory_space<vmem>> -> memref<128xi32, #tpu.memory_space<vmem>>
    %dma_wait3A_138 = arith.constant 0 : i32
    %dma_wait3A_139 = arith.constant 0 : i32
    %dma_wait3A_140 = tpu.memref_slice %arg3[%dma_wait3A_138, %dma_wait3A_139] : memref<50000x32xf32, #tpu.memory_space<hbm>> -> memref<50000x32xf32, #tpu.memory_space<hbm>>
    tpu.wait_indirect_dma semaphore(%arg10 : memref<!tpu.dma_semaphore, #tpu.memory_space<semaphore_mem>>) src(%dma_wait3A_140 : memref<50000x32xf32, #tpu.memory_space<hbm>>) dst(%arg9 : memref<128x32xf32, #tpu.memory_space<vmem>>)
    %mul3A_141 = arith.constant 1024 : i32
    %mul3A_142 = arith.muli %add3A, %mul3A_141 : i32
    %add3A_143 = arith.constant 384 : i32
    %add3A_144 = arith.addi %mul3A_142, %add3A_143 : i32
    "tpu.region"() ({
      %run_scoped3A = tpu.sem_alloc : memref<!tpu.dma_semaphore, #tpu.memory_space<semaphore_mem>>
      %dma_start3A_289 = arith.constant 0 : i32
      %dma_start3A_290 = tpu.memref_slice %arg6[%add3A_144, %dma_start3A_289] : memref<32768x32xf32, #tpu.memory_space<hbm>> -> memref<128x32xf32, #tpu.memory_space<hbm>>
      %dma_start3A_291 = arith.constant 0 : i32
      %dma_start3A_292 = tpu.memref_slice %arg6[%add3A_144, %dma_start3A_291] : memref<32768x32xf32, #tpu.memory_space<hbm>> -> memref<128x32xf32, #tpu.memory_space<hbm>>
      tpu.enqueue_dma source(%arg9 : memref<128x32xf32, #tpu.memory_space<vmem>>) target(%dma_start3A_292 : memref<128x32xf32, #tpu.memory_space<hbm>>) target_semaphore(%run_scoped3A : memref<!tpu.dma_semaphore, #tpu.memory_space<semaphore_mem>>)
      %dma_wait3A_293 = arith.constant 0 : i32
      %dma_wait3A_294 = tpu.memref_slice %arg6[%add3A_144, %dma_wait3A_293] : memref<32768x32xf32, #tpu.memory_space<hbm>> -> memref<128x32xf32, #tpu.memory_space<hbm>>
      %dma_wait3A_295 = arith.constant 0 : i32
      %dma_wait3A_296 = tpu.memref_slice %arg6[%add3A_144, %dma_wait3A_295] : memref<32768x32xf32, #tpu.memory_space<hbm>> -> memref<128x32xf32, #tpu.memory_space<hbm>>
      tpu.wait_dma2 semaphore(%run_scoped3A : memref<!tpu.dma_semaphore, #tpu.memory_space<semaphore_mem>>) src(%arg9 : memref<128x32xf32, #tpu.memory_space<vmem>>) dst(%dma_wait3A_296 : memref<128x32xf32, #tpu.memory_space<hbm>>)
      tpu.yield
    }) : () -> ()
    %dma_start3A_145 = arith.constant 4 : i32
    %dma_start3A_146 = arith.constant 0 : i32
    %dma_start3A_147 = tpu.memref_slice %arg7[%dma_start3A_145, %dma_start3A_146] : memref<8x128xi32, #tpu.memory_space<vmem>> -> memref<1x128xi32, #tpu.memory_space<vmem>>
    %dma_start3A_148 = tpu.memref_squeeze %dma_start3A_147 : memref<1x128xi32, #tpu.memory_space<vmem>> -> memref<128xi32, #tpu.memory_space<vmem>>
    %dma_start3A_149 = arith.constant 0 : i32
    %dma_start3A_150 = arith.constant 0 : i32
    %dma_start3A_151 = tpu.memref_slice %arg2[%dma_start3A_149, %dma_start3A_150] : memref<50000x32xi32, #tpu.memory_space<hbm>> -> memref<50000x32xi32, #tpu.memory_space<hbm>>
    tpu.enqueue_indirect_dma source(%dma_start3A_151 : memref<50000x32xi32, #tpu.memory_space<hbm>>) target(%arg8 : memref<128x32xi32, #tpu.memory_space<vmem>>) offsets(%dma_start3A_148 : memref<128xi32, #tpu.memory_space<vmem>>) semaphore(%arg10 : memref<!tpu.dma_semaphore, #tpu.memory_space<semaphore_mem>>)
    %dma_wait3A_152 = arith.constant 4 : i32
    %dma_wait3A_153 = arith.constant 0 : i32
    %dma_wait3A_154 = tpu.memref_slice %arg7[%dma_wait3A_152, %dma_wait3A_153] : memref<8x128xi32, #tpu.memory_space<vmem>> -> memref<1x128xi32, #tpu.memory_space<vmem>>
    %dma_wait3A_155 = tpu.memref_squeeze %dma_wait3A_154 : memref<1x128xi32, #tpu.memory_space<vmem>> -> memref<128xi32, #tpu.memory_space<vmem>>
    %dma_wait3A_156 = arith.constant 0 : i32
    %dma_wait3A_157 = arith.constant 0 : i32
    %dma_wait3A_158 = tpu.memref_slice %arg2[%dma_wait3A_156, %dma_wait3A_157] : memref<50000x32xi32, #tpu.memory_space<hbm>> -> memref<50000x32xi32, #tpu.memory_space<hbm>>
    tpu.wait_indirect_dma semaphore(%arg10 : memref<!tpu.dma_semaphore, #tpu.memory_space<semaphore_mem>>) src(%dma_wait3A_158 : memref<50000x32xi32, #tpu.memory_space<hbm>>) dst(%arg8 : memref<128x32xi32, #tpu.memory_space<vmem>>)
    %mul3A_159 = arith.constant 1024 : i32
    %mul3A_160 = arith.muli %add3A, %mul3A_159 : i32
    %add3A_161 = arith.constant 512 : i32
    %add3A_162 = arith.addi %mul3A_160, %add3A_161 : i32
    "tpu.region"() ({
      %run_scoped3A = tpu.sem_alloc : memref<!tpu.dma_semaphore, #tpu.memory_space<semaphore_mem>>
      %dma_start3A_289 = arith.constant 0 : i32
      %dma_start3A_290 = tpu.memref_slice %arg5[%add3A_162, %dma_start3A_289] : memref<32768x32xi32, #tpu.memory_space<hbm>> -> memref<128x32xi32, #tpu.memory_space<hbm>>
      %dma_start3A_291 = arith.constant 0 : i32
      %dma_start3A_292 = tpu.memref_slice %arg5[%add3A_162, %dma_start3A_291] : memref<32768x32xi32, #tpu.memory_space<hbm>> -> memref<128x32xi32, #tpu.memory_space<hbm>>
      tpu.enqueue_dma source(%arg8 : memref<128x32xi32, #tpu.memory_space<vmem>>) target(%dma_start3A_292 : memref<128x32xi32, #tpu.memory_space<hbm>>) target_semaphore(%run_scoped3A : memref<!tpu.dma_semaphore, #tpu.memory_space<semaphore_mem>>)
      %dma_wait3A_293 = arith.constant 0 : i32
      %dma_wait3A_294 = tpu.memref_slice %arg5[%add3A_162, %dma_wait3A_293] : memref<32768x32xi32, #tpu.memory_space<hbm>> -> memref<128x32xi32, #tpu.memory_space<hbm>>
      %dma_wait3A_295 = arith.constant 0 : i32
      %dma_wait3A_296 = tpu.memref_slice %arg5[%add3A_162, %dma_wait3A_295] : memref<32768x32xi32, #tpu.memory_space<hbm>> -> memref<128x32xi32, #tpu.memory_space<hbm>>
      tpu.wait_dma2 semaphore(%run_scoped3A : memref<!tpu.dma_semaphore, #tpu.memory_space<semaphore_mem>>) src(%arg8 : memref<128x32xi32, #tpu.memory_space<vmem>>) dst(%dma_wait3A_296 : memref<128x32xi32, #tpu.memory_space<hbm>>)
      tpu.yield
    }) : () -> ()
    %dma_start3A_163 = arith.constant 4 : i32
    %dma_start3A_164 = arith.constant 0 : i32
    %dma_start3A_165 = tpu.memref_slice %arg7[%dma_start3A_163, %dma_start3A_164] : memref<8x128xi32, #tpu.memory_space<vmem>> -> memref<1x128xi32, #tpu.memory_space<vmem>>
    %dma_start3A_166 = tpu.memref_squeeze %dma_start3A_165 : memref<1x128xi32, #tpu.memory_space<vmem>> -> memref<128xi32, #tpu.memory_space<vmem>>
    %dma_start3A_167 = arith.constant 0 : i32
    %dma_start3A_168 = arith.constant 0 : i32
    %dma_start3A_169 = tpu.memref_slice %arg3[%dma_start3A_167, %dma_start3A_168] : memref<50000x32xf32, #tpu.memory_space<hbm>> -> memref<50000x32xf32, #tpu.memory_space<hbm>>
    tpu.enqueue_indirect_dma source(%dma_start3A_169 : memref<50000x32xf32, #tpu.memory_space<hbm>>) target(%arg9 : memref<128x32xf32, #tpu.memory_space<vmem>>) offsets(%dma_start3A_166 : memref<128xi32, #tpu.memory_space<vmem>>) semaphore(%arg10 : memref<!tpu.dma_semaphore, #tpu.memory_space<semaphore_mem>>)
    %dma_wait3A_170 = arith.constant 4 : i32
    %dma_wait3A_171 = arith.constant 0 : i32
    %dma_wait3A_172 = tpu.memref_slice %arg7[%dma_wait3A_170, %dma_wait3A_171] : memref<8x128xi32, #tpu.memory_space<vmem>> -> memref<1x128xi32, #tpu.memory_space<vmem>>
    %dma_wait3A_173 = tpu.memref_squeeze %dma_wait3A_172 : memref<1x128xi32, #tpu.memory_space<vmem>> -> memref<128xi32, #tpu.memory_space<vmem>>
    %dma_wait3A_174 = arith.constant 0 : i32
    %dma_wait3A_175 = arith.constant 0 : i32
    %dma_wait3A_176 = tpu.memref_slice %arg3[%dma_wait3A_174, %dma_wait3A_175] : memref<50000x32xf32, #tpu.memory_space<hbm>> -> memref<50000x32xf32, #tpu.memory_space<hbm>>
    tpu.wait_indirect_dma semaphore(%arg10 : memref<!tpu.dma_semaphore, #tpu.memory_space<semaphore_mem>>) src(%dma_wait3A_176 : memref<50000x32xf32, #tpu.memory_space<hbm>>) dst(%arg9 : memref<128x32xf32, #tpu.memory_space<vmem>>)
    %mul3A_177 = arith.constant 1024 : i32
    %mul3A_178 = arith.muli %add3A, %mul3A_177 : i32
    %add3A_179 = arith.constant 512 : i32
    %add3A_180 = arith.addi %mul3A_178, %add3A_179 : i32
    "tpu.region"() ({
      %run_scoped3A = tpu.sem_alloc : memref<!tpu.dma_semaphore, #tpu.memory_space<semaphore_mem>>
      %dma_start3A_289 = arith.constant 0 : i32
      %dma_start3A_290 = tpu.memref_slice %arg6[%add3A_180, %dma_start3A_289] : memref<32768x32xf32, #tpu.memory_space<hbm>> -> memref<128x32xf32, #tpu.memory_space<hbm>>
      %dma_start3A_291 = arith.constant 0 : i32
      %dma_start3A_292 = tpu.memref_slice %arg6[%add3A_180, %dma_start3A_291] : memref<32768x32xf32, #tpu.memory_space<hbm>> -> memref<128x32xf32, #tpu.memory_space<hbm>>
      tpu.enqueue_dma source(%arg9 : memref<128x32xf32, #tpu.memory_space<vmem>>) target(%dma_start3A_292 : memref<128x32xf32, #tpu.memory_space<hbm>>) target_semaphore(%run_scoped3A : memref<!tpu.dma_semaphore, #tpu.memory_space<semaphore_mem>>)
      %dma_wait3A_293 = arith.constant 0 : i32
      %dma_wait3A_294 = tpu.memref_slice %arg6[%add3A_180, %dma_wait3A_293] : memref<32768x32xf32, #tpu.memory_space<hbm>> -> memref<128x32xf32, #tpu.memory_space<hbm>>
      %dma_wait3A_295 = arith.constant 0 : i32
      %dma_wait3A_296 = tpu.memref_slice %arg6[%add3A_180, %dma_wait3A_295] : memref<32768x32xf32, #tpu.memory_space<hbm>> -> memref<128x32xf32, #tpu.memory_space<hbm>>
      tpu.wait_dma2 semaphore(%run_scoped3A : memref<!tpu.dma_semaphore, #tpu.memory_space<semaphore_mem>>) src(%arg9 : memref<128x32xf32, #tpu.memory_space<vmem>>) dst(%dma_wait3A_296 : memref<128x32xf32, #tpu.memory_space<hbm>>)
      tpu.yield
    }) : () -> ()
    %dma_start3A_181 = arith.constant 5 : i32
    %dma_start3A_182 = arith.constant 0 : i32
    %dma_start3A_183 = tpu.memref_slice %arg7[%dma_start3A_181, %dma_start3A_182] : memref<8x128xi32, #tpu.memory_space<vmem>> -> memref<1x128xi32, #tpu.memory_space<vmem>>
    %dma_start3A_184 = tpu.memref_squeeze %dma_start3A_183 : memref<1x128xi32, #tpu.memory_space<vmem>> -> memref<128xi32, #tpu.memory_space<vmem>>
    %dma_start3A_185 = arith.constant 0 : i32
    %dma_start3A_186 = arith.constant 0 : i32
    %dma_start3A_187 = tpu.memref_slice %arg2[%dma_start3A_185, %dma_start3A_186] : memref<50000x32xi32, #tpu.memory_space<hbm>> -> memref<50000x32xi32, #tpu.memory_space<hbm>>
    tpu.enqueue_indirect_dma source(%dma_start3A_187 : memref<50000x32xi32, #tpu.memory_space<hbm>>) target(%arg8 : memref<128x32xi32, #tpu.memory_space<vmem>>) offsets(%dma_start3A_184 : memref<128xi32, #tpu.memory_space<vmem>>) semaphore(%arg10 : memref<!tpu.dma_semaphore, #tpu.memory_space<semaphore_mem>>)
    %dma_wait3A_188 = arith.constant 5 : i32
    %dma_wait3A_189 = arith.constant 0 : i32
    %dma_wait3A_190 = tpu.memref_slice %arg7[%dma_wait3A_188, %dma_wait3A_189] : memref<8x128xi32, #tpu.memory_space<vmem>> -> memref<1x128xi32, #tpu.memory_space<vmem>>
    %dma_wait3A_191 = tpu.memref_squeeze %dma_wait3A_190 : memref<1x128xi32, #tpu.memory_space<vmem>> -> memref<128xi32, #tpu.memory_space<vmem>>
    %dma_wait3A_192 = arith.constant 0 : i32
    %dma_wait3A_193 = arith.constant 0 : i32
    %dma_wait3A_194 = tpu.memref_slice %arg2[%dma_wait3A_192, %dma_wait3A_193] : memref<50000x32xi32, #tpu.memory_space<hbm>> -> memref<50000x32xi32, #tpu.memory_space<hbm>>
    tpu.wait_indirect_dma semaphore(%arg10 : memref<!tpu.dma_semaphore, #tpu.memory_space<semaphore_mem>>) src(%dma_wait3A_194 : memref<50000x32xi32, #tpu.memory_space<hbm>>) dst(%arg8 : memref<128x32xi32, #tpu.memory_space<vmem>>)
    %mul3A_195 = arith.constant 1024 : i32
    %mul3A_196 = arith.muli %add3A, %mul3A_195 : i32
    %add3A_197 = arith.constant 640 : i32
    %add3A_198 = arith.addi %mul3A_196, %add3A_197 : i32
    "tpu.region"() ({
      %run_scoped3A = tpu.sem_alloc : memref<!tpu.dma_semaphore, #tpu.memory_space<semaphore_mem>>
      %dma_start3A_289 = arith.constant 0 : i32
      %dma_start3A_290 = tpu.memref_slice %arg5[%add3A_198, %dma_start3A_289] : memref<32768x32xi32, #tpu.memory_space<hbm>> -> memref<128x32xi32, #tpu.memory_space<hbm>>
      %dma_start3A_291 = arith.constant 0 : i32
      %dma_start3A_292 = tpu.memref_slice %arg5[%add3A_198, %dma_start3A_291] : memref<32768x32xi32, #tpu.memory_space<hbm>> -> memref<128x32xi32, #tpu.memory_space<hbm>>
      tpu.enqueue_dma source(%arg8 : memref<128x32xi32, #tpu.memory_space<vmem>>) target(%dma_start3A_292 : memref<128x32xi32, #tpu.memory_space<hbm>>) target_semaphore(%run_scoped3A : memref<!tpu.dma_semaphore, #tpu.memory_space<semaphore_mem>>)
      %dma_wait3A_293 = arith.constant 0 : i32
      %dma_wait3A_294 = tpu.memref_slice %arg5[%add3A_198, %dma_wait3A_293] : memref<32768x32xi32, #tpu.memory_space<hbm>> -> memref<128x32xi32, #tpu.memory_space<hbm>>
      %dma_wait3A_295 = arith.constant 0 : i32
      %dma_wait3A_296 = tpu.memref_slice %arg5[%add3A_198, %dma_wait3A_295] : memref<32768x32xi32, #tpu.memory_space<hbm>> -> memref<128x32xi32, #tpu.memory_space<hbm>>
      tpu.wait_dma2 semaphore(%run_scoped3A : memref<!tpu.dma_semaphore, #tpu.memory_space<semaphore_mem>>) src(%arg8 : memref<128x32xi32, #tpu.memory_space<vmem>>) dst(%dma_wait3A_296 : memref<128x32xi32, #tpu.memory_space<hbm>>)
      tpu.yield
    }) : () -> ()
    %dma_start3A_199 = arith.constant 5 : i32
    %dma_start3A_200 = arith.constant 0 : i32
    %dma_start3A_201 = tpu.memref_slice %arg7[%dma_start3A_199, %dma_start3A_200] : memref<8x128xi32, #tpu.memory_space<vmem>> -> memref<1x128xi32, #tpu.memory_space<vmem>>
    %dma_start3A_202 = tpu.memref_squeeze %dma_start3A_201 : memref<1x128xi32, #tpu.memory_space<vmem>> -> memref<128xi32, #tpu.memory_space<vmem>>
    %dma_start3A_203 = arith.constant 0 : i32
    %dma_start3A_204 = arith.constant 0 : i32
    %dma_start3A_205 = tpu.memref_slice %arg3[%dma_start3A_203, %dma_start3A_204] : memref<50000x32xf32, #tpu.memory_space<hbm>> -> memref<50000x32xf32, #tpu.memory_space<hbm>>
    tpu.enqueue_indirect_dma source(%dma_start3A_205 : memref<50000x32xf32, #tpu.memory_space<hbm>>) target(%arg9 : memref<128x32xf32, #tpu.memory_space<vmem>>) offsets(%dma_start3A_202 : memref<128xi32, #tpu.memory_space<vmem>>) semaphore(%arg10 : memref<!tpu.dma_semaphore, #tpu.memory_space<semaphore_mem>>)
    %dma_wait3A_206 = arith.constant 5 : i32
    %dma_wait3A_207 = arith.constant 0 : i32
    %dma_wait3A_208 = tpu.memref_slice %arg7[%dma_wait3A_206, %dma_wait3A_207] : memref<8x128xi32, #tpu.memory_space<vmem>> -> memref<1x128xi32, #tpu.memory_space<vmem>>
    %dma_wait3A_209 = tpu.memref_squeeze %dma_wait3A_208 : memref<1x128xi32, #tpu.memory_space<vmem>> -> memref<128xi32, #tpu.memory_space<vmem>>
    %dma_wait3A_210 = arith.constant 0 : i32
    %dma_wait3A_211 = arith.constant 0 : i32
    %dma_wait3A_212 = tpu.memref_slice %arg3[%dma_wait3A_210, %dma_wait3A_211] : memref<50000x32xf32, #tpu.memory_space<hbm>> -> memref<50000x32xf32, #tpu.memory_space<hbm>>
    tpu.wait_indirect_dma semaphore(%arg10 : memref<!tpu.dma_semaphore, #tpu.memory_space<semaphore_mem>>) src(%dma_wait3A_212 : memref<50000x32xf32, #tpu.memory_space<hbm>>) dst(%arg9 : memref<128x32xf32, #tpu.memory_space<vmem>>)
    %mul3A_213 = arith.constant 1024 : i32
    %mul3A_214 = arith.muli %add3A, %mul3A_213 : i32
    %add3A_215 = arith.constant 640 : i32
    %add3A_216 = arith.addi %mul3A_214, %add3A_215 : i32
    "tpu.region"() ({
      %run_scoped3A = tpu.sem_alloc : memref<!tpu.dma_semaphore, #tpu.memory_space<semaphore_mem>>
      %dma_start3A_289 = arith.constant 0 : i32
      %dma_start3A_290 = tpu.memref_slice %arg6[%add3A_216, %dma_start3A_289] : memref<32768x32xf32, #tpu.memory_space<hbm>> -> memref<128x32xf32, #tpu.memory_space<hbm>>
      %dma_start3A_291 = arith.constant 0 : i32
      %dma_start3A_292 = tpu.memref_slice %arg6[%add3A_216, %dma_start3A_291] : memref<32768x32xf32, #tpu.memory_space<hbm>> -> memref<128x32xf32, #tpu.memory_space<hbm>>
      tpu.enqueue_dma source(%arg9 : memref<128x32xf32, #tpu.memory_space<vmem>>) target(%dma_start3A_292 : memref<128x32xf32, #tpu.memory_space<hbm>>) target_semaphore(%run_scoped3A : memref<!tpu.dma_semaphore, #tpu.memory_space<semaphore_mem>>)
      %dma_wait3A_293 = arith.constant 0 : i32
      %dma_wait3A_294 = tpu.memref_slice %arg6[%add3A_216, %dma_wait3A_293] : memref<32768x32xf32, #tpu.memory_space<hbm>> -> memref<128x32xf32, #tpu.memory_space<hbm>>
      %dma_wait3A_295 = arith.constant 0 : i32
      %dma_wait3A_296 = tpu.memref_slice %arg6[%add3A_216, %dma_wait3A_295] : memref<32768x32xf32, #tpu.memory_space<hbm>> -> memref<128x32xf32, #tpu.memory_space<hbm>>
      tpu.wait_dma2 semaphore(%run_scoped3A : memref<!tpu.dma_semaphore, #tpu.memory_space<semaphore_mem>>) src(%arg9 : memref<128x32xf32, #tpu.memory_space<vmem>>) dst(%dma_wait3A_296 : memref<128x32xf32, #tpu.memory_space<hbm>>)
      tpu.yield
    }) : () -> ()
    %dma_start3A_217 = arith.constant 6 : i32
    %dma_start3A_218 = arith.constant 0 : i32
    %dma_start3A_219 = tpu.memref_slice %arg7[%dma_start3A_217, %dma_start3A_218] : memref<8x128xi32, #tpu.memory_space<vmem>> -> memref<1x128xi32, #tpu.memory_space<vmem>>
    %dma_start3A_220 = tpu.memref_squeeze %dma_start3A_219 : memref<1x128xi32, #tpu.memory_space<vmem>> -> memref<128xi32, #tpu.memory_space<vmem>>
    %dma_start3A_221 = arith.constant 0 : i32
    %dma_start3A_222 = arith.constant 0 : i32
    %dma_start3A_223 = tpu.memref_slice %arg2[%dma_start3A_221, %dma_start3A_222] : memref<50000x32xi32, #tpu.memory_space<hbm>> -> memref<50000x32xi32, #tpu.memory_space<hbm>>
    tpu.enqueue_indirect_dma source(%dma_start3A_223 : memref<50000x32xi32, #tpu.memory_space<hbm>>) target(%arg8 : memref<128x32xi32, #tpu.memory_space<vmem>>) offsets(%dma_start3A_220 : memref<128xi32, #tpu.memory_space<vmem>>) semaphore(%arg10 : memref<!tpu.dma_semaphore, #tpu.memory_space<semaphore_mem>>)
    %dma_wait3A_224 = arith.constant 6 : i32
    %dma_wait3A_225 = arith.constant 0 : i32
    %dma_wait3A_226 = tpu.memref_slice %arg7[%dma_wait3A_224, %dma_wait3A_225] : memref<8x128xi32, #tpu.memory_space<vmem>> -> memref<1x128xi32, #tpu.memory_space<vmem>>
    %dma_wait3A_227 = tpu.memref_squeeze %dma_wait3A_226 : memref<1x128xi32, #tpu.memory_space<vmem>> -> memref<128xi32, #tpu.memory_space<vmem>>
    %dma_wait3A_228 = arith.constant 0 : i32
    %dma_wait3A_229 = arith.constant 0 : i32
    %dma_wait3A_230 = tpu.memref_slice %arg2[%dma_wait3A_228, %dma_wait3A_229] : memref<50000x32xi32, #tpu.memory_space<hbm>> -> memref<50000x32xi32, #tpu.memory_space<hbm>>
    tpu.wait_indirect_dma semaphore(%arg10 : memref<!tpu.dma_semaphore, #tpu.memory_space<semaphore_mem>>) src(%dma_wait3A_230 : memref<50000x32xi32, #tpu.memory_space<hbm>>) dst(%arg8 : memref<128x32xi32, #tpu.memory_space<vmem>>)
    %mul3A_231 = arith.constant 1024 : i32
    %mul3A_232 = arith.muli %add3A, %mul3A_231 : i32
    %add3A_233 = arith.constant 768 : i32
    %add3A_234 = arith.addi %mul3A_232, %add3A_233 : i32
    "tpu.region"() ({
      %run_scoped3A = tpu.sem_alloc : memref<!tpu.dma_semaphore, #tpu.memory_space<semaphore_mem>>
      %dma_start3A_289 = arith.constant 0 : i32
      %dma_start3A_290 = tpu.memref_slice %arg5[%add3A_234, %dma_start3A_289] : memref<32768x32xi32, #tpu.memory_space<hbm>> -> memref<128x32xi32, #tpu.memory_space<hbm>>
      %dma_start3A_291 = arith.constant 0 : i32
      %dma_start3A_292 = tpu.memref_slice %arg5[%add3A_234, %dma_start3A_291] : memref<32768x32xi32, #tpu.memory_space<hbm>> -> memref<128x32xi32, #tpu.memory_space<hbm>>
      tpu.enqueue_dma source(%arg8 : memref<128x32xi32, #tpu.memory_space<vmem>>) target(%dma_start3A_292 : memref<128x32xi32, #tpu.memory_space<hbm>>) target_semaphore(%run_scoped3A : memref<!tpu.dma_semaphore, #tpu.memory_space<semaphore_mem>>)
      %dma_wait3A_293 = arith.constant 0 : i32
      %dma_wait3A_294 = tpu.memref_slice %arg5[%add3A_234, %dma_wait3A_293] : memref<32768x32xi32, #tpu.memory_space<hbm>> -> memref<128x32xi32, #tpu.memory_space<hbm>>
      %dma_wait3A_295 = arith.constant 0 : i32
      %dma_wait3A_296 = tpu.memref_slice %arg5[%add3A_234, %dma_wait3A_295] : memref<32768x32xi32, #tpu.memory_space<hbm>> -> memref<128x32xi32, #tpu.memory_space<hbm>>
      tpu.wait_dma2 semaphore(%run_scoped3A : memref<!tpu.dma_semaphore, #tpu.memory_space<semaphore_mem>>) src(%arg8 : memref<128x32xi32, #tpu.memory_space<vmem>>) dst(%dma_wait3A_296 : memref<128x32xi32, #tpu.memory_space<hbm>>)
      tpu.yield
    }) : () -> ()
    %dma_start3A_235 = arith.constant 6 : i32
    %dma_start3A_236 = arith.constant 0 : i32
    %dma_start3A_237 = tpu.memref_slice %arg7[%dma_start3A_235, %dma_start3A_236] : memref<8x128xi32, #tpu.memory_space<vmem>> -> memref<1x128xi32, #tpu.memory_space<vmem>>
    %dma_start3A_238 = tpu.memref_squeeze %dma_start3A_237 : memref<1x128xi32, #tpu.memory_space<vmem>> -> memref<128xi32, #tpu.memory_space<vmem>>
    %dma_start3A_239 = arith.constant 0 : i32
    %dma_start3A_240 = arith.constant 0 : i32
    %dma_start3A_241 = tpu.memref_slice %arg3[%dma_start3A_239, %dma_start3A_240] : memref<50000x32xf32, #tpu.memory_space<hbm>> -> memref<50000x32xf32, #tpu.memory_space<hbm>>
    tpu.enqueue_indirect_dma source(%dma_start3A_241 : memref<50000x32xf32, #tpu.memory_space<hbm>>) target(%arg9 : memref<128x32xf32, #tpu.memory_space<vmem>>) offsets(%dma_start3A_238 : memref<128xi32, #tpu.memory_space<vmem>>) semaphore(%arg10 : memref<!tpu.dma_semaphore, #tpu.memory_space<semaphore_mem>>)
    %dma_wait3A_242 = arith.constant 6 : i32
    %dma_wait3A_243 = arith.constant 0 : i32
    %dma_wait3A_244 = tpu.memref_slice %arg7[%dma_wait3A_242, %dma_wait3A_243] : memref<8x128xi32, #tpu.memory_space<vmem>> -> memref<1x128xi32, #tpu.memory_space<vmem>>
    %dma_wait3A_245 = tpu.memref_squeeze %dma_wait3A_244 : memref<1x128xi32, #tpu.memory_space<vmem>> -> memref<128xi32, #tpu.memory_space<vmem>>
    %dma_wait3A_246 = arith.constant 0 : i32
    %dma_wait3A_247 = arith.constant 0 : i32
    %dma_wait3A_248 = tpu.memref_slice %arg3[%dma_wait3A_246, %dma_wait3A_247] : memref<50000x32xf32, #tpu.memory_space<hbm>> -> memref<50000x32xf32, #tpu.memory_space<hbm>>
    tpu.wait_indirect_dma semaphore(%arg10 : memref<!tpu.dma_semaphore, #tpu.memory_space<semaphore_mem>>) src(%dma_wait3A_248 : memref<50000x32xf32, #tpu.memory_space<hbm>>) dst(%arg9 : memref<128x32xf32, #tpu.memory_space<vmem>>)
    %mul3A_249 = arith.constant 1024 : i32
    %mul3A_250 = arith.muli %add3A, %mul3A_249 : i32
    %add3A_251 = arith.constant 768 : i32
    %add3A_252 = arith.addi %mul3A_250, %add3A_251 : i32
    "tpu.region"() ({
      %run_scoped3A = tpu.sem_alloc : memref<!tpu.dma_semaphore, #tpu.memory_space<semaphore_mem>>
      %dma_start3A_289 = arith.constant 0 : i32
      %dma_start3A_290 = tpu.memref_slice %arg6[%add3A_252, %dma_start3A_289] : memref<32768x32xf32, #tpu.memory_space<hbm>> -> memref<128x32xf32, #tpu.memory_space<hbm>>
      %dma_start3A_291 = arith.constant 0 : i32
      %dma_start3A_292 = tpu.memref_slice %arg6[%add3A_252, %dma_start3A_291] : memref<32768x32xf32, #tpu.memory_space<hbm>> -> memref<128x32xf32, #tpu.memory_space<hbm>>
      tpu.enqueue_dma source(%arg9 : memref<128x32xf32, #tpu.memory_space<vmem>>) target(%dma_start3A_292 : memref<128x32xf32, #tpu.memory_space<hbm>>) target_semaphore(%run_scoped3A : memref<!tpu.dma_semaphore, #tpu.memory_space<semaphore_mem>>)
      %dma_wait3A_293 = arith.constant 0 : i32
      %dma_wait3A_294 = tpu.memref_slice %arg6[%add3A_252, %dma_wait3A_293] : memref<32768x32xf32, #tpu.memory_space<hbm>> -> memref<128x32xf32, #tpu.memory_space<hbm>>
      %dma_wait3A_295 = arith.constant 0 : i32
      %dma_wait3A_296 = tpu.memref_slice %arg6[%add3A_252, %dma_wait3A_295] : memref<32768x32xf32, #tpu.memory_space<hbm>> -> memref<128x32xf32, #tpu.memory_space<hbm>>
      tpu.wait_dma2 semaphore(%run_scoped3A : memref<!tpu.dma_semaphore, #tpu.memory_space<semaphore_mem>>) src(%arg9 : memref<128x32xf32, #tpu.memory_space<vmem>>) dst(%dma_wait3A_296 : memref<128x32xf32, #tpu.memory_space<hbm>>)
      tpu.yield
    }) : () -> ()
    %dma_start3A_253 = arith.constant 7 : i32
    %dma_start3A_254 = arith.constant 0 : i32
    %dma_start3A_255 = tpu.memref_slice %arg7[%dma_start3A_253, %dma_start3A_254] : memref<8x128xi32, #tpu.memory_space<vmem>> -> memref<1x128xi32, #tpu.memory_space<vmem>>
    %dma_start3A_256 = tpu.memref_squeeze %dma_start3A_255 : memref<1x128xi32, #tpu.memory_space<vmem>> -> memref<128xi32, #tpu.memory_space<vmem>>
    %dma_start3A_257 = arith.constant 0 : i32
    %dma_start3A_258 = arith.constant 0 : i32
    %dma_start3A_259 = tpu.memref_slice %arg2[%dma_start3A_257, %dma_start3A_258] : memref<50000x32xi32, #tpu.memory_space<hbm>> -> memref<50000x32xi32, #tpu.memory_space<hbm>>
    tpu.enqueue_indirect_dma source(%dma_start3A_259 : memref<50000x32xi32, #tpu.memory_space<hbm>>) target(%arg8 : memref<128x32xi32, #tpu.memory_space<vmem>>) offsets(%dma_start3A_256 : memref<128xi32, #tpu.memory_space<vmem>>) semaphore(%arg10 : memref<!tpu.dma_semaphore, #tpu.memory_space<semaphore_mem>>)
    %dma_wait3A_260 = arith.constant 7 : i32
    %dma_wait3A_261 = arith.constant 0 : i32
    %dma_wait3A_262 = tpu.memref_slice %arg7[%dma_wait3A_260, %dma_wait3A_261] : memref<8x128xi32, #tpu.memory_space<vmem>> -> memref<1x128xi32, #tpu.memory_space<vmem>>
    %dma_wait3A_263 = tpu.memref_squeeze %dma_wait3A_262 : memref<1x128xi32, #tpu.memory_space<vmem>> -> memref<128xi32, #tpu.memory_space<vmem>>
    %dma_wait3A_264 = arith.constant 0 : i32
    %dma_wait3A_265 = arith.constant 0 : i32
    %dma_wait3A_266 = tpu.memref_slice %arg2[%dma_wait3A_264, %dma_wait3A_265] : memref<50000x32xi32, #tpu.memory_space<hbm>> -> memref<50000x32xi32, #tpu.memory_space<hbm>>
    tpu.wait_indirect_dma semaphore(%arg10 : memref<!tpu.dma_semaphore, #tpu.memory_space<semaphore_mem>>) src(%dma_wait3A_266 : memref<50000x32xi32, #tpu.memory_space<hbm>>) dst(%arg8 : memref<128x32xi32, #tpu.memory_space<vmem>>)
    %mul3A_267 = arith.constant 1024 : i32
    %mul3A_268 = arith.muli %add3A, %mul3A_267 : i32
    %add3A_269 = arith.constant 896 : i32
    %add3A_270 = arith.addi %mul3A_268, %add3A_269 : i32
    "tpu.region"() ({
      %run_scoped3A = tpu.sem_alloc : memref<!tpu.dma_semaphore, #tpu.memory_space<semaphore_mem>>
      %dma_start3A_289 = arith.constant 0 : i32
      %dma_start3A_290 = tpu.memref_slice %arg5[%add3A_270, %dma_start3A_289] : memref<32768x32xi32, #tpu.memory_space<hbm>> -> memref<128x32xi32, #tpu.memory_space<hbm>>
      %dma_start3A_291 = arith.constant 0 : i32
      %dma_start3A_292 = tpu.memref_slice %arg5[%add3A_270, %dma_start3A_291] : memref<32768x32xi32, #tpu.memory_space<hbm>> -> memref<128x32xi32, #tpu.memory_space<hbm>>
      tpu.enqueue_dma source(%arg8 : memref<128x32xi32, #tpu.memory_space<vmem>>) target(%dma_start3A_292 : memref<128x32xi32, #tpu.memory_space<hbm>>) target_semaphore(%run_scoped3A : memref<!tpu.dma_semaphore, #tpu.memory_space<semaphore_mem>>)
      %dma_wait3A_293 = arith.constant 0 : i32
      %dma_wait3A_294 = tpu.memref_slice %arg5[%add3A_270, %dma_wait3A_293] : memref<32768x32xi32, #tpu.memory_space<hbm>> -> memref<128x32xi32, #tpu.memory_space<hbm>>
      %dma_wait3A_295 = arith.constant 0 : i32
      %dma_wait3A_296 = tpu.memref_slice %arg5[%add3A_270, %dma_wait3A_295] : memref<32768x32xi32, #tpu.memory_space<hbm>> -> memref<128x32xi32, #tpu.memory_space<hbm>>
      tpu.wait_dma2 semaphore(%run_scoped3A : memref<!tpu.dma_semaphore, #tpu.memory_space<semaphore_mem>>) src(%arg8 : memref<128x32xi32, #tpu.memory_space<vmem>>) dst(%dma_wait3A_296 : memref<128x32xi32, #tpu.memory_space<hbm>>)
      tpu.yield
    }) : () -> ()
    %dma_start3A_271 = arith.constant 7 : i32
    %dma_start3A_272 = arith.constant 0 : i32
    %dma_start3A_273 = tpu.memref_slice %arg7[%dma_start3A_271, %dma_start3A_272] : memref<8x128xi32, #tpu.memory_space<vmem>> -> memref<1x128xi32, #tpu.memory_space<vmem>>
    %dma_start3A_274 = tpu.memref_squeeze %dma_start3A_273 : memref<1x128xi32, #tpu.memory_space<vmem>> -> memref<128xi32, #tpu.memory_space<vmem>>
    %dma_start3A_275 = arith.constant 0 : i32
    %dma_start3A_276 = arith.constant 0 : i32
    %dma_start3A_277 = tpu.memref_slice %arg3[%dma_start3A_275, %dma_start3A_276] : memref<50000x32xf32, #tpu.memory_space<hbm>> -> memref<50000x32xf32, #tpu.memory_space<hbm>>
    tpu.enqueue_indirect_dma source(%dma_start3A_277 : memref<50000x32xf32, #tpu.memory_space<hbm>>) target(%arg9 : memref<128x32xf32, #tpu.memory_space<vmem>>) offsets(%dma_start3A_274 : memref<128xi32, #tpu.memory_space<vmem>>) semaphore(%arg10 : memref<!tpu.dma_semaphore, #tpu.memory_space<semaphore_mem>>)
    %dma_wait3A_278 = arith.constant 7 : i32
    %dma_wait3A_279 = arith.constant 0 : i32
    %dma_wait3A_280 = tpu.memref_slice %arg7[%dma_wait3A_278, %dma_wait3A_279] : memref<8x128xi32, #tpu.memory_space<vmem>> -> memref<1x128xi32, #tpu.memory_space<vmem>>
    %dma_wait3A_281 = tpu.memref_squeeze %dma_wait3A_280 : memref<1x128xi32, #tpu.memory_space<vmem>> -> memref<128xi32, #tpu.memory_space<vmem>>
    %dma_wait3A_282 = arith.constant 0 : i32
    %dma_wait3A_283 = arith.constant 0 : i32
    %dma_wait3A_284 = tpu.memref_slice %arg3[%dma_wait3A_282, %dma_wait3A_283] : memref<50000x32xf32, #tpu.memory_space<hbm>> -> memref<50000x32xf32, #tpu.memory_space<hbm>>
    tpu.wait_indirect_dma semaphore(%arg10 : memref<!tpu.dma_semaphore, #tpu.memory_space<semaphore_mem>>) src(%dma_wait3A_284 : memref<50000x32xf32, #tpu.memory_space<hbm>>) dst(%arg9 : memref<128x32xf32, #tpu.memory_space<vmem>>)
    %mul3A_285 = arith.constant 1024 : i32
    %mul3A_286 = arith.muli %add3A, %mul3A_285 : i32
    %add3A_287 = arith.constant 896 : i32
    %add3A_288 = arith.addi %mul3A_286, %add3A_287 : i32
    "tpu.region"() ({
      %run_scoped3A = tpu.sem_alloc : memref<!tpu.dma_semaphore, #tpu.memory_space<semaphore_mem>>
      %dma_start3A_289 = arith.constant 0 : i32
      %dma_start3A_290 = tpu.memref_slice %arg6[%add3A_288, %dma_start3A_289] : memref<32768x32xf32, #tpu.memory_space<hbm>> -> memref<128x32xf32, #tpu.memory_space<hbm>>
      %dma_start3A_291 = arith.constant 0 : i32
      %dma_start3A_292 = tpu.memref_slice %arg6[%add3A_288, %dma_start3A_291] : memref<32768x32xf32, #tpu.memory_space<hbm>> -> memref<128x32xf32, #tpu.memory_space<hbm>>
      tpu.enqueue_dma source(%arg9 : memref<128x32xf32, #tpu.memory_space<vmem>>) target(%dma_start3A_292 : memref<128x32xf32, #tpu.memory_space<hbm>>) target_semaphore(%run_scoped3A : memref<!tpu.dma_semaphore, #tpu.memory_space<semaphore_mem>>)
      %dma_wait3A_293 = arith.constant 0 : i32
      %dma_wait3A_294 = tpu.memref_slice %arg6[%add3A_288, %dma_wait3A_293] : memref<32768x32xf32, #tpu.memory_space<hbm>> -> memref<128x32xf32, #tpu.memory_space<hbm>>
      %dma_wait3A_295 = arith.constant 0 : i32
      %dma_wait3A_296 = tpu.memref_slice %arg6[%add3A_288, %dma_wait3A_295] : memref<32768x32xf32, #tpu.memory_space<hbm>> -> memref<128x32xf32, #tpu.memory_space<hbm>>
      tpu.wait_dma2 semaphore(%run_scoped3A : memref<!tpu.dma_semaphore, #tpu.memory_space<semaphore_mem>>) src(%arg9 : memref<128x32xf32, #tpu.memory_space<vmem>>) dst(%dma_wait3A_296 : memref<128x32xf32, #tpu.memory_space<hbm>>)
      tpu.yield
    }) : () -> ()
    return
  }
}

module attributes {stable_mosaic.version = 14 : i64} {
  func.func @_attn_loss(%arg0: i32, %arg1: memref<512x1024xf32, #tpu.memory_space<vmem>>, %arg2: memref<512x1024xf32, #tpu.memory_space<vmem>>, %arg3: memref<512x1024xf32, #tpu.memory_space<vmem>>, %arg4: memref<512x1024xf32, #tpu.memory_space<vmem>>, %arg5: memref<512x32xf32, #tpu.memory_space<vmem>>, %arg6: memref<512x32xf32, #tpu.memory_space<vmem>>, %arg7: memref<512x4xf32, #tpu.memory_space<vmem>>, %arg8: memref<8x1024xf32, #tpu.memory_space<vmem>>, %arg9: memref<8x1024xf32, #tpu.memory_space<vmem>>, %arg10: memref<1024x32xf32, #tpu.memory_space<vmem>>, %arg11: memref<1024x32xf32, #tpu.memory_space<vmem>>, %arg12: memref<32x1024xf32, #tpu.memory_space<vmem>>, %arg13: memref<32x1024xf32, #tpu.memory_space<vmem>>, %arg14: memref<1x1x4xf32, #tpu.memory_space<vmem>>) attributes {dimension_semantics = [#tpu.dimension_semantics<arbitrary>], iteration_bounds = array<i64: 32>, scalar_prefetch = 0 : i64, scratch_operands = 0 : i64, tpu.core_type = #tpu.core_type<tc>, window_params = [{transform_indices = @transform_0, window_bounds = array<i64: 512, 1024>}, {transform_indices = @transform_1, window_bounds = array<i64: 512, 1024>}, {transform_indices = @transform_2, window_bounds = array<i64: 512, 1024>}, {transform_indices = @transform_3, window_bounds = array<i64: 512, 1024>}, {transform_indices = @transform_4, window_bounds = array<i64: 512, 32>}, {transform_indices = @transform_5, window_bounds = array<i64: 512, 32>}, {transform_indices = @transform_6, window_bounds = array<i64: 512, 4>}, {pipeline_mode = #tpu.pipeline_mode<synchronous>, transform_indices = @transform_7, window_bounds = array<i64: 8, 1024>}, {pipeline_mode = #tpu.pipeline_mode<synchronous>, transform_indices = @transform_8, window_bounds = array<i64: 8, 1024>}, {pipeline_mode = #tpu.pipeline_mode<synchronous>, transform_indices = @transform_9, window_bounds = array<i64: 1024, 32>}, {pipeline_mode = #tpu.pipeline_mode<synchronous>, transform_indices = @transform_10, window_bounds = array<i64: 1024, 32>}, {pipeline_mode = #tpu.pipeline_mode<synchronous>, transform_indices = @transform_11, window_bounds = array<i64: 32, 1024>}, {pipeline_mode = #tpu.pipeline_mode<synchronous>, transform_indices = @transform_12, window_bounds = array<i64: 32, 1024>}, {transform_indices = @transform_13, window_bounds = array<i64: 1, 1, 4>}]} {
    %get3A = arith.constant 0 : index
    %get3A_0 = arith.constant 0 : index
    %get3A_1 = vector.load %arg5[%get3A, %get3A_0] : memref<512x32xf32, #tpu.memory_space<vmem>>, vector<512x32xf32>
    %get3A_2 = arith.constant 0 : index
    %get3A_3 = arith.constant 0 : index
    %get3A_4 = vector.load %arg6[%get3A_2, %get3A_3] : memref<512x32xf32, #tpu.memory_space<vmem>>, vector<512x32xf32>
    %get3A_5 = arith.constant 0 : index
    %get3A_6 = arith.constant 0 : index
    %get3A_7 = vector.load %arg10[%get3A_5, %get3A_6] : memref<1024x32xf32, #tpu.memory_space<vmem>>, vector<1024x32xf32>
    %get3A_8 = arith.constant 0 : index
    %get3A_9 = arith.constant 0 : index
    %get3A_10 = vector.load %arg11[%get3A_8, %get3A_9] : memref<1024x32xf32, #tpu.memory_space<vmem>>, vector<1024x32xf32>
    %get3A_11 = arith.constant 0 : index
    %get3A_12 = arith.constant 0 : index
    %get3A_13 = vector.load %arg12[%get3A_11, %get3A_12] : memref<32x1024xf32, #tpu.memory_space<vmem>>, vector<32x1024xf32>
    %get3A_14 = arith.constant 0 : index
    %get3A_15 = arith.constant 0 : index
    %get3A_16 = vector.load %arg13[%get3A_14, %get3A_15] : memref<32x1024xf32, #tpu.memory_space<vmem>>, vector<32x1024xf32>
    %get3A_17 = arith.constant 0 : index
    %get3A_18 = arith.constant 0 : index
    %get3A_19 = vector.load %arg8[%get3A_17, %get3A_18] : memref<8x1024xf32, #tpu.memory_space<vmem>>, vector<1x1024xf32>
    %get3A_20 = arith.constant 0 : index
    %get3A_21 = arith.constant 0 : index
    %get3A_22 = vector.load %arg9[%get3A_20, %get3A_21] : memref<8x1024xf32, #tpu.memory_space<vmem>>, vector<1x1024xf32>
    %get3A_23 = arith.constant 0 : index
    %get3A_24 = arith.constant 0 : index
    %get3A_25 = vector.load %arg1[%get3A_23, %get3A_24] : memref<512x1024xf32, #tpu.memory_space<vmem>>, vector<512x1024xf32>
    %mul3A = vector.broadcast %get3A_19 : vector<1x1024xf32> to vector<512x1024xf32>
    %mul3A_26 = arith.mulf %get3A_25, %mul3A : vector<512x1024xf32>
    %get3A_27 = arith.constant 0 : index
    %get3A_28 = arith.constant 0 : index
    %get3A_29 = vector.load %arg2[%get3A_27, %get3A_28] : memref<512x1024xf32, #tpu.memory_space<vmem>>, vector<512x1024xf32>
    %mul3A_30 = vector.broadcast %get3A_19 : vector<1x1024xf32> to vector<512x1024xf32>
    %mul3A_31 = arith.mulf %get3A_29, %mul3A_30 : vector<512x1024xf32>
    %get3A_32 = arith.constant 0 : index
    %get3A_33 = arith.constant 0 : index
    %get3A_34 = vector.load %arg3[%get3A_32, %get3A_33] : memref<512x1024xf32, #tpu.memory_space<vmem>>, vector<512x1024xf32>
    %mul3A_35 = vector.broadcast %get3A_22 : vector<1x1024xf32> to vector<512x1024xf32>
    %mul3A_36 = arith.mulf %get3A_34, %mul3A_35 : vector<512x1024xf32>
    %get3A_37 = arith.constant 0 : index
    %get3A_38 = arith.constant 0 : index
    %get3A_39 = vector.load %arg4[%get3A_37, %get3A_38] : memref<512x1024xf32, #tpu.memory_space<vmem>>, vector<512x1024xf32>
    %mul3A_40 = vector.broadcast %get3A_22 : vector<1x1024xf32> to vector<512x1024xf32>
    %mul3A_41 = arith.mulf %get3A_39, %mul3A_40 : vector<512x1024xf32>
    %concatenate3A = tpu.concatenate %mul3A_26, %mul3A_31, %mul3A_36, %mul3A_41 in 0 : vector<512x1024xf32>, vector<512x1024xf32>, vector<512x1024xf32>, vector<512x1024xf32> -> vector<2048x1024xf32>
    %get3A_42 = arith.constant 0 : index
    %get3A_43 = arith.constant 0 : index
    %get3A_44 = vector.load %arg1[%get3A_42, %get3A_43] : memref<512x1024xf32, #tpu.memory_space<vmem>>, vector<512x1024xf32>
    %get3A_45 = arith.constant 0 : index
    %get3A_46 = arith.constant 0 : index
    %get3A_47 = vector.load %arg2[%get3A_45, %get3A_46] : memref<512x1024xf32, #tpu.memory_space<vmem>>, vector<512x1024xf32>
    %get3A_48 = arith.constant 0 : index
    %get3A_49 = arith.constant 0 : index
    %get3A_50 = vector.load %arg3[%get3A_48, %get3A_49] : memref<512x1024xf32, #tpu.memory_space<vmem>>, vector<512x1024xf32>
    %get3A_51 = arith.constant 0 : index
    %get3A_52 = arith.constant 0 : index
    %get3A_53 = vector.load %arg4[%get3A_51, %get3A_52] : memref<512x1024xf32, #tpu.memory_space<vmem>>, vector<512x1024xf32>
    %concatenate3A_54 = tpu.concatenate %get3A_44, %get3A_47, %get3A_50, %get3A_53 in 0 : vector<512x1024xf32>, vector<512x1024xf32>, vector<512x1024xf32>, vector<512x1024xf32> -> vector<2048x1024xf32>
    %concatenate3A_55 = tpu.concatenate %get3A_1, %get3A_4, %get3A_1, %get3A_4 in 0 : vector<512x32xf32>, vector<512x32xf32>, vector<512x32xf32>, vector<512x32xf32> -> vector<2048x32xf32>
    %gt3A = arith.constant 0.000000e+00 : f32
    %gt3A_56 = vector.broadcast %gt3A : f32 to vector<2048x32xf32>
    %gt3A_57 = arith.cmpf ogt, %concatenate3A_55, %gt3A_56 : vector<2048x32xf32>
    %dot_general3A = arith.constant dense<0.000000e+00> : vector<2048x32xf32>
    %dot_general3A_58 = tpu.matmul %concatenate3A, %get3A_7, %dot_general3A {dimension_numbers = #tpu.dot_dimension_numbers<[1], [0], [0], [1], [0, 0, 1, 1], [], []>, transpose_lhs_hint = false} : vector<2048x1024xf32>, vector<1024x32xf32>, vector<2048x32xf32> -> vector<2048x32xf32>
    %jit3A = arith.constant 0xFF800000 : f32
    %broadcast_in_dim3A = vector.broadcast %jit3A : f32 to vector<2048x32xf32>
    %select_n3A = arith.select %gt3A_57, %dot_general3A_58, %broadcast_in_dim3A : vector<2048x32xi1>, vector<2048x32xf32>
    %reduce_max3A = arith.constant dense<0xFF800000> : vector<2048xf32>
    %reduce_max3A_59 = vector.multi_reduction <maximumf>, %select_n3A, %reduce_max3A [1] : vector<2048x32xf32> to vector<2048xf32>
    %broadcast_in_dim3A_60 = vector.shape_cast %reduce_max3A_59 : vector<2048xf32> to vector<2048x1xf32>
    %sub3A = vector.broadcast %broadcast_in_dim3A_60 : vector<2048x1xf32> to vector<2048x32xf32>
    %sub3A_61 = arith.subf %dot_general3A_58, %sub3A : vector<2048x32xf32>
    %exp3A = math.exp %sub3A_61 : vector<2048x32xf32>
    %jit3A_62 = arith.constant 0.000000e+00 : f32
    %broadcast_in_dim3A_63 = vector.broadcast %jit3A_62 : f32 to vector<2048x32xf32>
    %select_n3A_64 = arith.select %gt3A_57, %exp3A, %broadcast_in_dim3A_63 : vector<2048x32xi1>, vector<2048x32xf32>
    %reduce_sum3A = arith.constant dense<0.000000e+00> : vector<2048xf32>
    %reduce_sum3A_65 = vector.multi_reduction <add>, %select_n3A_64, %reduce_sum3A [1] : vector<2048x32xf32> to vector<2048xf32>
    %broadcast_in_dim3A_66 = vector.shape_cast %reduce_sum3A_65 : vector<2048xf32> to vector<2048x1xf32>
    %div3A = vector.broadcast %broadcast_in_dim3A_66 : vector<2048x1xf32> to vector<2048x32xf32>
    %div3A_67 = arith.divf %select_n3A_64, %div3A : vector<2048x32xf32>
    %dot_general3A_68 = arith.constant dense<0.000000e+00> : vector<2048x1024xf32>
    %dot_general3A_69 = tpu.matmul %div3A_67, %get3A_13, %dot_general3A_68 {dimension_numbers = #tpu.dot_dimension_numbers<[1], [0], [0], [1], [0, 0, 1, 1], [], []>, transpose_lhs_hint = false} : vector<2048x32xf32>, vector<32x1024xf32>, vector<2048x1024xf32> -> vector<2048x1024xf32>
    %mul3A_70 = arith.mulf %concatenate3A_54, %dot_general3A_69 : vector<2048x1024xf32>
    %dot_general3A_71 = arith.constant dense<0.000000e+00> : vector<2048x32xf32>
    %dot_general3A_72 = tpu.matmul %mul3A_70, %get3A_10, %dot_general3A_71 {dimension_numbers = #tpu.dot_dimension_numbers<[1], [0], [0], [1], [0, 0, 1, 1], [], []>, transpose_lhs_hint = false} : vector<2048x1024xf32>, vector<1024x32xf32>, vector<2048x32xf32> -> vector<2048x32xf32>
    %dot_general3A_73 = arith.constant dense<0.000000e+00> : vector<2048x1024xf32>
    %dot_general3A_74 = tpu.matmul %dot_general3A_72, %get3A_16, %dot_general3A_73 {dimension_numbers = #tpu.dot_dimension_numbers<[1], [0], [0], [1], [0, 0, 1, 1], [], []>, transpose_lhs_hint = false} : vector<2048x32xf32>, vector<32x1024xf32>, vector<2048x1024xf32> -> vector<2048x1024xf32>
    %mul3A_75 = arith.mulf %concatenate3A_54, %dot_general3A_74 : vector<2048x1024xf32>
    %dot_general3A_76 = arith.constant dense<0.000000e+00> : vector<2048x32xf32>
    %dot_general3A_77 = tpu.matmul %mul3A_75, %get3A_7, %dot_general3A_76 {dimension_numbers = #tpu.dot_dimension_numbers<[1], [0], [0], [1], [0, 0, 1, 1], [], []>, transpose_lhs_hint = false} : vector<2048x1024xf32>, vector<1024x32xf32>, vector<2048x32xf32> -> vector<2048x32xf32>
    %jit3A_78 = arith.constant 0xFF800000 : f32
    %broadcast_in_dim3A_79 = vector.broadcast %jit3A_78 : f32 to vector<2048x32xf32>
    %select_n3A_80 = arith.select %gt3A_57, %dot_general3A_77, %broadcast_in_dim3A_79 : vector<2048x32xi1>, vector<2048x32xf32>
    %reduce_max3A_81 = arith.constant dense<0xFF800000> : vector<2048xf32>
    %reduce_max3A_82 = vector.multi_reduction <maximumf>, %select_n3A_80, %reduce_max3A_81 [1] : vector<2048x32xf32> to vector<2048xf32>
    %broadcast_in_dim3A_83 = vector.shape_cast %reduce_max3A_82 : vector<2048xf32> to vector<2048x1xf32>
    %sub3A_84 = vector.broadcast %broadcast_in_dim3A_83 : vector<2048x1xf32> to vector<2048x32xf32>
    %sub3A_85 = arith.subf %dot_general3A_77, %sub3A_84 : vector<2048x32xf32>
    %exp3A_86 = math.exp %sub3A_85 : vector<2048x32xf32>
    %jit3A_87 = arith.constant 0.000000e+00 : f32
    %broadcast_in_dim3A_88 = vector.broadcast %jit3A_87 : f32 to vector<2048x32xf32>
    %select_n3A_89 = arith.select %gt3A_57, %exp3A_86, %broadcast_in_dim3A_88 : vector<2048x32xi1>, vector<2048x32xf32>
    %reduce_sum3A_90 = arith.constant dense<0.000000e+00> : vector<2048xf32>
    %reduce_sum3A_91 = vector.multi_reduction <add>, %select_n3A_89, %reduce_sum3A_90 [1] : vector<2048x32xf32> to vector<2048xf32>
    %broadcast_in_dim3A_92 = vector.shape_cast %reduce_sum3A_91 : vector<2048xf32> to vector<2048x1xf32>
    %div3A_93 = vector.broadcast %broadcast_in_dim3A_92 : vector<2048x1xf32> to vector<2048x32xf32>
    %div3A_94 = arith.divf %select_n3A_89, %div3A_93 : vector<2048x32xf32>
    %dot_general3A_95 = arith.constant dense<0.000000e+00> : vector<2048x1024xf32>
    %dot_general3A_96 = tpu.matmul %div3A_94, %get3A_13, %dot_general3A_95 {dimension_numbers = #tpu.dot_dimension_numbers<[1], [0], [0], [1], [0, 0, 1, 1], [], []>, transpose_lhs_hint = false} : vector<2048x32xf32>, vector<32x1024xf32>, vector<2048x1024xf32> -> vector<2048x1024xf32>
    %mul3A_97 = arith.mulf %concatenate3A_54, %dot_general3A_96 : vector<2048x1024xf32>
    %dot_general3A_98 = arith.constant dense<0.000000e+00> : vector<2048x32xf32>
    %dot_general3A_99 = tpu.matmul %mul3A_97, %get3A_10, %dot_general3A_98 {dimension_numbers = #tpu.dot_dimension_numbers<[1], [0], [0], [1], [0, 0, 1, 1], [], []>, transpose_lhs_hint = false} : vector<2048x1024xf32>, vector<1024x32xf32>, vector<2048x32xf32> -> vector<2048x32xf32>
    %slice3A = vector.extract_strided_slice %dot_general3A_99 {offsets = [0, 0], sizes = [512, 32], strides = [1, 1]} : vector<2048x32xf32> to vector<512x32xf32>
    %slice3A_100 = vector.extract_strided_slice %dot_general3A_99 {offsets = [512, 0], sizes = [512, 32], strides = [1, 1]} : vector<2048x32xf32> to vector<512x32xf32>
    %reduce_sum3A_101 = arith.constant dense<0.000000e+00> : vector<512xf32>
    %reduce_sum3A_102 = vector.multi_reduction <add>, %get3A_1, %reduce_sum3A_101 [1] : vector<512x32xf32> to vector<512xf32>
    %broadcast_in_dim3A_103 = vector.shape_cast %reduce_sum3A_102 : vector<512xf32> to vector<512x1xf32>
    %log3A = math.log %broadcast_in_dim3A_103 : vector<512x1xf32>
    %mul3A_104 = arith.constant 3.125000e-02 : f32
    %mul3A_105 = vector.broadcast %mul3A_104 : f32 to vector<512x1xf32>
    %mul3A_106 = arith.mulf %log3A, %mul3A_105 : vector<512x1xf32>
    %exp3A_107 = math.exp %mul3A_106 : vector<512x1xf32>
    %reduce_sum3A_108 = arith.constant dense<0.000000e+00> : vector<512xf32>
    %reduce_sum3A_109 = vector.multi_reduction <add>, %get3A_4, %reduce_sum3A_108 [1] : vector<512x32xf32> to vector<512xf32>
    %broadcast_in_dim3A_110 = vector.shape_cast %reduce_sum3A_109 : vector<512xf32> to vector<512x1xf32>
    %log3A_111 = math.log %broadcast_in_dim3A_110 : vector<512x1xf32>
    %mul3A_112 = arith.constant 3.125000e-02 : f32
    %mul3A_113 = vector.broadcast %mul3A_112 : f32 to vector<512x1xf32>
    %mul3A_114 = arith.mulf %log3A_111, %mul3A_113 : vector<512x1xf32>
    %exp3A_115 = math.exp %mul3A_114 : vector<512x1xf32>
    %slice3A_116 = vector.extract_strided_slice %dot_general3A_99 {offsets = [1024, 0], sizes = [512, 32], strides = [1, 1]} : vector<2048x32xf32> to vector<512x32xf32>
    %mul3A_117 = vector.broadcast %exp3A_107 : vector<512x1xf32> to vector<512x32xf32>
    %mul3A_118 = arith.mulf %slice3A_116, %mul3A_117 : vector<512x32xf32>
    %slice3A_119 = vector.extract_strided_slice %dot_general3A_99 {offsets = [1536, 0], sizes = [512, 32], strides = [1, 1]} : vector<2048x32xf32> to vector<512x32xf32>
    %mul3A_120 = vector.broadcast %exp3A_115 : vector<512x1xf32> to vector<512x32xf32>
    %mul3A_121 = arith.mulf %slice3A_119, %mul3A_120 : vector<512x32xf32>
    %mul3A_122 = arith.constant 1.000000e+00 : f32
    %mul3A_123 = vector.broadcast %mul3A_122 : f32 to vector<512x32xf32>
    %mul3A_124 = arith.mulf %mul3A_123, %slice3A : vector<512x32xf32>
    %custom_jvp_call3A = arith.constant 0.000000e+00 : f32
    %max3A = vector.broadcast %custom_jvp_call3A : f32 to vector<512x32xf32>
    %max3A_125 = arith.maximumf %mul3A_124, %max3A : vector<512x32xf32>
    %sub3A_126 = vector.broadcast %custom_jvp_call3A : f32 to vector<512x32xf32>
    %sub3A_127 = arith.subf %mul3A_124, %sub3A_126 : vector<512x32xf32>
    %ne3A = arith.cmpf one, %sub3A_127, %sub3A_127 : vector<512x32xf32>
    %add3A = vector.broadcast %custom_jvp_call3A : f32 to vector<512x32xf32>
    %add3A_128 = arith.addf %mul3A_124, %add3A : vector<512x32xf32>
    %abs3A = math.absf %sub3A_127 : vector<512x32xf32>
    %neg3A = arith.constant 0.000000e+00 : f32
    %neg3A_129 = vector.broadcast %neg3A : f32 to vector<512x32xf32>
    %neg3A_130 = arith.subf %neg3A_129, %abs3A : vector<512x32xf32>
    %exp3A_131 = math.exp %neg3A_130 : vector<512x32xf32>
    %log1p3A = math.log1p %exp3A_131 : vector<512x32xf32>
    %add3A_132 = arith.addf %max3A_125, %log1p3A : vector<512x32xf32>
    %select_n3A_133 = arith.select %ne3A, %add3A_128, %add3A_132 : vector<512x32xi1>, vector<512x32xf32>
    %div3A_134 = arith.constant 1.000000e+00 : f32
    %div3A_135 = vector.broadcast %div3A_134 : f32 to vector<512x32xf32>
    %div3A_136 = arith.divf %select_n3A_133, %div3A_135 : vector<512x32xf32>
    %mul3A_137 = arith.constant 1.000000e+00 : f32
    %mul3A_138 = vector.broadcast %mul3A_137 : f32 to vector<512x32xf32>
    %mul3A_139 = arith.mulf %mul3A_138, %mul3A_118 : vector<512x32xf32>
    %custom_jvp_call3A_140 = arith.constant 0.000000e+00 : f32
    %max3A_141 = vector.broadcast %custom_jvp_call3A_140 : f32 to vector<512x32xf32>
    %max3A_142 = arith.maximumf %mul3A_139, %max3A_141 : vector<512x32xf32>
    %sub3A_143 = vector.broadcast %custom_jvp_call3A_140 : f32 to vector<512x32xf32>
    %sub3A_144 = arith.subf %mul3A_139, %sub3A_143 : vector<512x32xf32>
    %ne3A_145 = arith.cmpf one, %sub3A_144, %sub3A_144 : vector<512x32xf32>
    %add3A_146 = vector.broadcast %custom_jvp_call3A_140 : f32 to vector<512x32xf32>
    %add3A_147 = arith.addf %mul3A_139, %add3A_146 : vector<512x32xf32>
    %abs3A_148 = math.absf %sub3A_144 : vector<512x32xf32>
    %neg3A_149 = arith.constant 0.000000e+00 : f32
    %neg3A_150 = vector.broadcast %neg3A_149 : f32 to vector<512x32xf32>
    %neg3A_151 = arith.subf %neg3A_150, %abs3A_148 : vector<512x32xf32>
    %exp3A_152 = math.exp %neg3A_151 : vector<512x32xf32>
    %log1p3A_153 = math.log1p %exp3A_152 : vector<512x32xf32>
    %add3A_154 = arith.addf %max3A_142, %log1p3A_153 : vector<512x32xf32>
    %select_n3A_155 = arith.select %ne3A_145, %add3A_147, %add3A_154 : vector<512x32xi1>, vector<512x32xf32>
    %div3A_156 = arith.constant 1.000000e+00 : f32
    %div3A_157 = vector.broadcast %div3A_156 : f32 to vector<512x32xf32>
    %div3A_158 = arith.divf %select_n3A_155, %div3A_157 : vector<512x32xf32>
    %add3A_159 = arith.addf %div3A_136, %div3A_158 : vector<512x32xf32>
    %mul3A_160 = arith.constant 1.000000e+00 : f32
    %mul3A_161 = vector.broadcast %mul3A_160 : f32 to vector<512x32xf32>
    %mul3A_162 = arith.mulf %mul3A_161, %slice3A_100 : vector<512x32xf32>
    %custom_jvp_call3A_163 = arith.constant 0.000000e+00 : f32
    %max3A_164 = vector.broadcast %custom_jvp_call3A_163 : f32 to vector<512x32xf32>
    %max3A_165 = arith.maximumf %mul3A_162, %max3A_164 : vector<512x32xf32>
    %sub3A_166 = vector.broadcast %custom_jvp_call3A_163 : f32 to vector<512x32xf32>
    %sub3A_167 = arith.subf %mul3A_162, %sub3A_166 : vector<512x32xf32>
    %ne3A_168 = arith.cmpf one, %sub3A_167, %sub3A_167 : vector<512x32xf32>
    %add3A_169 = vector.broadcast %custom_jvp_call3A_163 : f32 to vector<512x32xf32>
    %add3A_170 = arith.addf %mul3A_162, %add3A_169 : vector<512x32xf32>
    %abs3A_171 = math.absf %sub3A_167 : vector<512x32xf32>
    %neg3A_172 = arith.constant 0.000000e+00 : f32
    %neg3A_173 = vector.broadcast %neg3A_172 : f32 to vector<512x32xf32>
    %neg3A_174 = arith.subf %neg3A_173, %abs3A_171 : vector<512x32xf32>
    %exp3A_175 = math.exp %neg3A_174 : vector<512x32xf32>
    %log1p3A_176 = math.log1p %exp3A_175 : vector<512x32xf32>
    %add3A_177 = arith.addf %max3A_165, %log1p3A_176 : vector<512x32xf32>
    %select_n3A_178 = arith.select %ne3A_168, %add3A_170, %add3A_177 : vector<512x32xi1>, vector<512x32xf32>
    %div3A_179 = arith.constant 1.000000e+00 : f32
    %div3A_180 = vector.broadcast %div3A_179 : f32 to vector<512x32xf32>
    %div3A_181 = arith.divf %select_n3A_178, %div3A_180 : vector<512x32xf32>
    %mul3A_182 = arith.constant 1.000000e+00 : f32
    %mul3A_183 = vector.broadcast %mul3A_182 : f32 to vector<512x32xf32>
    %mul3A_184 = arith.mulf %mul3A_183, %mul3A_121 : vector<512x32xf32>
    %custom_jvp_call3A_185 = arith.constant 0.000000e+00 : f32
    %max3A_186 = vector.broadcast %custom_jvp_call3A_185 : f32 to vector<512x32xf32>
    %max3A_187 = arith.maximumf %mul3A_184, %max3A_186 : vector<512x32xf32>
    %sub3A_188 = vector.broadcast %custom_jvp_call3A_185 : f32 to vector<512x32xf32>
    %sub3A_189 = arith.subf %mul3A_184, %sub3A_188 : vector<512x32xf32>
    %ne3A_190 = arith.cmpf one, %sub3A_189, %sub3A_189 : vector<512x32xf32>
    %add3A_191 = vector.broadcast %custom_jvp_call3A_185 : f32 to vector<512x32xf32>
    %add3A_192 = arith.addf %mul3A_184, %add3A_191 : vector<512x32xf32>
    %abs3A_193 = math.absf %sub3A_189 : vector<512x32xf32>
    %neg3A_194 = arith.constant 0.000000e+00 : f32
    %neg3A_195 = vector.broadcast %neg3A_194 : f32 to vector<512x32xf32>
    %neg3A_196 = arith.subf %neg3A_195, %abs3A_193 : vector<512x32xf32>
    %exp3A_197 = math.exp %neg3A_196 : vector<512x32xf32>
    %log1p3A_198 = math.log1p %exp3A_197 : vector<512x32xf32>
    %add3A_199 = arith.addf %max3A_187, %log1p3A_198 : vector<512x32xf32>
    %select_n3A_200 = arith.select %ne3A_190, %add3A_192, %add3A_199 : vector<512x32xi1>, vector<512x32xf32>
    %div3A_201 = arith.constant 1.000000e+00 : f32
    %div3A_202 = vector.broadcast %div3A_201 : f32 to vector<512x32xf32>
    %div3A_203 = arith.divf %select_n3A_200, %div3A_202 : vector<512x32xf32>
    %add3A_204 = arith.addf %div3A_181, %div3A_203 : vector<512x32xf32>
    %min3A = arith.minimumf %add3A_159, %add3A_204 : vector<512x32xf32>
    %max3A_205 = arith.maximumf %div3A_136, %div3A_181 : vector<512x32xf32>
    %sub3A_206 = arith.subf %min3A, %max3A_205 : vector<512x32xf32>
    %add3A_207 = arith.constant 1.000000e-10 : f32
    %add3A_208 = vector.broadcast %add3A_207 : f32 to vector<512x32xf32>
    %add3A_209 = arith.addf %div3A_158, %add3A_208 : vector<512x32xf32>
    %log3A_210 = math.log %add3A_209 : vector<512x32xf32>
    %reduce_sum3A_211 = arith.constant dense<0.000000e+00> : vector<512xf32>
    %reduce_sum3A_212 = vector.multi_reduction <add>, %log3A_210, %reduce_sum3A_211 [1] : vector<512x32xf32> to vector<512xf32>
    %broadcast_in_dim3A_213 = vector.shape_cast %reduce_sum3A_212 : vector<512xf32> to vector<512x1xf32>
    %add3A_214 = arith.constant 1.000000e-10 : f32
    %add3A_215 = vector.broadcast %add3A_214 : f32 to vector<512x32xf32>
    %add3A_216 = arith.addf %div3A_203, %add3A_215 : vector<512x32xf32>
    %log3A_217 = math.log %add3A_216 : vector<512x32xf32>
    %reduce_sum3A_218 = arith.constant dense<0.000000e+00> : vector<512xf32>
    %reduce_sum3A_219 = vector.multi_reduction <add>, %log3A_217, %reduce_sum3A_218 [1] : vector<512x32xf32> to vector<512xf32>
    %broadcast_in_dim3A_220 = vector.shape_cast %reduce_sum3A_219 : vector<512xf32> to vector<512x1xf32>
    %add3A_221 = arith.constant 1.000000e-10 : f32
    %add3A_222 = vector.broadcast %add3A_221 : f32 to vector<512x32xf32>
    %add3A_223 = arith.addf %sub3A_206, %add3A_222 : vector<512x32xf32>
    %log3A_224 = math.log %add3A_223 : vector<512x32xf32>
    %reduce_sum3A_225 = arith.constant dense<0.000000e+00> : vector<512xf32>
    %reduce_sum3A_226 = vector.multi_reduction <add>, %log3A_224, %reduce_sum3A_225 [1] : vector<512x32xf32> to vector<512xf32>
    %broadcast_in_dim3A_227 = vector.shape_cast %reduce_sum3A_226 : vector<512xf32> to vector<512x1xf32>
    %max3A_228 = arith.maximumf %add3A_159, %add3A_204 : vector<512x32xf32>
    %min3A_229 = arith.minimumf %div3A_136, %div3A_181 : vector<512x32xf32>
    %sub3A_230 = arith.subf %max3A_228, %min3A_229 : vector<512x32xf32>
    %add3A_231 = arith.constant 1.000000e-10 : f32
    %add3A_232 = vector.broadcast %add3A_231 : f32 to vector<512x32xf32>
    %add3A_233 = arith.addf %sub3A_230, %add3A_232 : vector<512x32xf32>
    %log3A_234 = math.log %add3A_233 : vector<512x32xf32>
    %reduce_sum3A_235 = arith.constant dense<0.000000e+00> : vector<512xf32>
    %reduce_sum3A_236 = vector.multi_reduction <add>, %log3A_234, %reduce_sum3A_235 [1] : vector<512x32xf32> to vector<512xf32>
    %broadcast_in_dim3A_237 = vector.shape_cast %reduce_sum3A_236 : vector<512xf32> to vector<512x1xf32>
    %div3A_238 = arith.divf %broadcast_in_dim3A_227, %broadcast_in_dim3A_237 : vector<512x1xf32>
    %abs3A_239 = math.absf %broadcast_in_dim3A_213 : vector<512x1xf32>
    %add3A_240 = arith.constant 1.000000e-10 : f32
    %add3A_241 = vector.broadcast %add3A_240 : f32 to vector<512x1xf32>
    %add3A_242 = arith.addf %abs3A_239, %add3A_241 : vector<512x1xf32>
    %log3A_243 = math.log %add3A_242 : vector<512x1xf32>
    %abs3A_244 = math.absf %broadcast_in_dim3A_220 : vector<512x1xf32>
    %add3A_245 = arith.constant 1.000000e-10 : f32
    %add3A_246 = vector.broadcast %add3A_245 : f32 to vector<512x1xf32>
    %add3A_247 = arith.addf %abs3A_244, %add3A_246 : vector<512x1xf32>
    %log3A_248 = math.log %add3A_247 : vector<512x1xf32>
    %add3A_249 = arith.addf %log3A_243, %log3A_248 : vector<512x1xf32>
    %log3A_250 = math.log %add3A_249 : vector<512x1xf32>
    %mul3A_251 = arith.constant 3.125000e-02 : f32
    %mul3A_252 = vector.broadcast %mul3A_251 : f32 to vector<512x1xf32>
    %mul3A_253 = arith.mulf %log3A_250, %mul3A_252 : vector<512x1xf32>
    %exp3A_254 = math.exp %mul3A_253 : vector<512x1xf32>
    %div3A_255 = arith.divf %broadcast_in_dim3A_227, %exp3A_254 : vector<512x1xf32>
    %mul3A_256 = arith.constant 2.000000e+00 : f32
    %mul3A_257 = vector.broadcast %mul3A_256 : f32 to vector<512x1xf32>
    %mul3A_258 = arith.mulf %mul3A_257, %broadcast_in_dim3A_227 : vector<512x1xf32>
    %add3A_259 = arith.addf %broadcast_in_dim3A_213, %broadcast_in_dim3A_220 : vector<512x1xf32>
    %div3A_260 = arith.divf %mul3A_258, %add3A_259 : vector<512x1xf32>
    %get3A_261 = arith.constant 0 : index
    %get3A_262 = arith.constant 0 : index
    %get3A_263 = vector.load %arg7[%get3A_261, %get3A_262] : memref<512x4xf32, #tpu.memory_space<vmem>>, vector<512x4xf32>
    %exp3A_264 = math.exp %broadcast_in_dim3A_227 : vector<512x1xf32>
    %slice3A_265 = vector.extract_strided_slice %get3A_263 {offsets = [0, 0], sizes = [512, 1], strides = [1, 1]} : vector<512x4xf32> to vector<512x1xf32>
    %sub3A_266 = arith.subf %exp3A_264, %slice3A_265 : vector<512x1xf32>
    %exp3A_267 = math.exp %div3A_238 : vector<512x1xf32>
    %slice3A_268 = vector.extract_strided_slice %get3A_263 {offsets = [0, 1], sizes = [512, 1], strides = [1, 1]} : vector<512x4xf32> to vector<512x1xf32>
    %sub3A_269 = arith.subf %exp3A_267, %slice3A_268 : vector<512x1xf32>
    %exp3A_270 = math.exp %div3A_255 : vector<512x1xf32>
    %slice3A_271 = vector.extract_strided_slice %get3A_263 {offsets = [0, 2], sizes = [512, 1], strides = [1, 1]} : vector<512x4xf32> to vector<512x1xf32>
    %sub3A_272 = arith.subf %exp3A_270, %slice3A_271 : vector<512x1xf32>
    %exp3A_273 = math.exp %div3A_260 : vector<512x1xf32>
    %slice3A_274 = vector.extract_strided_slice %get3A_263 {offsets = [0, 3], sizes = [512, 1], strides = [1, 1]} : vector<512x4xf32> to vector<512x1xf32>
    %sub3A_275 = arith.subf %exp3A_273, %slice3A_274 : vector<512x1xf32>
    %mul3A_276 = arith.mulf %sub3A_266, %sub3A_266 : vector<512x1xf32>
    %reduce_sum3A_277 = arith.constant dense<0.000000e+00> : vector<1xf32>
    %reduce_sum3A_278 = vector.multi_reduction <add>, %mul3A_276, %reduce_sum3A_277 [0] : vector<512x1xf32> to vector<1xf32>
    %broadcast_in_dim3A_279 = vector.shape_cast %reduce_sum3A_278 : vector<1xf32> to vector<1x1xf32>
    %mul3A_280 = arith.mulf %sub3A_269, %sub3A_269 : vector<512x1xf32>
    %reduce_sum3A_281 = arith.constant dense<0.000000e+00> : vector<1xf32>
    %reduce_sum3A_282 = vector.multi_reduction <add>, %mul3A_280, %reduce_sum3A_281 [0] : vector<512x1xf32> to vector<1xf32>
    %broadcast_in_dim3A_283 = vector.shape_cast %reduce_sum3A_282 : vector<1xf32> to vector<1x1xf32>
    %mul3A_284 = arith.mulf %sub3A_272, %sub3A_272 : vector<512x1xf32>
    %reduce_sum3A_285 = arith.constant dense<0.000000e+00> : vector<1xf32>
    %reduce_sum3A_286 = vector.multi_reduction <add>, %mul3A_284, %reduce_sum3A_285 [0] : vector<512x1xf32> to vector<1xf32>
    %broadcast_in_dim3A_287 = vector.shape_cast %reduce_sum3A_286 : vector<1xf32> to vector<1x1xf32>
    %mul3A_288 = arith.mulf %sub3A_275, %sub3A_275 : vector<512x1xf32>
    %reduce_sum3A_289 = arith.constant dense<0.000000e+00> : vector<1xf32>
    %reduce_sum3A_290 = vector.multi_reduction <add>, %mul3A_288, %reduce_sum3A_289 [0] : vector<512x1xf32> to vector<1xf32>
    %broadcast_in_dim3A_291 = vector.shape_cast %reduce_sum3A_290 : vector<1xf32> to vector<1x1xf32>
    %concatenate3A_292 = tpu.concatenate %broadcast_in_dim3A_279, %broadcast_in_dim3A_283, %broadcast_in_dim3A_287, %broadcast_in_dim3A_291 in 1 : vector<1x1xf32>, vector<1x1xf32>, vector<1x1xf32>, vector<1x1xf32> -> vector<1x4xf32>
    %reshape3A = vector.shape_cast %concatenate3A_292 : vector<1x4xf32> to vector<1x1x4xf32>
    %swap3A = arith.constant 0 : index
    %swap3A_293 = arith.constant 0 : index
    %swap3A_294 = arith.constant 0 : index
    %swap3A_295 = vector.load %arg14[%swap3A, %swap3A_293, %swap3A_294] : memref<1x1x4xf32, #tpu.memory_space<vmem>>, vector<1x1x4xf32>
    tpu.vector_store %arg14[%swap3A, %swap3A_293, %swap3A_294], %reshape3A {strides = array<i32>} : memref<1x1x4xf32, #tpu.memory_space<vmem>>, vector<1x1x4xf32>,
    return
  }
  func.func @transform_0(%arg0: i32) -> (i32, i32) {
    %c0_i32 = arith.constant 0 : i32
    %c0_i32_0 = arith.constant 0 : i32
    return %arg0, %c0_i32 : i32, i32
  }
  func.func @transform_1(%arg0: i32) -> (i32, i32) {
    %add3A = arith.constant 32 : i32
    %add3A_0 = arith.addi %arg0, %add3A : i32
    %c0_i32 = arith.constant 0 : i32
    %c0_i32_1 = arith.constant 0 : i32
    return %add3A_0, %c0_i32 : i32, i32
  }
  func.func @transform_2(%arg0: i32) -> (i32, i32) {
    %c0_i32 = arith.constant 0 : i32
    %c0_i32_0 = arith.constant 0 : i32
    return %arg0, %c0_i32 : i32, i32
  }
  func.func @transform_3(%arg0: i32) -> (i32, i32) {
    %add3A = arith.constant 32 : i32
    %add3A_0 = arith.addi %arg0, %add3A : i32
    %c0_i32 = arith.constant 0 : i32
    %c0_i32_1 = arith.constant 0 : i32
    return %add3A_0, %c0_i32 : i32, i32
  }
  func.func @transform_4(%arg0: i32) -> (i32, i32) {
    %c0_i32 = arith.constant 0 : i32
    %c0_i32_0 = arith.constant 0 : i32
    return %arg0, %c0_i32 : i32, i32
  }
  func.func @transform_5(%arg0: i32) -> (i32, i32) {
    %add3A = arith.constant 32 : i32
    %add3A_0 = arith.addi %arg0, %add3A : i32
    %c0_i32 = arith.constant 0 : i32
    %c0_i32_1 = arith.constant 0 : i32
    return %add3A_0, %c0_i32 : i32, i32
  }
  func.func @transform_6(%arg0: i32) -> (i32, i32) {
    %c0_i32 = arith.constant 0 : i32
    %c0_i32_0 = arith.constant 0 : i32
    return %arg0, %c0_i32 : i32, i32
  }
  func.func @transform_7(%arg0: i32) -> (i32, i32) {
    %c0_i32 = arith.constant 0 : i32
    %c0_i32_0 = arith.constant 0 : i32
    %c0_i32_1 = arith.constant 0 : i32
    return %c0_i32, %c0_i32_0 : i32, i32
  }
  func.func @transform_8(%arg0: i32) -> (i32, i32) {
    %c0_i32 = arith.constant 0 : i32
    %c0_i32_0 = arith.constant 0 : i32
    %c0_i32_1 = arith.constant 0 : i32
    return %c0_i32, %c0_i32_0 : i32, i32
  }
  func.func @transform_9(%arg0: i32) -> (i32, i32) {
    %c0_i32 = arith.constant 0 : i32
    %c0_i32_0 = arith.constant 0 : i32
    %c0_i32_1 = arith.constant 0 : i32
    return %c0_i32, %c0_i32_0 : i32, i32
  }
  func.func @transform_10(%arg0: i32) -> (i32, i32) {
    %c0_i32 = arith.constant 0 : i32
    %c0_i32_0 = arith.constant 0 : i32
    %c0_i32_1 = arith.constant 0 : i32
    return %c0_i32, %c0_i32_0 : i32, i32
  }
  func.func @transform_11(%arg0: i32) -> (i32, i32) {
    %c0_i32 = arith.constant 0 : i32
    %c0_i32_0 = arith.constant 0 : i32
    %c0_i32_1 = arith.constant 0 : i32
    return %c0_i32, %c0_i32_0 : i32, i32
  }
  func.func @transform_12(%arg0: i32) -> (i32, i32) {
    %c0_i32 = arith.constant 0 : i32
    %c0_i32_0 = arith.constant 0 : i32
    %c0_i32_1 = arith.constant 0 : i32
    return %c0_i32, %c0_i32_0 : i32, i32
  }
  func.func @transform_13(%arg0: i32) -> (i32, i32, i32) {
    %c0_i32 = arith.constant 0 : i32
    %c0_i32_0 = arith.constant 0 : i32
    %c0_i32_1 = arith.constant 0 : i32
    return %arg0, %c0_i32, %c0_i32_0 : i32, i32, i32
  }
}

</mosaic_0001>

<sc_bundles>
// kernel: kernel.5.cloned.1.call-start
scs
__scs_entry_jumppad:
0x0: {  	(pc) =	sbr.rel $0x88, $3  }
0x1: {  	(tag) =	ssettag $0x0;
	lr =	simm.s32 $0x1  }
0x2: {  	[smem:$0x3F99] =	sst lr;
	_ =	strace $0xD0000000  }
0x3: {  	_ = 	snop  }
0x4: {  	_ = 	snop  }
0x5: {  	_ = 	snop  }
0x6: {  	_ = 	snop  }
0x7: {  	_ = 	snop  }
__scs_overlays_trampoline_lowered:
0x8: {  	[smem:$0x3FA8] =	sst s0  }
0x9: {  	[smem:$0x3FA9] =	sst s1  }
0xa: {  	[smem:$0x3FAA] =	sst s2  }
0xb: {  	[smem:$0x3FAB] =	sst s3  }
0xc: {  	[smem:$0x3FAC] =	sst s4  }
0xd: {  	[smem:$0x3FAD] =	sst s5  }
0xe: {  	[smem:$0x3FAE] =	sst s6  }
0xf: {  	[smem:$0x3FAF] =	sst s7  }
0x10: {  	[smem:$0x3FB0] =	sst s8  }
0x11: {  	[smem:$0x3FB1] =	sst s9;
	s0 =	simm.s32 @!p0 $0x0  }
0x12: {  	s1 =	sld [smem:$0x3F97];
	s0 =	simm.s32 @p0 $0x1  }
0x13: {  	[smem:$0x3FB2] =	sst s0;
	s0 =	simm.s32 @!p1 $0x0  }
0x14: {  	s2 =	sld [smem:$0x3F96];
	s0 =	simm.s32 @p1 $0x1  }
0x15: {  	[smem:$0x3FB3] =	sst s0;
	s0 =	simm.s32 @!p2 $0x0  }
0x16: {  	s3 =	sld [smem:$0x3FDB];
	s0 =	simm.s32 @p2 $0x1  }
0x17: {  	s4 =	simm.s32 $0x1BF5;
	[smem:$0x3FB5] =	sst s0  }
0x18: {  	s0 =	sld [smem:$0x3F98];
	_ =	swait.ge [sflag:s4], $0x0  }
0x19: {  	s7 =	sld [smem:$0x3F99]  }
0x1a: {  	s8 =	sadd.s32 $0xFFFFE003, lr  }
0x1b: {  	s9 =	sadd.s32 $0xFFFFFEF7, lr;
	s5 =	simm.s32 $0xFFFFFFFF;
	p2 =	slt.u32 s8, $0xFFFFF086  }
0x1c: {  	p1 =	slt.u32 s9, $0xF7A;
	s5 =	simm.s32 @!p2 $0x0  }
0x1d: {  	s5 =	simm.s32 @p1 $0x1;
	p0 =	seq.s32 s7, s2  }
0x1e: {  	s7 =	smul.u32 @!p0 $0xF7A, s2;
	p2 =	seq.s32 @!p0 s5, $0x0  }
0x1f: {  	s9 =	smul.u32 $0xF7A, s1;
	s8 =	simm.s32 @!p0 $0x1BF5;
	p2 =	por !p2, p0  }
0x20: {  	[sflag:s8] =	ssyncset.s32 @!p0 $0xFFFFF086;
	s6 =	sadd.s32 @!p0 s3, s7;
	s7 =	simm.s32 @!p0 $0x108  }
0x21: {  	s3 =	sadd.s32 s3, s9;
	s6 =	sadd.s32 @!p0 $0x88, s6;
	s7 =	simm.s32 @p2 $0x1082  }
0x22: {  	[simem:s7], [sflag:s8] =	dma.local @!p0 [hbm:s6], $0xF7A  }
0x23: {  	s9 =	sor.u32 $0xD0000000, s2;
	s6 =	simm.s32 $0x108;
	_ =	swait.ge @!p0 [sflag:s8], $0x0  }
0x24: {  	s3 =	sadd.s32 $0x88, s3;
	s6 =	simm.s32 @!p1 $0x1082;
	[sflag:s4] =	ssyncset.s32 $0xFFFFF086  }
0x25: {  	[simem:s6], [sflag:s4] =	dma.local [hbm:s3], $0xF7A  }
0x26: {  	[smem:$0x3F99] =	sst s1;
	(tag) =	ssettag s2;
	_ =	strace s9  }
0x27: {  	s1 =	sld [smem:$0x3FA9]  }
0x28: {  	s2 =	sld [smem:$0x3FAA]  }
0x29: {  	s4 =	sld [smem:$0x3FAC]  }
0x2a: {  	p0 =	seq.s32 s5, $0x0;
	s5 =	sld [smem:$0x3FAD]  }
0x2b: {  	s6 =	sld [smem:$0x3FAE]  }
0x2c: {  	s7 =	sld [smem:$0x3FAF]  }
0x2d: {  	s3 =	simm.s32 $0x108;
	s8 =	sld [smem:$0x3FB0]  }
0x2e: {  	s3 =	simm.s32 @!p0 $0x1082;
	s9 =	sld [smem:$0x3FB1]  }
0x2f: {  	lr =	sadd.s32 s0, s3;
	s0 =	sld [smem:$0x3FA8]  }
0x30: {  	s3 =	sld [smem:$0x3FAB]  }
0x31: {  	[smem:$0x3FB4] =	sst s10  }
0x32: {  	s10 =	sld [smem:$0x3FB2];
	_ =	sdelay $0x3  }
0x33: {  	p0 =	seq.s32 s10, $0x1;
	s10 =	sld [smem:$0x3FB4];
	_ =	sdelay $0x3  }
0x34: {  	[smem:$0x3FB4] =	sst s10  }
0x35: {  	s10 =	sld [smem:$0x3FB3];
	_ =	sdelay $0x3  }
0x36: {  	p1 =	seq.s32 s10, $0x1;
	s10 =	sld [smem:$0x3FB4];
	_ =	sdelay $0x3  }
0x37: {  	[smem:$0x3FB4] =	sst s10  }
0x38: {  	s10 =	sld [smem:$0x3FB5]  }
0x39: {  	_ = 	snop;
	(pc) =	sbr.ind lr, $3  }
0x3a: {  	_ = 	snop  }
0x3b: {  	_ = 	snop  }
0x3c: {  	p2 =	seq.s32 s10, $0x1;
	s10 =	sld [smem:$0x3FB4]  }
0x3d: {  	_ =	shalt  }
0x3e: {  	_ =	shalt  }
0x3f: {  	_ =	shalt  }
0x40: {  	_ =	shalt  }
0x41: {  	_ =	shalt  }
0x42: {  	_ =	shalt  }
0x43: {  	_ =	shalt  }
0x44: {  	_ =	shalt  }
0x45: {  	_ =	shalt  }
0x46: {  	_ =	shalt  }
0x47: {  	_ =	shalt  }
0x48: {  	_ =	shalt  }
0x49: {  	_ =	shalt  }
0x4a: {  	_ =	shalt  }
0x4b: {  	_ =	shalt  }
0x4c: {  	_ =	shalt  }
0x4d: {  	_ =	shalt  }
0x4e: {  	_ =	shalt  }
0x4f: {  	_ =	shalt  }
0x50: {  	_ =	shalt  }
0x51: {  	_ =	shalt  }
0x52: {  	_ =	shalt  }
0x53: {  	_ =	shalt  }
0x54: {  	_ =	shalt  }
0x55: {  	_ =	shalt  }
0x56: {  	_ =	shalt  }
0x57: {  	_ =	shalt  }
0x58: {  	_ =	shalt  }
0x59: {  	_ =	shalt  }
0x5a: {  	_ =	shalt  }
0x5b: {  	_ =	shalt  }
0x5c: {  	_ =	shalt  }
0x5d: {  	_ =	shalt  }
0x5e: {  	_ =	shalt  }
0x5f: {  	_ =	shalt  }
0x60: {  	_ =	shalt  }
0x61: {  	_ =	shalt  }
0x62: {  	_ =	shalt  }
0x63: {  	_ =	shalt  }
0x64: {  	_ =	shalt  }
0x65: {  	_ =	shalt  }
0x66: {  	_ =	shalt  }
0x67: {  	_ =	shalt  }
0x68: {  	_ =	shalt  }
0x69: {  	_ =	shalt  }
0x6a: {  	_ =	shalt  }
0x6b: {  	_ =	shalt  }
0x6c: {  	_ =	shalt  }
0x6d: {  	_ =	shalt  }
0x6e: {  	_ =	shalt  }
0x6f: {  	_ =	shalt  }
0x70: {  	_ =	shalt  }
0x71: {  	_ =	shalt  }
0x72: {  	_ =	shalt  }
0x73: {  	_ =	shalt  }
0x74: {  	_ =	shalt  }
0x75: {  	_ =	shalt  }
0x76: {  	_ =	shalt  }
0x77: {  	_ =	shalt  }
0x78: {  	_ =	shalt  }
0x79: {  	_ =	shalt  }
0x7a: {  	_ =	shalt  }
0x7b: {  	_ =	shalt  }
0x7c: {  	_ =	shalt  }
0x7d: {  	_ =	shalt  }
0x7e: {  	_ =	shalt  }
0x7f: {  	_ =	shalt  }
0x80: {  	_ =	shalt  }
0x81: {  	_ =	shalt  }
0x82: {  	_ =	shalt  }
0x83: {  	_ =	shalt  }
0x84: {  	_ =	shalt  }
0x85: {  	_ =	shalt  }
0x86: {  	_ =	shalt  }
0x87: {  	_ =	shalt  }
.Lfunc_end0:
.L_simem_size_0:
called_computation_lowered:
.L_overlay_start_0:
0x88: {  	s2 =	sld [smem:$0x3FD9]  }
0x89: {  	s3 =	sld [smem:$0x3FFE];
	_ =	sdelay $0x1  }
0x8a: {  	s1 =	srdreg.scid  }
0x8b: {  	s0 =	sand.u32 $0x1, s1  }
0x8c: {  	s16 =	sshll.u32 s0, $0xA;
	s2 =	sadd.s32 s3, s2  }
0x8d: {  	s2 =	sadd.s32 s2, s16  }
0x8e: {  	[smem:$0x3FC0] =	sst s2  }
0x8f: {  	_ = 	snop  }
0x90: {  	(tm) =	ssettm $0x1  }
0x91: {  	s17 =	sld [smem:$0x3FFB];
	_ =	sdelay $0x3  }
0x92: {  	_ =	strace s17  }
0x93: {  	s2 =	sld [smem:$0x3FFC];
	_ =	sdelay $0x3  }
0x94: {  	_ =	strace s2  }
0x95: {  	s2 =	sld [smem:$0x3FFD];
	_ =	sdelay $0x3  }
0x96: {  	_ =	strace s2  }
0x97: {  	_ =	strace $0x8FFFFFFF  }
0x98: {  	s18 =	sld [smem:$0x3FDB];
	_ =	sdelay $0x1  }
0x99: {  	s19 =	simm.s32 $_scs_section_size  }
0x9a: {  	s4 =	simm.s32 $_size__tile_overlayer_lowered;
	s5 =	simm.s32 $_tile_overlayer_lowered  }
0x9b: {  	s22 =	simm.s32 $0x1BFF;
	s21 =	sshll.u32 s5, $0x1;
	s2 =	sadd.s32 s19, s18  }
0x9c: {  	s6 =	simm.s32 $0x0;
	s20 =	sshll.u32 s4, $0x1;
	s4 =	sadd.s32 s21, s2  }
0x9d: {  	[timem:s6], [sflag:s22] =	dma.local [hbm:s4], s20  }
0x9e: {  	_ =	swait.ge [sflag:s22], s20  }
0x9f: {  	s3 =	ssub.s32 $0x0, s20;
	[sflag:s22] =	ssyncset.done $0x0  }
0xa0: {  	[sflag:s22] =	ssyncadd.s32 s3;
	_ =	sdelay $0x1  }
0xa1: {  	s23 =	simm.s32 $0x1B8B  }
0xa2: {  	_ =	swait.ge [sflag:s23], $0x1  }
0xa3: {  	[sflag:s23] =	ssyncset.done $0x0  }
0xa4: {  	s25 =	simm.s32 $0x1B8E;
	s24 =	sld [smem:$0x3FFE];
	[sflag:s23] =	ssyncadd.s32 $0xFFFFFFFF  }
0xa5: {  	s26 =	simm.s32 $execute0_lowered;
	[smem:$0x3FD2] =	sst s25  }
0xa6: {  	s4 =	sshll.u32 s26, $0x1;
	_ =	strace $0x80000046;
	[dreg:$0x1] =	wrdreg $0xFFFFFFFF  }
0xa7: {  	s28 =	simm.s32 $_size_execute0_lowered;
	s2 =	sadd.s32 s2, s4;
	[dreg:$0x0] =	wrdreg $0x0  }
0xa8: {  	s4 =	sshll.u32 s28, $0x1;
	[dreg:$0x2] =	wrdreg s2  }
0xa9: {  	[dreg:$0x3] =	wrdreg s4  }
0xaa: {  	[dreg:$0x4] =	wrdreg $0xC0  }
0xab: {  	_ =	task [dreg:s6], $0x5FFFF  }
0xac: {  	[dreg:$0x1] =	wrdreg $0xFFFFFFFF  }
0xad: {  	[dreg:$0x0] =	wrdreg $0x60  }
0xae: {  	[dreg:$0x2] =	wrdreg s24  }
0xaf: {  	[dreg:$0x3] =	wrdreg $0x9  }
0xb0: {  	_ =	task.clear_ibuf [dreg:s6], $0x4FFFF;
	_ =	strace $0x90000046  }
0xb1: {  	s29 =	simm.s32 $0x9;
	_ =	strace $0x80000048  }
0xb2: {  	_ =	swait.ge [sflag:s29], $0x1  }
0xb3: {  	[sflag:s29] =	ssyncadd.s32 $0xFFFFFFFF  }
0xb4: {  	_ =	strace $0x90000048  }
0xb5: {  	_ =	sfence  }
0xb6: {  	s30 =	sld [smem:$0x0];
	_ =	sdelay $0x2  }
0xb7: {  	s31 =	sshll.u32 s1, $0xD;
	s1 =	sshrl.u32 s1, $0x2  }
0xb8: {  	s3 =	sand.u32 $0x4000, s31;
	s1 =	sadd.s32 s1, s30  }
0xb9: {  	s0 =	sor.u32 s3, s0;
	s1 =	sshll.u32 s1, $0x11  }
0xba: {  	s0 =	sor.u32 s1, s0  }
0xbb: {  	s0 =	sadd.s32 $0x8F2B, s0  }
0xbc: {  	[sflag:s0] =	ssyncadd.remote.s32 $0x1  }
0xbd: {  	_ =	sfence.sel $0xFFFF  }
0xbe: {  	[dreg:$0x0] =	wrdreg $0xFFFFFFFF;
	(pc) =	sbr.abs _section_cstart, $3  }
0xbf: {  	[dreg:$0x1] =	wrdreg $0xFFFFFFFF  }
0xc0: {  	_ =	task.clear_ibuf [dreg:s6], $0x2FFFF;
	_ =	strace $0x9FFFFFFF  }
0xc1: {  	(tm) =	ssettm $0x7FFFFFFF  }
tec
execute0_lowered:
.L_overlay_start_1:
0x0: {  	(tag) =	ssettag $0x1  }
0x1: {  	s0 =	srdreg.scid;
	s2 =	stileid.u32  }
0x2: {  	s1 =	sand.u32 $0x1, s0;
	s23 =	sshll.u32 s2, $0x1  }
0x3: {  	s10 =	rddreg [dreg:$0x0];
	s2 =	simm.s32 $0x0;
	s0 =	sor.u32 s1, s23  }
0x4: {  	s30 =	sadd.s32 $0x85600, s10;
	s3 =	sshll.u32 s0, $0x7;
	s31 =	sshll.u32 s0, $0xC  }
0x5: {  	[smem:$0x7FF] =	sst s2;
	s3 =	sadd.s32 s3, s10;
	s25 =	sadd.s32 s30, s31  }
0x6: {  	_ =	strace $0x80000047;
	s3 =	sadd.s32 $0x64600, s3;
	[dreg:$0x3] =	wrdreg s25  }
0x7: {  	[dreg:$0x2] =	wrdreg s3  }
0x8: {  	s3 =	simm.s32 $0x2;
	s24 =	rddreg [dreg:$0x2]  }
0x9: {  	[tilespmem:s2], [sflag:$0x2] =	stream.linear.gather [hbm4b:s24+s2], $0x400, $0x38;
	[tilespmem:$0x2400] =	vst v63  }
0xa: {  	_ =	swait.ge [sflag:s3], $0x400  }
0xb: {  	s5 =	simm.s32 $0x80;
	s6 =	simm.s32 $0x400;
	[sflag:s3] =	ssyncset.done $0x0  }
0xc: {  	s7 =	simm.s32 $0x1;
	s4 =	sadd.s32 $0x2A00, s10;
	[sflag:s3] =	ssyncadd.s32 $0xFFFFFC00  }
0xd: {  	[tilespmem:s6], [sflag:$0x1] =	stream.indirect.gather [hbm4b:s4+s5], $0x20, s2, s5, $0xb8;
	[tilespmem:$0x2400] =	vst v63  }
0xe: {  	_ =	swait.ge [sflag:s7], $0x1000  }
0xf: {  	[sflag:s7] =	ssyncset.done $0x0  }
0x10: {  	s26 =	rddreg [dreg:$0x3];
	[sflag:s7] =	ssyncadd.s32 $0xFFFFF000  }
0x11: {  	[hbm4b:s26+s2] =	stream.linear.scatter [tilespmem:s6], [sflag:$0x2], $0x1000, $0x38;
	[tilespmem:$0x2400] =	vst v63  }
0x12: {  	_ =	swait.ge [sflag:s3], $0x1000  }
0x13: {  	[sflag:s3] =	ssyncset.done $0x0  }
0x14: {  	s9 =	simm.s32 $0x1400;
	s8 =	sadd.s32 $0x33800, s10;
	[sflag:s3] =	ssyncadd.s32 $0xFFFFF000  }
0x15: {  	[tilespmem:s9], [sflag:$0x1] =	stream.indirect.gather [hbm4b:s8+s5], $0x20, s2, s5, $0xb8;
	[tilespmem:$0x2400] =	vst v63  }
0x16: {  	_ =	swait.ge [sflag:s7], $0x1000  }
0x17: {  	s0 =	sadd.s32 $0x65600, s10;
	[sflag:s7] =	ssyncset.done $0x0  }
0x18: {  	s10 =	sadd.s32 s0, s31;
	[sflag:s7] =	ssyncadd.s32 $0xFFFFF000  }
0x19: {  	[hbm4b:s10+s2] =	stream.linear.scatter [tilespmem:s9], [sflag:$0x2], $0x1000, $0x38;
	[tilespmem:$0x2400] =	vst v63  }
0x1a: {  	_ =	swait.ge [sflag:s3], $0x1000  }
0x1b: {  	[sflag:s3] =	ssyncset.done $0x0  }
0x1c: {  	[sflag:s3] =	ssyncadd.s32 $0xFFFFF000  }
0x1d: {  	[tilespmem:s6], [sflag:$0x1] =	stream.indirect.gather [hbm4b:s4+s5], $0x20, s5, s5, $0xb8;
	[tilespmem:$0x2400] =	vst v63  }
0x1e: {  	_ =	swait.ge [sflag:s7], $0x1000  }
0x1f: {  	s12 =	sor.u32 $0x200, s31;
	[sflag:s7] =	ssyncset.done $0x0  }
0x20: {  	s11 =	sadd.s32 s30, s12;
	[sflag:s7] =	ssyncadd.s32 $0xFFFFF000  }
0x21: {  	[hbm4b:s11+s2] =	stream.linear.scatter [tilespmem:s6], [sflag:$0x2], $0x1000, $0x38;
	[tilespmem:$0x2400] =	vst v63  }
0x22: {  	_ =	swait.ge [sflag:s3], $0x1000  }
0x23: {  	[sflag:s3] =	ssyncset.done $0x0  }
0x24: {  	[sflag:s3] =	ssyncadd.s32 $0xFFFFF000  }
0x25: {  	[tilespmem:s9], [sflag:$0x1] =	stream.indirect.gather [hbm4b:s8+s5], $0x20, s5, s5, $0xb8;
	[tilespmem:$0x2400] =	vst v63  }
0x26: {  	_ =	swait.ge [sflag:s7], $0x1000  }
0x27: {  	[sflag:s7] =	ssyncset.done $0x0  }
0x28: {  	s12 =	sadd.s32 s0, s12;
	[sflag:s7] =	ssyncadd.s32 $0xFFFFF000  }
0x29: {  	[hbm4b:s12+s2] =	stream.linear.scatter [tilespmem:s9], [sflag:$0x2], $0x1000, $0x38;
	[tilespmem:$0x2400] =	vst v63  }
0x2a: {  	_ =	swait.ge [sflag:s3], $0x1000  }
0x2b: {  	[sflag:s3] =	ssyncset.done $0x0  }
0x2c: {  	s13 =	simm.s32 $0x100;
	[sflag:s3] =	ssyncadd.s32 $0xFFFFF000  }
0x2d: {  	[tilespmem:s6], [sflag:$0x1] =	stream.indirect.gather [hbm4b:s4+s5], $0x20, s13, s5, $0xb8;
	[tilespmem:$0x2400] =	vst v63  }
0x2e: {  	_ =	swait.ge [sflag:s7], $0x1000  }
0x2f: {  	s15 =	sor.u32 $0x400, s31;
	[sflag:s7] =	ssyncset.done $0x0  }
0x30: {  	s14 =	sadd.s32 s30, s15;
	[sflag:s7] =	ssyncadd.s32 $0xFFFFF000  }
0x31: {  	[hbm4b:s14+s2] =	stream.linear.scatter [tilespmem:s6], [sflag:$0x2], $0x1000, $0x38;
	[tilespmem:$0x2400] =	vst v63  }
0x32: {  	_ =	swait.ge [sflag:s3], $0x1000  }
0x33: {  	[sflag:s3] =	ssyncset.done $0x0  }
0x34: {  	[sflag:s3] =	ssyncadd.s32 $0xFFFFF000  }
0x35: {  	[tilespmem:s9], [sflag:$0x1] =	stream.indirect.gather [hbm4b:s8+s5], $0x20, s13, s5, $0xb8;
	[tilespmem:$0x2400] =	vst v63  }
0x36: {  	_ =	swait.ge [sflag:s7], $0x1000  }
0x37: {  	[sflag:s7] =	ssyncset.done $0x0  }
0x38: {  	s15 =	sadd.s32 s0, s15;
	[sflag:s7] =	ssyncadd.s32 $0xFFFFF000  }
0x39: {  	[hbm4b:s15+s2] =	stream.linear.scatter [tilespmem:s9], [sflag:$0x2], $0x1000, $0x38;
	[tilespmem:$0x2400] =	vst v63  }
0x3a: {  	_ =	swait.ge [sflag:s3], $0x1000  }
0x3b: {  	[sflag:s3] =	ssyncset.done $0x0  }
0x3c: {  	s16 =	simm.s32 $0x180;
	[sflag:s3] =	ssyncadd.s32 $0xFFFFF000  }
0x3d: {  	[tilespmem:s6], [sflag:$0x1] =	stream.indirect.gather [hbm4b:s4+s5], $0x20, s16, s5, $0xb8;
	[tilespmem:$0x2400] =	vst v63  }
0x3e: {  	_ =	swait.ge [sflag:s7], $0x1000  }
0x3f: {  	s18 =	sor.u32 $0x600, s31;
	[sflag:s7] =	ssyncset.done $0x0  }
0x40: {  	s17 =	sadd.s32 s30, s18;
	[sflag:s7] =	ssyncadd.s32 $0xFFFFF000  }
0x41: {  	[hbm4b:s17+s2] =	stream.linear.scatter [tilespmem:s6], [sflag:$0x2], $0x1000, $0x38;
	[tilespmem:$0x2400] =	vst v63  }
0x42: {  	_ =	swait.ge [sflag:s3], $0x1000  }
0x43: {  	[sflag:s3] =	ssyncset.done $0x0  }
0x44: {  	[sflag:s3] =	ssyncadd.s32 $0xFFFFF000  }
0x45: {  	[tilespmem:s9], [sflag:$0x1] =	stream.indirect.gather [hbm4b:s8+s5], $0x20, s16, s5, $0xb8;
	[tilespmem:$0x2400] =	vst v63  }
0x46: {  	_ =	swait.ge [sflag:s7], $0x1000  }
0x47: {  	[sflag:s7] =	ssyncset.done $0x0  }
0x48: {  	s18 =	sadd.s32 s0, s18;
	[sflag:s7] =	ssyncadd.s32 $0xFFFFF000  }
0x49: {  	[hbm4b:s18+s2] =	stream.linear.scatter [tilespmem:s9], [sflag:$0x2], $0x1000, $0x38;
	[tilespmem:$0x2400] =	vst v63  }
0x4a: {  	_ =	swait.ge [sflag:s3], $0x1000  }
0x4b: {  	[sflag:s3] =	ssyncset.done $0x0  }
0x4c: {  	s19 =	simm.s32 $0x200;
	[sflag:s3] =	ssyncadd.s32 $0xFFFFF000  }
0x4d: {  	[tilespmem:s6], [sflag:$0x1] =	stream.indirect.gather [hbm4b:s4+s5], $0x20, s19, s5, $0xb8;
	[tilespmem:$0x2400] =	vst v63  }
0x4e: {  	_ =	swait.ge [sflag:s7], $0x1000  }
0x4f: {  	s21 =	sor.u32 $0x800, s31;
	[sflag:s7] =	ssyncset.done $0x0  }
0x50: {  	s20 =	sadd.s32 s30, s21;
	[sflag:s7] =	ssyncadd.s32 $0xFFFFF000  }
0x51: {  	[hbm4b:s20+s2] =	stream.linear.scatter [tilespmem:s6], [sflag:$0x2], $0x1000, $0x38;
	[tilespmem:$0x2400] =	vst v63  }
0x52: {  	_ =	swait.ge [sflag:s3], $0x1000  }
0x53: {  	[sflag:s3] =	ssyncset.done $0x0  }
0x54: {  	[sflag:s3] =	ssyncadd.s32 $0xFFFFF000  }
0x55: {  	[tilespmem:s9], [sflag:$0x1] =	stream.indirect.gather [hbm4b:s8+s5], $0x20, s19, s5, $0xb8;
	[tilespmem:$0x2400] =	vst v63  }
0x56: {  	_ =	swait.ge [sflag:s7], $0x1000  }
0x57: {  	[sflag:s7] =	ssyncset.done $0x0  }
0x58: {  	s21 =	sadd.s32 s0, s21;
	[sflag:s7] =	ssyncadd.s32 $0xFFFFF000  }
0x59: {  	[hbm4b:s21+s2] =	stream.linear.scatter [tilespmem:s9], [sflag:$0x2], $0x1000, $0x38;
	[tilespmem:$0x2400] =	vst v63  }
0x5a: {  	_ =	swait.ge [sflag:s3], $0x1000  }
0x5b: {  	[sflag:s3] =	ssyncset.done $0x0  }
0x5c: {  	s22 =	simm.s32 $0x280;
	[sflag:s3] =	ssyncadd.s32 $0xFFFFF000  }
0x5d: {  	[tilespmem:s6], [sflag:$0x1] =	stream.indirect.gather [hbm4b:s4+s5], $0x20, s22, s5, $0xb8;
	[tilespmem:$0x2400] =	vst v63  }
0x5e: {  	_ =	swait.ge [sflag:s7], $0x1000  }
0x5f: {  	s24 =	sor.u32 $0xA00, s31;
	[sflag:s7] =	ssyncset.done $0x0  }
0x60: {  	s23 =	sadd.s32 s30, s24;
	[sflag:s7] =	ssyncadd.s32 $0xFFFFF000  }
0x61: {  	[hbm4b:s23+s2] =	stream.linear.scatter [tilespmem:s6], [sflag:$0x2], $0x1000, $0x38;
	[tilespmem:$0x2400] =	vst v63  }
0x62: {  	_ =	swait.ge [sflag:s3], $0x1000  }
0x63: {  	[sflag:s3] =	ssyncset.done $0x0  }
0x64: {  	[sflag:s3] =	ssyncadd.s32 $0xFFFFF000  }
0x65: {  	[tilespmem:s9], [sflag:$0x1] =	stream.indirect.gather [hbm4b:s8+s5], $0x20, s22, s5, $0xb8;
	[tilespmem:$0x2400] =	vst v63  }
0x66: {  	_ =	swait.ge [sflag:s7], $0x1000  }
0x67: {  	[sflag:s7] =	ssyncset.done $0x0  }
0x68: {  	s24 =	sadd.s32 s0, s24;
	[dreg:$0x4] =	wrdreg s0;
	[sflag:s7] =	ssyncadd.s32 $0xFFFFF000  }
0x69: {  	[hbm4b:s24+s2] =	stream.linear.scatter [tilespmem:s9], [sflag:$0x2], $0x1000, $0x38;
	[tilespmem:$0x2400] =	vst v63  }
0x6a: {  	_ =	swait.ge [sflag:s3], $0x1000  }
0x6b: {  	[sflag:s3] =	ssyncset.done $0x0  }
0x6c: {  	s25 =	simm.s32 $0x300;
	[sflag:s3] =	ssyncadd.s32 $0xFFFFF000  }
0x6d: {  	[tilespmem:s6], [sflag:$0x1] =	stream.indirect.gather [hbm4b:s4+s5], $0x20, s25, s5, $0xb8;
	[tilespmem:$0x2400] =	vst v63  }
0x6e: {  	_ =	swait.ge [sflag:s7], $0x1000  }
0x6f: {  	s28 =	sor.u32 $0xC00, s31;
	[sflag:s7] =	ssyncset.done $0x0  }
0x70: {  	s26 =	sadd.s32 s30, s28;
	[sflag:s7] =	ssyncadd.s32 $0xFFFFF000  }
0x71: {  	[hbm4b:s26+s2] =	stream.linear.scatter [tilespmem:s6], [sflag:$0x2], $0x1000, $0x38;
	[tilespmem:$0x2400] =	vst v63  }
0x72: {  	_ =	swait.ge [sflag:s3], $0x1000  }
0x73: {  	[sflag:s3] =	ssyncset.done $0x0  }
0x74: {  	[sflag:s3] =	ssyncadd.s32 $0xFFFFF000  }
0x75: {  	[tilespmem:s9], [sflag:$0x1] =	stream.indirect.gather [hbm4b:s8+s5], $0x20, s25, s5, $0xb8;
	[tilespmem:$0x2400] =	vst v63  }
0x76: {  	_ =	swait.ge [sflag:s7], $0x1000  }
0x77: {  	[sflag:s7] =	ssyncset.done $0x0  }
0x78: {  	s28 =	sadd.s32 s0, s28;
	[sflag:s7] =	ssyncadd.s32 $0xFFFFF000  }
0x79: {  	[hbm4b:s28+s2] =	stream.linear.scatter [tilespmem:s9], [sflag:$0x2], $0x1000, $0x38;
	[tilespmem:$0x2400] =	vst v63  }
0x7a: {  	_ =	swait.ge [sflag:s3], $0x1000  }
0x7b: {  	[sflag:s3] =	ssyncset.done $0x0  }
0x7c: {  	s29 =	simm.s32 $0x380;
	[sflag:s3] =	ssyncadd.s32 $0xFFFFF000  }
0x7d: {  	[tilespmem:s6], [sflag:$0x1] =	stream.indirect.gather [hbm4b:s4+s5], $0x20, s29, s5, $0xb8;
	[tilespmem:$0x2400] =	vst v63  }
0x7e: {  	_ =	swait.ge [sflag:s7], $0x1000  }
0x7f: {  	s1 =	ssub.s32 $0x2, s1;
	s31 =	sor.u32 $0xE00, s31;
	[sflag:s7] =	ssyncset.done $0x0  }
0x80: {  	s30 =	sadd.s32 s30, s31;
	s0 =	sshrl.u32 s1, $0x1;
	[sflag:s7] =	ssyncadd.s32 $0xFFFFF000  }
0x81: {  	[hbm4b:s30+s2] =	stream.linear.scatter [tilespmem:s6], [sflag:$0x2], $0x1000, $0x38;
	[tilespmem:$0x2400] =	vst v63  }
0x82: {  	s0 =	ssub.s32 s1, s0;
	_ =	swait.ge [sflag:s3], $0x1000  }
0x83: {  	s0 =	smax.u32 s0, $0x1;
	[sflag:s3] =	ssyncset.done $0x0  }
0x84: {  	p0 =	sne.s32 s0, $0x1;
	[sflag:s3] =	ssyncadd.s32 $0xFFFFF000  }
0x85: {  	[tilespmem:s9], [sflag:$0x1] =	stream.indirect.gather [hbm4b:s8+s5], $0x20, s29, s5, $0xb8;
	[tilespmem:$0x2400] =	vst v63  }
.Ltmp0:
0x86: {  	_ =	swait.ge [sflag:s7], $0x1000;
	(pc) =	sbr.rel @!p0 .LBB2_2-.Ltmp0, $4  }
0x87: {  	[sflag:s7] =	ssyncset.done $0x0;
	s1 =	rddreg [dreg:$0x4]  }
0x88: {  	s31 =	sadd.s32 s1, s31;
	[sflag:s7] =	ssyncadd.s32 $0xFFFFF000  }
0x89: {  	[hbm4b:s31+s2] =	stream.linear.scatter [tilespmem:s9], [sflag:$0x2], $0x1000, $0x38;
	[tilespmem:$0x2400] =	vst v63  }
0x8a: {  	s1 =	sadd.s32 $0xFFFFFFFF, s0;
	_ =	swait.ge [sflag:s3], $0x1000  }
.LBB2_1:
0x8b: {  	[sflag:s3] =	ssyncset.done $0x0  }
0x8c: {  	s0 =	rddreg [dreg:$0x2];
	[sflag:s3] =	ssyncadd.s32 $0xFFFFF000  }
0x8d: {  	[tilespmem:s2], [sflag:$0x2] =	stream.linear.gather [hbm4b:s0+s2], $0x400, $0x38;
	[tilespmem:$0x2400] =	vst v63  }
0x8e: {  	_ =	swait.ge [sflag:s3], $0x400  }
0x8f: {  	[sflag:s3] =	ssyncset.done $0x0  }
0x90: {  	[sflag:s3] =	ssyncadd.s32 $0xFFFFFC00  }
0x91: {  	[tilespmem:s6], [sflag:$0x1] =	stream.indirect.gather [hbm4b:s4+s5], $0x20, s2, s5, $0xb8;
	[tilespmem:$0x2400] =	vst v63  }
0x92: {  	_ =	swait.ge [sflag:s7], $0x1000  }
0x93: {  	[sflag:s7] =	ssyncset.done $0x0  }
0x94: {  	s0 =	rddreg [dreg:$0x3];
	[sflag:s7] =	ssyncadd.s32 $0xFFFFF000  }
0x95: {  	[hbm4b:s0+s2] =	stream.linear.scatter [tilespmem:s6], [sflag:$0x2], $0x1000, $0x38;
	[tilespmem:$0x2400] =	vst v63  }
0x96: {  	_ =	swait.ge [sflag:s3], $0x1000  }
0x97: {  	[sflag:s3] =	ssyncset.done $0x0  }
0x98: {  	[sflag:s3] =	ssyncadd.s32 $0xFFFFF000  }
0x99: {  	[tilespmem:s9], [sflag:$0x1] =	stream.indirect.gather [hbm4b:s8+s5], $0x20, s2, s5, $0xb8;
	[tilespmem:$0x2400] =	vst v63  }
0x9a: {  	_ =	swait.ge [sflag:s7], $0x1000  }
0x9b: {  	[sflag:s7] =	ssyncset.done $0x0  }
0x9c: {  	[sflag:s7] =	ssyncadd.s32 $0xFFFFF000  }
0x9d: {  	[hbm4b:s10+s2] =	stream.linear.scatter [tilespmem:s9], [sflag:$0x2], $0x1000, $0x38;
	[tilespmem:$0x2400] =	vst v63  }
0x9e: {  	_ =	swait.ge [sflag:s3], $0x1000  }
0x9f: {  	[sflag:s3] =	ssyncset.done $0x0  }
0xa0: {  	[sflag:s3] =	ssyncadd.s32 $0xFFFFF000  }
0xa1: {  	[tilespmem:s6], [sflag:$0x1] =	stream.indirect.gather [hbm4b:s4+s5], $0x20, s5, s5, $0xb8;
	[tilespmem:$0x2400] =	vst v63  }
0xa2: {  	_ =	swait.ge [sflag:s7], $0x1000  }
0xa3: {  	[sflag:s7] =	ssyncset.done $0x0  }
0xa4: {  	[sflag:s7] =	ssyncadd.s32 $0xFFFFF000  }
0xa5: {  	[hbm4b:s11+s2] =	stream.linear.scatter [tilespmem:s6], [sflag:$0x2], $0x1000, $0x38;
	[tilespmem:$0x2400] =	vst v63  }
0xa6: {  	_ =	swait.ge [sflag:s3], $0x1000  }
0xa7: {  	[sflag:s3] =	ssyncset.done $0x0  }
0xa8: {  	[sflag:s3] =	ssyncadd.s32 $0xFFFFF000  }
0xa9: {  	[tilespmem:s9], [sflag:$0x1] =	stream.indirect.gather [hbm4b:s8+s5], $0x20, s5, s5, $0xb8;
	[tilespmem:$0x2400] =	vst v63  }
0xaa: {  	_ =	swait.ge [sflag:s7], $0x1000  }
0xab: {  	[sflag:s7] =	ssyncset.done $0x0  }
0xac: {  	[sflag:s7] =	ssyncadd.s32 $0xFFFFF000  }
0xad: {  	[hbm4b:s12+s2] =	stream.linear.scatter [tilespmem:s9], [sflag:$0x2], $0x1000, $0x38;
	[tilespmem:$0x2400] =	vst v63  }
0xae: {  	_ =	swait.ge [sflag:s3], $0x1000  }
0xaf: {  	[sflag:s3] =	ssyncset.done $0x0  }
0xb0: {  	[sflag:s3] =	ssyncadd.s32 $0xFFFFF000  }
0xb1: {  	[tilespmem:s6], [sflag:$0x1] =	stream.indirect.gather [hbm4b:s4+s5], $0x20, s13, s5, $0xb8;
	[tilespmem:$0x2400] =	vst v63  }
0xb2: {  	_ =	swait.ge [sflag:s7], $0x1000  }
0xb3: {  	[sflag:s7] =	ssyncset.done $0x0  }
0xb4: {  	[sflag:s7] =	ssyncadd.s32 $0xFFFFF000  }
0xb5: {  	[hbm4b:s14+s2] =	stream.linear.scatter [tilespmem:s6], [sflag:$0x2], $0x1000, $0x38;
	[tilespmem:$0x2400] =	vst v63  }
0xb6: {  	_ =	swait.ge [sflag:s3], $0x1000  }
0xb7: {  	[sflag:s3] =	ssyncset.done $0x0  }
0xb8: {  	[sflag:s3] =	ssyncadd.s32 $0xFFFFF000  }
0xb9: {  	[tilespmem:s9], [sflag:$0x1] =	stream.indirect.gather [hbm4b:s8+s5], $0x20, s13, s5, $0xb8;
	[tilespmem:$0x2400] =	vst v63  }
0xba: {  	_ =	swait.ge [sflag:s7], $0x1000  }
0xbb: {  	[sflag:s7] =	ssyncset.done $0x0  }
0xbc: {  	[sflag:s7] =	ssyncadd.s32 $0xFFFFF000  }
0xbd: {  	[hbm4b:s15+s2] =	stream.linear.scatter [tilespmem:s9], [sflag:$0x2], $0x1000, $0x38;
	[tilespmem:$0x2400] =	vst v63  }
0xbe: {  	_ =	swait.ge [sflag:s3], $0x1000  }
0xbf: {  	[sflag:s3] =	ssyncset.done $0x0  }
0xc0: {  	[sflag:s3] =	ssyncadd.s32 $0xFFFFF000  }
0xc1: {  	[tilespmem:s6], [sflag:$0x1] =	stream.indirect.gather [hbm4b:s4+s5], $0x20, s16, s5, $0xb8;
	[tilespmem:$0x2400] =	vst v63  }
0xc2: {  	_ =	swait.ge [sflag:s7], $0x1000  }
0xc3: {  	[sflag:s7] =	ssyncset.done $0x0  }
0xc4: {  	[sflag:s7] =	ssyncadd.s32 $0xFFFFF000  }
0xc5: {  	[hbm4b:s17+s2] =	stream.linear.scatter [tilespmem:s6], [sflag:$0x2], $0x1000, $0x38;
	[tilespmem:$0x2400] =	vst v63  }
0xc6: {  	_ =	swait.ge [sflag:s3], $0x1000  }
0xc7: {  	[sflag:s3] =	ssyncset.done $0x0  }
0xc8: {  	[sflag:s3] =	ssyncadd.s32 $0xFFFFF000  }
0xc9: {  	[tilespmem:s9], [sflag:$0x1] =	stream.indirect.gather [hbm4b:s8+s5], $0x20, s16, s5, $0xb8;
	[tilespmem:$0x2400] =	vst v63  }
0xca: {  	_ =	swait.ge [sflag:s7], $0x1000  }
0xcb: {  	[sflag:s7] =	ssyncset.done $0x0  }
0xcc: {  	[sflag:s7] =	ssyncadd.s32 $0xFFFFF000  }
0xcd: {  	[hbm4b:s18+s2] =	stream.linear.scatter [tilespmem:s9], [sflag:$0x2], $0x1000, $0x38;
	[tilespmem:$0x2400] =	vst v63  }
0xce: {  	_ =	swait.ge [sflag:s3], $0x1000  }
0xcf: {  	[sflag:s3] =	ssyncset.done $0x0  }
0xd0: {  	[sflag:s3] =	ssyncadd.s32 $0xFFFFF000  }
0xd1: {  	[tilespmem:s6], [sflag:$0x1] =	stream.indirect.gather [hbm4b:s4+s5], $0x20, s19, s5, $0xb8;
	[tilespmem:$0x2400] =	vst v63  }
0xd2: {  	_ =	swait.ge [sflag:s7], $0x1000  }
0xd3: {  	[sflag:s7] =	ssyncset.done $0x0  }
0xd4: {  	[sflag:s7] =	ssyncadd.s32 $0xFFFFF000  }
0xd5: {  	[hbm4b:s20+s2] =	stream.linear.scatter [tilespmem:s6], [sflag:$0x2], $0x1000, $0x38;
	[tilespmem:$0x2400] =	vst v63  }
0xd6: {  	_ =	swait.ge [sflag:s3], $0x1000  }
0xd7: {  	[sflag:s3] =	ssyncset.done $0x0  }
0xd8: {  	[sflag:s3] =	ssyncadd.s32 $0xFFFFF000  }
0xd9: {  	[tilespmem:s9], [sflag:$0x1] =	stream.indirect.gather [hbm4b:s8+s5], $0x20, s19, s5, $0xb8;
	[tilespmem:$0x2400] =	vst v63  }
0xda: {  	_ =	swait.ge [sflag:s7], $0x1000  }
0xdb: {  	[sflag:s7] =	ssyncset.done $0x0  }
0xdc: {  	[sflag:s7] =	ssyncadd.s32 $0xFFFFF000  }
0xdd: {  	[hbm4b:s21+s2] =	stream.linear.scatter [tilespmem:s9], [sflag:$0x2], $0x1000, $0x38;
	[tilespmem:$0x2400] =	vst v63  }
0xde: {  	_ =	swait.ge [sflag:s3], $0x1000  }
0xdf: {  	[sflag:s3] =	ssyncset.done $0x0  }
0xe0: {  	[sflag:s3] =	ssyncadd.s32 $0xFFFFF000  }
0xe1: {  	[tilespmem:s6], [sflag:$0x1] =	stream.indirect.gather [hbm4b:s4+s5], $0x20, s22, s5, $0xb8;
	[tilespmem:$0x2400] =	vst v63  }
0xe2: {  	_ =	swait.ge [sflag:s7], $0x1000  }
0xe3: {  	[sflag:s7] =	ssyncset.done $0x0  }
0xe4: {  	[sflag:s7] =	ssyncadd.s32 $0xFFFFF000  }
0xe5: {  	[hbm4b:s23+s2] =	stream.linear.scatter [tilespmem:s6], [sflag:$0x2], $0x1000, $0x38;
	[tilespmem:$0x2400] =	vst v63  }
0xe6: {  	_ =	swait.ge [sflag:s3], $0x1000  }
0xe7: {  	[sflag:s3] =	ssyncset.done $0x0  }
0xe8: {  	[sflag:s3] =	ssyncadd.s32 $0xFFFFF000  }
0xe9: {  	[tilespmem:s9], [sflag:$0x1] =	stream.indirect.gather [hbm4b:s8+s5], $0x20, s22, s5, $0xb8;
	[tilespmem:$0x2400] =	vst v63  }
0xea: {  	_ =	swait.ge [sflag:s7], $0x1000  }
0xeb: {  	[sflag:s7] =	ssyncset.done $0x0  }
0xec: {  	[sflag:s7] =	ssyncadd.s32 $0xFFFFF000  }
0xed: {  	[hbm4b:s24+s2] =	stream.linear.scatter [tilespmem:s9], [sflag:$0x2], $0x1000, $0x38;
	[tilespmem:$0x2400] =	vst v63  }
0xee: {  	_ =	swait.ge [sflag:s3], $0x1000  }
0xef: {  	[sflag:s3] =	ssyncset.done $0x0  }
0xf0: {  	[sflag:s3] =	ssyncadd.s32 $0xFFFFF000  }
0xf1: {  	[tilespmem:s6], [sflag:$0x1] =	stream.indirect.gather [hbm4b:s4+s5], $0x20, s25, s5, $0xb8;
	[tilespmem:$0x2400] =	vst v63  }
0xf2: {  	_ =	swait.ge [sflag:s7], $0x1000  }
0xf3: {  	[sflag:s7] =	ssyncset.done $0x0  }
0xf4: {  	[sflag:s7] =	ssyncadd.s32 $0xFFFFF000  }
0xf5: {  	[hbm4b:s26+s2] =	stream.linear.scatter [tilespmem:s6], [sflag:$0x2], $0x1000, $0x38;
	[tilespmem:$0x2400] =	vst v63  }
0xf6: {  	_ =	swait.ge [sflag:s3], $0x1000  }
0xf7: {  	[sflag:s3] =	ssyncset.done $0x0  }
0xf8: {  	[sflag:s3] =	ssyncadd.s32 $0xFFFFF000  }
0xf9: {  	[tilespmem:s9], [sflag:$0x1] =	stream.indirect.gather [hbm4b:s8+s5], $0x20, s25, s5, $0xb8;
	[tilespmem:$0x2400] =	vst v63  }
0xfa: {  	_ =	swait.ge [sflag:s7], $0x1000  }
0xfb: {  	[sflag:s7] =	ssyncset.done $0x0  }
0xfc: {  	[sflag:s7] =	ssyncadd.s32 $0xFFFFF000  }
0xfd: {  	[hbm4b:s28+s2] =	stream.linear.scatter [tilespmem:s9], [sflag:$0x2], $0x1000, $0x38;
	[tilespmem:$0x2400] =	vst v63  }
0xfe: {  	_ =	swait.ge [sflag:s3], $0x1000  }
0xff: {  	[sflag:s3] =	ssyncset.done $0x0  }
0x100: {  	[sflag:s3] =	ssyncadd.s32 $0xFFFFF000  }
0x101: {  	[tilespmem:s6], [sflag:$0x1] =	stream.indirect.gather [hbm4b:s4+s5], $0x20, s29, s5, $0xb8;
	[tilespmem:$0x2400] =	vst v63  }
0x102: {  	_ =	swait.ge [sflag:s7], $0x1000  }
0x103: {  	[sflag:s7] =	ssyncset.done $0x0  }
0x104: {  	[sflag:s7] =	ssyncadd.s32 $0xFFFFF000  }
0x105: {  	[hbm4b:s30+s2] =	stream.linear.scatter [tilespmem:s6], [sflag:$0x2], $0x1000, $0x38;
	[tilespmem:$0x2400] =	vst v63  }
0x106: {  	_ =	swait.ge [sflag:s3], $0x1000  }
0x107: {  	[sflag:s3] =	ssyncset.done $0x0  }
0x108: {  	p0 =	sne.s32 s1, $0x1;
	[sflag:s3] =	ssyncadd.s32 $0xFFFFF000  }
0x109: {  	[tilespmem:s9], [sflag:$0x1] =	stream.indirect.gather [hbm4b:s8+s5], $0x20, s29, s5, $0xb8;
	[tilespmem:$0x2400] =	vst v63  }
.Ltmp1:
0x10a: {  	_ =	swait.ge [sflag:s7], $0x1000;
	(pc) =	sbr.rel @p0 .LBB2_1-.Ltmp1, $4  }
0x10b: {  	[sflag:s7] =	ssyncset.done $0x0  }
0x10c: {  	[sflag:s7] =	ssyncadd.s32 $0xFFFFF000  }
0x10d: {  	[hbm4b:s31+s2] =	stream.linear.scatter [tilespmem:s9], [sflag:$0x2], $0x1000, $0x38;
	[tilespmem:$0x2400] =	vst v63  }
0x10e: {  	s1 =	sadd.s32 $0xFFFFFFFF, s1;
	_ =	swait.ge [sflag:s3], $0x1000  }
.LBB2_2:
0x10f: {  	[sflag:s3] =	ssyncset.done $0x0  }
0x110: {  	[sflag:s3] =	ssyncadd.s32 $0xFFFFF000  }
0x111: {  	_ =	sfence.sel $0x180000  }
0x112: {  	[bflag:$0x0] =	sbarrier.arrive $0xFFFF  }
0x113: {  	_ =	strace $0x90000047  }
0x114: {  	s0 =	stileid.u32;
	[bflag:$0x2] =	sbarrier.arrive $0xFFFF  }
0x115: {  	p0 =	sne.s32 s0, $0x0;
	s0 =	rddreg [dreg:$0x1]  }
0x116: {  	s0 =	sadd.s32 @!p0 $0x100000, s0  }
0x117: {  	[sflag:s0] =	ssyncadd.tile.s32 @!p0 $0x1;
	_ =	shalt  }
.Lfunc_end2:
_tile_overlayer_lowered:
.L_overlay_start_2:
0x118: {  	(tag) =	ssettag $0x2  }
0x119: {  	s0 =	rddreg [dreg:$0x0];
	s2 =	stileid.u32  }
0x11a: {  	s1 =	rddreg [dreg:$0x1];
	p0 =	sne.s32 s2, $0x0  }
0x11b: {  	s3 =	rddreg [dreg:$0x2];
	[bflag:$0x3] =	sbarrier.arrive $0xFFFF;
	s2 =	simm.s32 @!p0 $0x1C02  }
0x11c: {  	[timem:s3], [sflag:s2] =	dma.local @!p0 [hbm:s0], s1  }
0x11d: {  	s0 =	simm.s32 @!p0 $0x2  }
0x11e: {  	_ =	swait.ge @!p0 [sflag:s0], s1  }
0x11f: {  	s1 =	ssub.s32 @!p0 $0x0, s1;
	[sflag:s0] =	ssyncset.done @!p0 $0x0  }
0x120: {  	[sflag:s0] =	ssyncadd.s32 @!p0 s1  }
0x121: {  	[bflag:$0x3] =	sbarrier.arrive $0xFFFF  }
0x122: {  	_ =	shalt  }

// kernel: kernel.8.cloned.1.call-start
scs
__scs_entry_jumppad:
0x0: {  	(pc) =	sbr.rel $0x88, $3  }
0x1: {  	(tag) =	ssettag $0x0;
	lr =	simm.s32 $0x1  }
0x2: {  	[smem:$0x3F99] =	sst lr;
	_ =	strace $0xD0000000  }
0x3: {  	_ = 	snop  }
0x4: {  	_ = 	snop  }
0x5: {  	_ = 	snop  }
0x6: {  	_ = 	snop  }
0x7: {  	_ = 	snop  }
__scs_overlays_trampoline_lowered:
0x8: {  	[smem:$0x3FA8] =	sst s0  }
0x9: {  	[smem:$0x3FA9] =	sst s1  }
0xa: {  	[smem:$0x3FAA] =	sst s2  }
0xb: {  	[smem:$0x3FAB] =	sst s3  }
0xc: {  	[smem:$0x3FAC] =	sst s4  }
0xd: {  	[smem:$0x3FAD] =	sst s5  }
0xe: {  	[smem:$0x3FAE] =	sst s6  }
0xf: {  	[smem:$0x3FAF] =	sst s7  }
0x10: {  	[smem:$0x3FB0] =	sst s8  }
0x11: {  	[smem:$0x3FB1] =	sst s9;
	s0 =	simm.s32 @!p0 $0x0  }
0x12: {  	s1 =	sld [smem:$0x3F97];
	s0 =	simm.s32 @p0 $0x1  }
0x13: {  	[smem:$0x3FB2] =	sst s0;
	s0 =	simm.s32 @!p1 $0x0  }
0x14: {  	s2 =	sld [smem:$0x3F96];
	s0 =	simm.s32 @p1 $0x1  }
0x15: {  	[smem:$0x3FB3] =	sst s0;
	s0 =	simm.s32 @!p2 $0x0  }
0x16: {  	s3 =	sld [smem:$0x3FDB];
	s0 =	simm.s32 @p2 $0x1  }
0x17: {  	s4 =	simm.s32 $0x1BF5;
	[smem:$0x3FB5] =	sst s0  }
0x18: {  	s0 =	sld [smem:$0x3F98];
	_ =	swait.ge [sflag:s4], $0x0  }
0x19: {  	s7 =	sld [smem:$0x3F99]  }
0x1a: {  	s8 =	sadd.s32 $0xFFFFE003, lr  }
0x1b: {  	s9 =	sadd.s32 $0xFFFFFEF7, lr;
	s5 =	simm.s32 $0xFFFFFFFF;
	p2 =	slt.u32 s8, $0xFFFFF086  }
0x1c: {  	p1 =	slt.u32 s9, $0xF7A;
	s5 =	simm.s32 @!p2 $0x0  }
0x1d: {  	s5 =	simm.s32 @p1 $0x1;
	p0 =	seq.s32 s7, s2  }
0x1e: {  	s7 =	smul.u32 @!p0 $0xF7A, s2;
	p2 =	seq.s32 @!p0 s5, $0x0  }
0x1f: {  	s9 =	smul.u32 $0xF7A, s1;
	s8 =	simm.s32 @!p0 $0x1BF5;
	p2 =	por !p2, p0  }
0x20: {  	[sflag:s8] =	ssyncset.s32 @!p0 $0xFFFFF086;
	s6 =	sadd.s32 @!p0 s3, s7;
	s7 =	simm.s32 @!p0 $0x108  }
0x21: {  	s3 =	sadd.s32 s3, s9;
	s6 =	sadd.s32 @!p0 $0x88, s6;
	s7 =	simm.s32 @p2 $0x1082  }
0x22: {  	[simem:s7], [sflag:s8] =	dma.local @!p0 [hbm:s6], $0xF7A  }
0x23: {  	s9 =	sor.u32 $0xD0000000, s2;
	s6 =	simm.s32 $0x108;
	_ =	swait.ge @!p0 [sflag:s8], $0x0  }
0x24: {  	s3 =	sadd.s32 $0x88, s3;
	s6 =	simm.s32 @!p1 $0x1082;
	[sflag:s4] =	ssyncset.s32 $0xFFFFF086  }
0x25: {  	[simem:s6], [sflag:s4] =	dma.local [hbm:s3], $0xF7A  }
0x26: {  	[smem:$0x3F99] =	sst s1;
	(tag) =	ssettag s2;
	_ =	strace s9  }
0x27: {  	s1 =	sld [smem:$0x3FA9]  }
0x28: {  	s2 =	sld [smem:$0x3FAA]  }
0x29: {  	s4 =	sld [smem:$0x3FAC]  }
0x2a: {  	p0 =	seq.s32 s5, $0x0;
	s5 =	sld [smem:$0x3FAD]  }
0x2b: {  	s6 =	sld [smem:$0x3FAE]  }
0x2c: {  	s7 =	sld [smem:$0x3FAF]  }
0x2d: {  	s3 =	simm.s32 $0x108;
	s8 =	sld [smem:$0x3FB0]  }
0x2e: {  	s3 =	simm.s32 @!p0 $0x1082;
	s9 =	sld [smem:$0x3FB1]  }
0x2f: {  	lr =	sadd.s32 s0, s3;
	s0 =	sld [smem:$0x3FA8]  }
0x30: {  	s3 =	sld [smem:$0x3FAB]  }
0x31: {  	[smem:$0x3FB4] =	sst s10  }
0x32: {  	s10 =	sld [smem:$0x3FB2];
	_ =	sdelay $0x3  }
0x33: {  	p0 =	seq.s32 s10, $0x1;
	s10 =	sld [smem:$0x3FB4];
	_ =	sdelay $0x3  }
0x34: {  	[smem:$0x3FB4] =	sst s10  }
0x35: {  	s10 =	sld [smem:$0x3FB3];
	_ =	sdelay $0x3  }
0x36: {  	p1 =	seq.s32 s10, $0x1;
	s10 =	sld [smem:$0x3FB4];
	_ =	sdelay $0x3  }
0x37: {  	[smem:$0x3FB4] =	sst s10  }
0x38: {  	s10 =	sld [smem:$0x3FB5]  }
0x39: {  	_ = 	snop;
	(pc) =	sbr.ind lr, $3  }
0x3a: {  	_ = 	snop  }
0x3b: {  	_ = 	snop  }
0x3c: {  	p2 =	seq.s32 s10, $0x1;
	s10 =	sld [smem:$0x3FB4]  }
0x3d: {  	_ =	shalt  }
0x3e: {  	_ =	shalt  }
0x3f: {  	_ =	shalt  }
0x40: {  	_ =	shalt  }
0x41: {  	_ =	shalt  }
0x42: {  	_ =	shalt  }
0x43: {  	_ =	shalt  }
0x44: {  	_ =	shalt  }
0x45: {  	_ =	shalt  }
0x46: {  	_ =	shalt  }
0x47: {  	_ =	shalt  }
0x48: {  	_ =	shalt  }
0x49: {  	_ =	shalt  }
0x4a: {  	_ =	shalt  }
0x4b: {  	_ =	shalt  }
0x4c: {  	_ =	shalt  }
0x4d: {  	_ =	shalt  }
0x4e: {  	_ =	shalt  }
0x4f: {  	_ =	shalt  }
0x50: {  	_ =	shalt  }
0x51: {  	_ =	shalt  }
0x52: {  	_ =	shalt  }
0x53: {  	_ =	shalt  }
0x54: {  	_ =	shalt  }
0x55: {  	_ =	shalt  }
0x56: {  	_ =	shalt  }
0x57: {  	_ =	shalt  }
0x58: {  	_ =	shalt  }
0x59: {  	_ =	shalt  }
0x5a: {  	_ =	shalt  }
0x5b: {  	_ =	shalt  }
0x5c: {  	_ =	shalt  }
0x5d: {  	_ =	shalt  }
0x5e: {  	_ =	shalt  }
0x5f: {  	_ =	shalt  }
0x60: {  	_ =	shalt  }
0x61: {  	_ =	shalt  }
0x62: {  	_ =	shalt  }
0x63: {  	_ =	shalt  }
0x64: {  	_ =	shalt  }
0x65: {  	_ =	shalt  }
0x66: {  	_ =	shalt  }
0x67: {  	_ =	shalt  }
0x68: {  	_ =	shalt  }
0x69: {  	_ =	shalt  }
0x6a: {  	_ =	shalt  }
0x6b: {  	_ =	shalt  }
0x6c: {  	_ =	shalt  }
0x6d: {  	_ =	shalt  }
0x6e: {  	_ =	shalt  }
0x6f: {  	_ =	shalt  }
0x70: {  	_ =	shalt  }
0x71: {  	_ =	shalt  }
0x72: {  	_ =	shalt  }
0x73: {  	_ =	shalt  }
0x74: {  	_ =	shalt  }
0x75: {  	_ =	shalt  }
0x76: {  	_ =	shalt  }
0x77: {  	_ =	shalt  }
0x78: {  	_ =	shalt  }
0x79: {  	_ =	shalt  }
0x7a: {  	_ =	shalt  }
0x7b: {  	_ =	shalt  }
0x7c: {  	_ =	shalt  }
0x7d: {  	_ =	shalt  }
0x7e: {  	_ =	shalt  }
0x7f: {  	_ =	shalt  }
0x80: {  	_ =	shalt  }
0x81: {  	_ =	shalt  }
0x82: {  	_ =	shalt  }
0x83: {  	_ =	shalt  }
0x84: {  	_ =	shalt  }
0x85: {  	_ =	shalt  }
0x86: {  	_ =	shalt  }
0x87: {  	_ =	shalt  }
.Lfunc_end0:
.L_simem_size_0:
called_computation.1_lowered:
.L_overlay_start_0:
0x88: {  	s2 =	sld [smem:$0x3FD9]  }
0x89: {  	s3 =	sld [smem:$0x3FFE];
	_ =	sdelay $0x1  }
0x8a: {  	s1 =	srdreg.scid  }
0x8b: {  	s0 =	sand.u32 $0x1, s1  }
0x8c: {  	s16 =	sshll.u32 s0, $0xA;
	s2 =	sadd.s32 s3, s2  }
0x8d: {  	s2 =	sadd.s32 s2, s16  }
0x8e: {  	[smem:$0x3FC0] =	sst s2  }
0x8f: {  	_ = 	snop  }
0x90: {  	(tm) =	ssettm $0x1  }
0x91: {  	s17 =	sld [smem:$0x3FFB];
	_ =	sdelay $0x3  }
0x92: {  	_ =	strace s17  }
0x93: {  	s2 =	sld [smem:$0x3FFC];
	_ =	sdelay $0x3  }
0x94: {  	_ =	strace s2  }
0x95: {  	s2 =	sld [smem:$0x3FFD];
	_ =	sdelay $0x3  }
0x96: {  	_ =	strace s2  }
0x97: {  	_ =	strace $0x8FFFFFFF  }
0x98: {  	s18 =	sld [smem:$0x3FDB];
	_ =	sdelay $0x1  }
0x99: {  	s19 =	simm.s32 $_scs_section_size  }
0x9a: {  	s4 =	simm.s32 $_size__tile_overlayer_lowered;
	s5 =	simm.s32 $_tile_overlayer_lowered  }
0x9b: {  	s22 =	simm.s32 $0x1BFF;
	s21 =	sshll.u32 s5, $0x1;
	s2 =	sadd.s32 s19, s18  }
0x9c: {  	s6 =	simm.s32 $0x0;
	s20 =	sshll.u32 s4, $0x1;
	s4 =	sadd.s32 s21, s2  }
0x9d: {  	[timem:s6], [sflag:s22] =	dma.local [hbm:s4], s20  }
0x9e: {  	_ =	swait.ge [sflag:s22], s20  }
0x9f: {  	s3 =	ssub.s32 $0x0, s20;
	[sflag:s22] =	ssyncset.done $0x0  }
0xa0: {  	[sflag:s22] =	ssyncadd.s32 s3;
	_ =	sdelay $0x1  }
0xa1: {  	s23 =	simm.s32 $0x1B8B  }
0xa2: {  	_ =	swait.ge [sflag:s23], $0x1  }
0xa3: {  	[sflag:s23] =	ssyncset.done $0x0  }
0xa4: {  	s25 =	simm.s32 $0x1B8E;
	s24 =	sld [smem:$0x3FFE];
	[sflag:s23] =	ssyncadd.s32 $0xFFFFFFFF  }
0xa5: {  	s26 =	simm.s32 $execute0_lowered;
	[smem:$0x3FD2] =	sst s25  }
0xa6: {  	s4 =	sshll.u32 s26, $0x1;
	_ =	strace $0x80000049;
	[dreg:$0x1] =	wrdreg $0xFFFFFFFF  }
0xa7: {  	s28 =	simm.s32 $_size_execute0_lowered;
	s2 =	sadd.s32 s2, s4;
	[dreg:$0x0] =	wrdreg $0x0  }
0xa8: {  	s4 =	sshll.u32 s28, $0x1;
	[dreg:$0x2] =	wrdreg s2  }
0xa9: {  	[dreg:$0x3] =	wrdreg s4  }
0xaa: {  	[dreg:$0x4] =	wrdreg $0xC0  }
0xab: {  	_ =	task [dreg:s6], $0x5FFFF  }
0xac: {  	[dreg:$0x1] =	wrdreg $0xFFFFFFFF  }
0xad: {  	[dreg:$0x0] =	wrdreg $0x60  }
0xae: {  	[dreg:$0x2] =	wrdreg s24  }
0xaf: {  	[dreg:$0x3] =	wrdreg $0x9  }
0xb0: {  	_ =	task.clear_ibuf [dreg:s6], $0x4FFFF;
	_ =	strace $0x90000049  }
0xb1: {  	s29 =	simm.s32 $0x9;
	_ =	strace $0x8000004B  }
0xb2: {  	_ =	swait.ge [sflag:s29], $0x1  }
0xb3: {  	[sflag:s29] =	ssyncadd.s32 $0xFFFFFFFF  }
0xb4: {  	_ =	strace $0x9000004B  }
0xb5: {  	_ =	sfence  }
0xb6: {  	s30 =	sld [smem:$0x0];
	_ =	sdelay $0x2  }
0xb7: {  	s31 =	sshll.u32 s1, $0xD;
	s1 =	sshrl.u32 s1, $0x2  }
0xb8: {  	s3 =	sand.u32 $0x4000, s31;
	s1 =	sadd.s32 s1, s30  }
0xb9: {  	s0 =	sor.u32 s3, s0;
	s1 =	sshll.u32 s1, $0x11  }
0xba: {  	s0 =	sor.u32 s1, s0  }
0xbb: {  	s0 =	sadd.s32 $0x8F2B, s0  }
0xbc: {  	[sflag:s0] =	ssyncadd.remote.s32 $0x1  }
0xbd: {  	_ =	sfence.sel $0xFFFF  }
0xbe: {  	[dreg:$0x0] =	wrdreg $0xFFFFFFFF;
	(pc) =	sbr.abs _section_cstart, $3  }
0xbf: {  	[dreg:$0x1] =	wrdreg $0xFFFFFFFF  }
0xc0: {  	_ =	task.clear_ibuf [dreg:s6], $0x2FFFF;
	_ =	strace $0x9FFFFFFF  }
0xc1: {  	(tm) =	ssettm $0x7FFFFFFF  }
tec
execute0_lowered:
.L_overlay_start_1:
0x0: {  	(tag) =	ssettag $0x1  }
0x1: {  	s0 =	rddreg [dreg:$0x0];
	s1 =	simm.s32 $0x0  }
0x2: {  	s2 =	stileid.u32;
	s5 =	srdreg.scid;
	s29 =	simm.s32 $0x1200  }
0x3: {  	s30 =	simm.s32 $0x5200;
	s10 =	simm.s32 $0x4200;
	s31 =	simm.s32 $0x2200  }
0x4: {  	s11 =	simm.s32 $0x100;
	s12 =	simm.s32 $0x6200;
	s13 =	simm.s32 $0x180  }
0x5: {  	s14 =	simm.s32 $0x3200;
	s15 =	simm.s32 $0x7200;
	s16 =	simm.s32 $0x1  }
0x6: {  	s17 =	simm.s32 $0x8200;
	s18 =	simm.s32 $0xC200;
	s19 =	simm.s32 $0x9200  }
0x7: {  	s20 =	simm.s32 $0xD200;
	s21 =	simm.s32 $0xA200;
	s22 =	simm.s32 $0xE200  }
0x8: {  	s23 =	simm.s32 $0xB200;
	s24 =	simm.s32 $0xF200;
	[smem:$0x7FF] =	sst s1  }
0x9: {  	s28 =	simm.s32 $0x0;
	s3 =	sadd.s32 $0xFE7A00, s0;
	s4 =	sadd.s32 $0x13B8400, s0  }
0xa: {  	s6 =	sshll.u32 s2, $0xD;
	s7 =	sshll.u32 s2, $0x12;
	s5 =	sand.u32 $0x1, s5  }
0xb: {  	_ =	strace $0x8000004A;
	s7 =	sadd.s32 s7, s0;
	[dreg:$0x4] =	wrdreg s29  }
0xc: {  	s8 =	ssub.s32 $0x2, s5;
	s9 =	sshll.u32 s5, $0x11;
	[dreg:$0x5] =	wrdreg s30  }
0xd: {  	s0 =	sadd.s32 s6, s0;
	s5 =	sshll.u32 s5, $0xC;
	[dreg:$0x6] =	wrdreg s31  }
0xe: {  	s25 =	sshrl.u32 s8, $0x1;
	s7 =	sadd.s32 s9, s7;
	s0 =	sadd.s32 s5, s0  }
0xf: {  	s9 =	simm.s32 $0x200;
	s6 =	ssub.s32 s8, s25;
	s26 =	sadd.s32 $0x4A5600, s7  }
0x10: {  	s7 =	sadd.s32 $0xA5600, s7;
	s8 =	simm.s32 $0x80;
	[dreg:$0x2] =	wrdreg s26  }
0x11: {  	s25 =	simm.s32 $0x2;
	s5 =	smax.u32 s6, $0x1;
	[dreg:$0x3] =	wrdreg s7  }
0x12: {  	s6 =	sadd.s32 $0x85640, s0;
	s7 =	simm.s32 $0x4;
	s26 =	simm.s32 $0x3  }
.LBB2_1:
0x13: {  	s0 =	sadd.s32 $0xFFFFFFC0, s6  }
0x14: {  	[tilespmem:s1], [sflag:$0x4] =	stream.linear.gather [hbm4b:s0+s1], $0x200, $0x38;
	[tilespmem:$0x10200] =	vst v63  }
0x15: {  	_ =	swait.ge [sflag:s7], $0x200  }
0x16: {  	p0 =	por $0x1, $0x1;
	[sflag:s7] =	ssyncset.done $0x0  }
0x17: {  	s0 =	simm.s32 @!p0 $0x2;
	[sflag:s7] =	ssyncadd.s32 $0xFFFFFE00  }
0x18: {  	_ =	swait.ge @!p0 [sflag:s0], $0x4000  }
0x19: {  	[sflag:s0] =	ssyncset.done @!p0 $0x0  }
0x1a: {  	[sflag:s0] =	ssyncadd.s32 @!p0 $0xFFFFC000  }
0x1b: {  	_ =	swait.ge @!p0 [sflag:s0], $0x4000  }
0x1c: {  	[sflag:s0] =	ssyncset.done @!p0 $0x0  }
0x1d: {  	[sflag:s0] =	ssyncadd.s32 @!p0 $0xFFFFC000  }
0x1e: {  	[tilespmem:s9], [sflag:$0x1] =	stream.indirect.gather [hbm4b:s3+s8], $0x20, s1, s8, $0xb8;
	[tilespmem:$0x10200] =	vst v63  }
0x1f: {  	_ = 	snop  }
0x20: {  	[tilespmem:s10], [sflag:$0x1] =	stream.indirect.gather [hbm4b:s4+s8], $0x20, s1, s8, $0xb8;
	[tilespmem:$0x10200] =	vst v63  }
0x21: {  	s31 =	rddreg [dreg:$0x4]  }
0x22: {  	[tilespmem:s31], [sflag:$0x1] =	stream.indirect.gather [hbm4b:s3+s8], $0x20, s8, s8, $0xb8;
	[tilespmem:$0x10200] =	vst v63  }
0x23: {  	s29 =	rddreg [dreg:$0x5]  }
0x24: {  	[tilespmem:s29], [sflag:$0x1] =	stream.indirect.gather [hbm4b:s4+s8], $0x20, s8, s8, $0xb8;
	[tilespmem:$0x10200] =	vst v63  }
0x25: {  	s2 =	rddreg [dreg:$0x6]  }
0x26: {  	[tilespmem:s2], [sflag:$0x1] =	stream.indirect.gather [hbm4b:s3+s8], $0x20, s11, s8, $0xb8;
	[tilespmem:$0x10200] =	vst v63  }
0x27: {  	_ = 	snop  }
0x28: {  	[tilespmem:s12], [sflag:$0x1] =	stream.indirect.gather [hbm4b:s4+s8], $0x20, s11, s8, $0xb8;
	[tilespmem:$0x10200] =	vst v63  }
0x29: {  	_ = 	snop  }
0x2a: {  	[tilespmem:s14], [sflag:$0x1] =	stream.indirect.gather [hbm4b:s3+s8], $0x20, s13, s8, $0xb8;
	[tilespmem:$0x10200] =	vst v63  }
0x2b: {  	_ = 	snop  }
0x2c: {  	[tilespmem:s15], [sflag:$0x1] =	stream.indirect.gather [hbm4b:s4+s8], $0x20, s13, s8, $0xb8;
	[tilespmem:$0x10200] =	vst v63  }
0x2d: {  	_ =	swait.ge [sflag:s16], $0x1000  }
0x2e: {  	[sflag:s16] =	ssyncset.done $0x0  }
0x2f: {  	[sflag:s16] =	ssyncadd.s32 $0xFFFFF000  }
0x30: {  	_ =	swait.ge [sflag:s16], $0x1000  }
0x31: {  	[sflag:s16] =	ssyncset.done $0x0  }
0x32: {  	[sflag:s16] =	ssyncadd.s32 $0xFFFFF000  }
0x33: {  	_ =	swait.ge [sflag:s16], $0x1000  }
0x34: {  	[sflag:s16] =	ssyncset.done $0x0  }
0x35: {  	[sflag:s16] =	ssyncadd.s32 $0xFFFFF000  }
0x36: {  	_ =	swait.ge [sflag:s16], $0x1000  }
0x37: {  	[sflag:s16] =	ssyncset.done $0x0  }
0x38: {  	[sflag:s16] =	ssyncadd.s32 $0xFFFFF000  }
0x39: {  	_ =	swait.ge [sflag:s16], $0x1000  }
0x3a: {  	[sflag:s16] =	ssyncset.done $0x0  }
0x3b: {  	[sflag:s16] =	ssyncadd.s32 $0xFFFFF000  }
0x3c: {  	_ =	swait.ge [sflag:s16], $0x1000  }
0x3d: {  	[sflag:s16] =	ssyncset.done $0x0  }
0x3e: {  	[sflag:s16] =	ssyncadd.s32 $0xFFFFF000  }
0x3f: {  	_ =	swait.ge [sflag:s16], $0x1000  }
0x40: {  	[sflag:s16] =	ssyncset.done $0x0  }
0x41: {  	[sflag:s16] =	ssyncadd.s32 $0xFFFFF000  }
0x42: {  	_ =	swait.ge [sflag:s16], $0x1000  }
0x43: {  	s31 =	rddreg [dreg:$0x3];
	[sflag:s16] =	ssyncset.done $0x0  }
0x44: {  	s29 =	rddreg [dreg:$0x2];
	[sflag:s16] =	ssyncadd.s32 $0xFFFFF000;
	s0 =	sadd.s32 $0x0, s31  }
0x45: {  	[hbm4b:s0+s1] =	stream.linear.scatter [tilespmem:s9], [sflag:$0x2], $0x4000, $0x38;
	[tilespmem:$0x10200] =	vst v63  }
0x46: {  	s30 =	sadd.s32 $0x0, s29  }
0x47: {  	[hbm4b:s30+s1] =	stream.linear.scatter [tilespmem:s10], [sflag:$0x2], $0x4000, $0x38;
	[tilespmem:$0x10200] =	vst v63  }
0x48: {  	_ = 	snop  }
0x49: {  	[tilespmem:s1], [sflag:$0x4] =	stream.linear.gather [hbm4b:s6+s1], $0x200, $0x38;
	[tilespmem:$0x10200] =	vst v63  }
0x4a: {  	_ =	swait.ge [sflag:s7], $0x200  }
0x4b: {  	[sflag:s7] =	ssyncset.done $0x0  }
0x4c: {  	s29 =	simm.s32 @!p0 $0x3;
	[sflag:s7] =	ssyncadd.s32 $0xFFFFFE00  }
0x4d: {  	_ =	swait.ge @!p0 [sflag:s29], $0x4000  }
0x4e: {  	[sflag:s29] =	ssyncset.done @!p0 $0x0  }
0x4f: {  	[sflag:s29] =	ssyncadd.s32 @!p0 $0xFFFFC000  }
0x50: {  	_ =	swait.ge @!p0 [sflag:s29], $0x4000  }
0x51: {  	[sflag:s29] =	ssyncset.done @!p0 $0x0  }
0x52: {  	[sflag:s29] =	ssyncadd.s32 @!p0 $0xFFFFC000  }
0x53: {  	[tilespmem:s17], [sflag:$0x1] =	stream.indirect.gather [hbm4b:s3+s8], $0x20, s1, s8, $0xb8;
	[tilespmem:$0x10200] =	vst v63  }
0x54: {  	_ = 	snop  }
0x55: {  	[tilespmem:s18], [sflag:$0x1] =	stream.indirect.gather [hbm4b:s4+s8], $0x20, s1, s8, $0xb8;
	[tilespmem:$0x10200] =	vst v63  }
0x56: {  	_ = 	snop  }
0x57: {  	[tilespmem:s19], [sflag:$0x1] =	stream.indirect.gather [hbm4b:s3+s8], $0x20, s8, s8, $0xb8;
	[tilespmem:$0x10200] =	vst v63  }
0x58: {  	_ = 	snop  }
0x59: {  	[tilespmem:s20], [sflag:$0x1] =	stream.indirect.gather [hbm4b:s4+s8], $0x20, s8, s8, $0xb8;
	[tilespmem:$0x10200] =	vst v63  }
0x5a: {  	_ = 	snop  }
0x5b: {  	[tilespmem:s21], [sflag:$0x1] =	stream.indirect.gather [hbm4b:s3+s8], $0x20, s11, s8, $0xb8;
	[tilespmem:$0x10200] =	vst v63  }
0x5c: {  	_ = 	snop  }
0x5d: {  	[tilespmem:s22], [sflag:$0x1] =	stream.indirect.gather [hbm4b:s4+s8], $0x20, s11, s8, $0xb8;
	[tilespmem:$0x10200] =	vst v63  }
0x5e: {  	_ = 	snop  }
0x5f: {  	[tilespmem:s23], [sflag:$0x1] =	stream.indirect.gather [hbm4b:s3+s8], $0x20, s13, s8, $0xb8;
	[tilespmem:$0x10200] =	vst v63  }
0x60: {  	_ = 	snop  }
0x61: {  	[tilespmem:s24], [sflag:$0x1] =	stream.indirect.gather [hbm4b:s4+s8], $0x20, s13, s8, $0xb8;
	[tilespmem:$0x10200] =	vst v63  }
0x62: {  	_ =	swait.ge [sflag:s16], $0x1000  }
0x63: {  	[sflag:s16] =	ssyncset.done $0x0  }
0x64: {  	[sflag:s16] =	ssyncadd.s32 $0xFFFFF000  }
0x65: {  	_ =	swait.ge [sflag:s16], $0x1000  }
0x66: {  	[sflag:s16] =	ssyncset.done $0x0  }
0x67: {  	[sflag:s16] =	ssyncadd.s32 $0xFFFFF000  }
0x68: {  	_ =	swait.ge [sflag:s16], $0x1000  }
0x69: {  	[sflag:s16] =	ssyncset.done $0x0  }
0x6a: {  	[sflag:s16] =	ssyncadd.s32 $0xFFFFF000  }
0x6b: {  	_ =	swait.ge [sflag:s16], $0x1000  }
0x6c: {  	[sflag:s16] =	ssyncset.done $0x0  }
0x6d: {  	[sflag:s16] =	ssyncadd.s32 $0xFFFFF000  }
0x6e: {  	_ =	swait.ge [sflag:s16], $0x1000  }
0x6f: {  	[sflag:s16] =	ssyncset.done $0x0  }
0x70: {  	[sflag:s16] =	ssyncadd.s32 $0xFFFFF000  }
0x71: {  	_ =	swait.ge [sflag:s16], $0x1000  }
0x72: {  	[sflag:s16] =	ssyncset.done $0x0  }
0x73: {  	[sflag:s16] =	ssyncadd.s32 $0xFFFFF000  }
0x74: {  	_ =	swait.ge [sflag:s16], $0x1000  }
0x75: {  	[sflag:s16] =	ssyncset.done $0x0  }
0x76: {  	[sflag:s16] =	ssyncadd.s32 $0xFFFFF000  }
0x77: {  	_ =	swait.ge [sflag:s16], $0x1000  }
0x78: {  	[sflag:s16] =	ssyncset.done $0x0  }
0x79: {  	s0 =	sadd.s32 $0x800, s0;
	[sflag:s16] =	ssyncadd.s32 $0xFFFFF000  }
0x7a: {  	[hbm4b:s0+s1] =	stream.linear.scatter [tilespmem:s17], [sflag:$0x3], $0x4000, $0x38;
	[tilespmem:$0x10200] =	vst v63  }
0x7b: {  	s29 =	simm.s32 $0x1000;
	s0 =	sadd.s32 $0x800, s30;
	s30 =	sadd.s32 $0x80, s6  }
.LBB2_2:
0x7c: {  	[hbm4b:s0+s1] =	stream.linear.scatter [tilespmem:s18], [sflag:$0x3], $0x4000, $0x38;
	[tilespmem:$0x10200] =	vst v63  }
0x7d: {  	s2 =	sadd.s32 $0xFFFFFFC0, s30  }
0x7e: {  	[tilespmem:s1], [sflag:$0x4] =	stream.linear.gather [hbm4b:s2+s1], $0x200, $0x38;
	[tilespmem:$0x10200] =	vst v63  }
0x7f: {  	s31 =	smov.u32 s29;
	_ =	swait.ge [sflag:s7], $0x200  }
0x80: {  	p1 =	seq.s32 s31, $0x0;
	[sflag:s7] =	ssyncset.done $0x0  }
0x81: {  	s0 =	simm.s32 @!p1 $0x2;
	[sflag:s7] =	ssyncadd.s32 $0xFFFFFE00  }
0x82: {  	_ =	swait.ge @!p1 [sflag:s0], $0x4000  }
0x83: {  	[sflag:s0] =	ssyncset.done @!p1 $0x0  }
0x84: {  	[sflag:s0] =	ssyncadd.s32 @!p1 $0xFFFFC000  }
0x85: {  	_ =	swait.ge @!p1 [sflag:s0], $0x4000  }
0x86: {  	[sflag:s0] =	ssyncset.done @!p1 $0x0  }
0x87: {  	[sflag:s0] =	ssyncadd.s32 @!p1 $0xFFFFC000  }
0x88: {  	[tilespmem:s9], [sflag:$0x1] =	stream.indirect.gather [hbm4b:s3+s8], $0x20, s1, s8, $0xb8;
	[tilespmem:$0x10200] =	vst v63  }
0x89: {  	_ = 	snop  }
0x8a: {  	[tilespmem:s10], [sflag:$0x1] =	stream.indirect.gather [hbm4b:s4+s8], $0x20, s1, s8, $0xb8;
	[tilespmem:$0x10200] =	vst v63  }
0x8b: {  	s0 =	rddreg [dreg:$0x4]  }
0x8c: {  	[tilespmem:s0], [sflag:$0x1] =	stream.indirect.gather [hbm4b:s3+s8], $0x20, s8, s8, $0xb8;
	[tilespmem:$0x10200] =	vst v63  }
0x8d: {  	s2 =	rddreg [dreg:$0x5]  }
0x8e: {  	[tilespmem:s2], [sflag:$0x1] =	stream.indirect.gather [hbm4b:s4+s8], $0x20, s8, s8, $0xb8;
	[tilespmem:$0x10200] =	vst v63  }
0x8f: {  	s0 =	rddreg [dreg:$0x6]  }
0x90: {  	[tilespmem:s0], [sflag:$0x1] =	stream.indirect.gather [hbm4b:s3+s8], $0x20, s11, s8, $0xb8;
	[tilespmem:$0x10200] =	vst v63  }
0x91: {  	_ = 	snop  }
0x92: {  	[tilespmem:s12], [sflag:$0x1] =	stream.indirect.gather [hbm4b:s4+s8], $0x20, s11, s8, $0xb8;
	[tilespmem:$0x10200] =	vst v63  }
0x93: {  	_ = 	snop  }
0x94: {  	[tilespmem:s14], [sflag:$0x1] =	stream.indirect.gather [hbm4b:s3+s8], $0x20, s13, s8, $0xb8;
	[tilespmem:$0x10200] =	vst v63  }
0x95: {  	_ = 	snop  }
0x96: {  	[tilespmem:s15], [sflag:$0x1] =	stream.indirect.gather [hbm4b:s4+s8], $0x20, s13, s8, $0xb8;
	[tilespmem:$0x10200] =	vst v63  }
0x97: {  	_ =	swait.ge [sflag:s16], $0x1000  }
0x98: {  	[sflag:s16] =	ssyncset.done $0x0  }
0x99: {  	[sflag:s16] =	ssyncadd.s32 $0xFFFFF000  }
0x9a: {  	_ =	swait.ge [sflag:s16], $0x1000  }
0x9b: {  	[sflag:s16] =	ssyncset.done $0x0  }
0x9c: {  	[sflag:s16] =	ssyncadd.s32 $0xFFFFF000  }
0x9d: {  	_ =	swait.ge [sflag:s16], $0x1000  }
0x9e: {  	[sflag:s16] =	ssyncset.done $0x0  }
0x9f: {  	[sflag:s16] =	ssyncadd.s32 $0xFFFFF000  }
0xa0: {  	_ =	swait.ge [sflag:s16], $0x1000  }
0xa1: {  	[sflag:s16] =	ssyncset.done $0x0  }
0xa2: {  	[sflag:s16] =	ssyncadd.s32 $0xFFFFF000  }
0xa3: {  	_ =	swait.ge [sflag:s16], $0x1000  }
0xa4: {  	[sflag:s16] =	ssyncset.done $0x0  }
0xa5: {  	[sflag:s16] =	ssyncadd.s32 $0xFFFFF000  }
0xa6: {  	_ =	swait.ge [sflag:s16], $0x1000  }
0xa7: {  	[sflag:s16] =	ssyncset.done $0x0  }
0xa8: {  	[sflag:s16] =	ssyncadd.s32 $0xFFFFF000  }
0xa9: {  	_ =	swait.ge [sflag:s16], $0x1000  }
0xaa: {  	[sflag:s16] =	ssyncset.done $0x0  }
0xab: {  	[sflag:s16] =	ssyncadd.s32 $0xFFFFF000  }
0xac: {  	_ =	swait.ge [sflag:s16], $0x1000  }
0xad: {  	s0 =	rddreg [dreg:$0x3];
	[sflag:s16] =	ssyncset.done $0x0  }
0xae: {  	s2 =	rddreg [dreg:$0x2];
	[sflag:s16] =	ssyncadd.s32 $0xFFFFF000;
	s0 =	sadd.s32 s31, s0  }
0xaf: {  	[hbm4b:s0+s1] =	stream.linear.scatter [tilespmem:s9], [sflag:$0x2], $0x4000, $0x38;
	[tilespmem:$0x10200] =	vst v63  }
0xb0: {  	s31 =	sadd.s32 s31, s2  }
0xb1: {  	[hbm4b:s31+s1] =	stream.linear.scatter [tilespmem:s10], [sflag:$0x2], $0x4000, $0x38;
	[tilespmem:$0x10200] =	vst v63  }
0xb2: {  	_ = 	snop  }
0xb3: {  	[tilespmem:s1], [sflag:$0x4] =	stream.linear.gather [hbm4b:s30+s1], $0x200, $0x38;
	[tilespmem:$0x10200] =	vst v63  }
0xb4: {  	_ =	swait.ge [sflag:s7], $0x200  }
0xb5: {  	[sflag:s7] =	ssyncset.done $0x0  }
0xb6: {  	s2 =	simm.s32 @!p1 $0x3;
	[sflag:s7] =	ssyncadd.s32 $0xFFFFFE00  }
0xb7: {  	_ =	swait.ge @!p1 [sflag:s2], $0x4000  }
0xb8: {  	[sflag:s2] =	ssyncset.done @!p1 $0x0  }
0xb9: {  	[sflag:s2] =	ssyncadd.s32 @!p1 $0xFFFFC000  }
0xba: {  	_ =	swait.ge @!p1 [sflag:s2], $0x4000  }
0xbb: {  	[sflag:s2] =	ssyncset.done @!p1 $0x0  }
0xbc: {  	[sflag:s2] =	ssyncadd.s32 @!p1 $0xFFFFC000  }
0xbd: {  	[tilespmem:s17], [sflag:$0x1] =	stream.indirect.gather [hbm4b:s3+s8], $0x20, s1, s8, $0xb8;
	[tilespmem:$0x10200] =	vst v63  }
0xbe: {  	_ = 	snop  }
0xbf: {  	[tilespmem:s18], [sflag:$0x1] =	stream.indirect.gather [hbm4b:s4+s8], $0x20, s1, s8, $0xb8;
	[tilespmem:$0x10200] =	vst v63  }
0xc0: {  	_ = 	snop  }
0xc1: {  	[tilespmem:s19], [sflag:$0x1] =	stream.indirect.gather [hbm4b:s3+s8], $0x20, s8, s8, $0xb8;
	[tilespmem:$0x10200] =	vst v63  }
0xc2: {  	_ = 	snop  }
0xc3: {  	[tilespmem:s20], [sflag:$0x1] =	stream.indirect.gather [hbm4b:s4+s8], $0x20, s8, s8, $0xb8;
	[tilespmem:$0x10200] =	vst v63  }
0xc4: {  	_ = 	snop  }
0xc5: {  	[tilespmem:s21], [sflag:$0x1] =	stream.indirect.gather [hbm4b:s3+s8], $0x20, s11, s8, $0xb8;
	[tilespmem:$0x10200] =	vst v63  }
0xc6: {  	_ = 	snop  }
0xc7: {  	[tilespmem:s22], [sflag:$0x1] =	stream.indirect.gather [hbm4b:s4+s8], $0x20, s11, s8, $0xb8;
	[tilespmem:$0x10200] =	vst v63  }
0xc8: {  	_ = 	snop  }
0xc9: {  	[tilespmem:s23], [sflag:$0x1] =	stream.indirect.gather [hbm4b:s3+s8], $0x20, s13, s8, $0xb8;
	[tilespmem:$0x10200] =	vst v63  }
0xca: {  	_ = 	snop  }
0xcb: {  	[tilespmem:s24], [sflag:$0x1] =	stream.indirect.gather [hbm4b:s4+s8], $0x20, s13, s8, $0xb8;
	[tilespmem:$0x10200] =	vst v63  }
0xcc: {  	_ =	swait.ge [sflag:s16], $0x1000  }
0xcd: {  	[sflag:s16] =	ssyncset.done $0x0  }
0xce: {  	[sflag:s16] =	ssyncadd.s32 $0xFFFFF000  }
0xcf: {  	_ =	swait.ge [sflag:s16], $0x1000  }
0xd0: {  	[sflag:s16] =	ssyncset.done $0x0  }
0xd1: {  	[sflag:s16] =	ssyncadd.s32 $0xFFFFF000  }
0xd2: {  	_ =	swait.ge [sflag:s16], $0x1000  }
0xd3: {  	[sflag:s16] =	ssyncset.done $0x0  }
0xd4: {  	[sflag:s16] =	ssyncadd.s32 $0xFFFFF000  }
0xd5: {  	_ =	swait.ge [sflag:s16], $0x1000  }
0xd6: {  	[sflag:s16] =	ssyncset.done $0x0  }
0xd7: {  	[sflag:s16] =	ssyncadd.s32 $0xFFFFF000  }
0xd8: {  	_ =	swait.ge [sflag:s16], $0x1000  }
0xd9: {  	[sflag:s16] =	ssyncset.done $0x0  }
0xda: {  	[sflag:s16] =	ssyncadd.s32 $0xFFFFF000  }
0xdb: {  	_ =	swait.ge [sflag:s16], $0x1000  }
0xdc: {  	[sflag:s16] =	ssyncset.done $0x0  }
0xdd: {  	[sflag:s16] =	ssyncadd.s32 $0xFFFFF000  }
0xde: {  	_ =	swait.ge [sflag:s16], $0x1000  }
0xdf: {  	s29 =	sadd.s32 $0x1000, s29;
	[sflag:s16] =	ssyncset.done $0x0  }
0xe0: {  	p0 =	sne.s32 s29, $0x20000;
	[sflag:s16] =	ssyncadd.s32 $0xFFFFF000  }
.Ltmp0:
0xe1: {  	_ =	swait.ge [sflag:s16], $0x1000;
	(pc) =	sbr.rel @p0 .LBB2_2-.Ltmp0, $4  }
0xe2: {  	[sflag:s16] =	ssyncset.done $0x0  }
0xe3: {  	s0 =	sadd.s32 $0x800, s0;
	[sflag:s16] =	ssyncadd.s32 $0xFFFFF000  }
0xe4: {  	[hbm4b:s0+s1] =	stream.linear.scatter [tilespmem:s17], [sflag:$0x3], $0x4000, $0x38;
	[tilespmem:$0x10200] =	vst v63  }
0xe5: {  	s30 =	sadd.s32 $0x80, s30;
	s0 =	sadd.s32 $0x800, s31  }
0xe6: {  	[hbm4b:s0+s1] =	stream.linear.scatter [tilespmem:s18], [sflag:$0x3], $0x4000, $0x38;
	[tilespmem:$0x10200] =	vst v63  }
0xe7: {  	_ =	swait.ge [sflag:s25], $0x4000  }
0xe8: {  	[sflag:s25] =	ssyncset.done $0x0  }
0xe9: {  	[sflag:s25] =	ssyncadd.s32 $0xFFFFC000  }
0xea: {  	_ =	swait.ge [sflag:s25], $0x4000  }
0xeb: {  	[sflag:s25] =	ssyncset.done $0x0  }
0xec: {  	s28 =	sadd.s32 $0x1, s28;
	[sflag:s25] =	ssyncadd.s32 $0xFFFFC000  }
0xed: {  	p0 =	sne.s32 s28, s5;
	_ =	swait.ge [sflag:s26], $0x4000  }
.Ltmp1:
0xee: {  	[sflag:s26] =	ssyncset.done $0x0;
	(pc) =	sbr.rel @p0 .LBB2_1-.Ltmp1, $4  }
0xef: {  	[sflag:s26] =	ssyncadd.s32 $0xFFFFC000  }
0xf0: {  	_ =	swait.ge [sflag:s26], $0x4000  }
0xf1: {  	[sflag:s26] =	ssyncset.done $0x0  }
0xf2: {  	[sflag:s26] =	ssyncadd.s32 $0xFFFFC000  }
0xf3: {  	_ =	sfence.sel $0x180000  }
0xf4: {  	[bflag:$0x0] =	sbarrier.arrive $0xFFFF  }
0xf5: {  	_ =	strace $0x9000004A  }
0xf6: {  	s0 =	stileid.u32;
	[bflag:$0x2] =	sbarrier.arrive $0xFFFF  }
0xf7: {  	p0 =	sne.s32 s0, $0x0;
	s0 =	rddreg [dreg:$0x1]  }
0xf8: {  	s0 =	sadd.s32 @!p0 $0x100000, s0  }
0xf9: {  	[sflag:s0] =	ssyncadd.tile.s32 @!p0 $0x1;
	_ =	shalt  }
.Lfunc_end2:
_tile_overlayer_lowered:
.L_overlay_start_2:
0xfa: {  	(tag) =	ssettag $0x2  }
0xfb: {  	s0 =	rddreg [dreg:$0x0];
	s2 =	stileid.u32  }
0xfc: {  	s1 =	rddreg [dreg:$0x1];
	p0 =	sne.s32 s2, $0x0  }
0xfd: {  	s3 =	rddreg [dreg:$0x2];
	[bflag:$0x3] =	sbarrier.arrive $0xFFFF;
	s2 =	simm.s32 @!p0 $0x1C04  }
0xfe: {  	[timem:s3], [sflag:s2] =	dma.local @!p0 [hbm:s0], s1  }
0xff: {  	s0 =	simm.s32 @!p0 $0x4  }
0x100: {  	_ =	swait.ge @!p0 [sflag:s0], s1  }
0x101: {  	s1 =	ssub.s32 @!p0 $0x0, s1;
	[sflag:s0] =	ssyncset.done @!p0 $0x0  }
0x102: {  	[sflag:s0] =	ssyncadd.s32 @!p0 s1  }
0x103: {  	[bflag:$0x3] =	sbarrier.arrive $0xFFFF  }
0x104: {  	_ =	shalt  }

</sc_bundles>
